<compile_context>
chip_gen: v7x
topology: tpu7x:2x2x1
jax: 0.10.2.dev20260603
libtpu: 0.0.44.dev20260713+nightly
codegen_flags: <defaults>
</compile_context>

<pallas_src>
import functools

import jax
import jax.numpy as jnp
from jax import lax
from jax.experimental import pallas as pl
from jax.experimental.pallas import tpu as pltpu
from jax.experimental.pallas import tpu_sc as plsc

_VOCAB = 100000
_D = 50
_DP = 128
_SL = 56
_BATCH = 16384
_B = _BATCH * _D

_info = plsc.get_sparse_core_info()
_NC, _NS = _info.num_cores, _info.num_subcores
_NW = _NC * _NS
_BPW = _B // _NW
_RPW = _BPW // _D
_RH = _RPW // 2
_NB = 4
_G = _NB * _D
_NG = _BPW // _G
_NBUF = 3
_NGM = (_NG // _NBUF) * _NBUF
_L = 16

_mesh = plsc.VectorSubcoreMesh(core_axis_name="c", subcore_axis_name="s")


@functools.partial(
    pl.kernel,
    out_type=jax.ShapeDtypeStruct((_BATCH, _SL, _DP), jnp.float32),
    mesh=_mesh,
    scratch_types=[
        pltpu.VMEM((_RH, _D), jnp.int32),
        pltpu.VMEM((_NG, _G), jnp.int32),
        pltpu.VMEM((_NBUF, _G, _DP), jnp.float32),
        pltpu.SemaphoreType.DMA,
        pltpu.SemaphoreType.DMA,
        pltpu.SemaphoreType.DMA,
        pltpu.SemaphoreType.DMA,
        pltpu.SemaphoreType.DMA,
        pltpu.SemaphoreType.DMA,
    ],
    compiler_params=pltpu.CompilerParams(
        use_tc_tiling_on_sc=False, needs_layout_passes=False
    ),
)
def _gather(idx_hbm, table_hbm, out_hbm, idx_raw, idx_c, gbuf,
            gsem0, gsem1, gsem2, osem0, osem1, osem2):
    wid = lax.axis_index("s") * _NC + lax.axis_index("c")
    ebase = wid * _RPW
    gsems = (gsem0, gsem1, gsem2)
    osems = (osem0, osem1, osem2)

    lane = lax.iota(jnp.int32, _L)
    half_ids = _RH * _D

    for h in range(2):
        pltpu.sync_copy(idx_hbm.at[pl.ds(ebase + h * _RH, _RH)], idx_raw)

        def compact_idx(k, carry):
            e = k * _L + lane
            vals = plsc.load_gather(idx_raw, [e // _D, e % _D])
            p = h * half_ids + k * _L
            idx_c[p // _G, pl.ds(p % _G, _L)] = vals
            return carry

        lax.fori_loop(0, half_ids // _L, compact_idx, 0)

    def out_copies(buf, j, fn):
        for m in range(_NB):
            fn(
                gbuf.at[buf].at[pl.ds(m * _D, _D)],
                out_hbm.at[ebase + j * _NB + m, pl.ds(0, _D)],
                osems[buf],
            )

    def fire_gather(j, buf):
        pltpu.async_copy(table_hbm.at[idx_c.at[j]], gbuf.at[buf], gsems[buf])

    def wait_gather(j, buf):
        pltpu.make_async_copy(
            table_hbm.at[idx_c.at[j]], gbuf.at[buf], gsems[buf]
        ).wait()

    fire_gather(0, 0)
    fire_gather(1, 1)

    def outer(j3, carry):
        for b in range(_NBUF):
            j = j3 * _NBUF + b
            nb = (b + 2) % _NBUF

            @pl.when(j + 2 < _NG)
            def _fire():
                @pl.when(j >= 1)
                def _drain():
                    out_copies(
                        nb, j - 1,
                        lambda s, d, sem: pltpu.make_async_copy(s, d, sem).wait(),
                    )

                fire_gather(j + 2, nb)

            wait_gather(j, b)
            out_copies(b, j, pltpu.async_copy)
        return carry

    lax.fori_loop(0, _NGM // _NBUF, outer, 0)

    for j in range(_NGM, _NG):
        b = j % _NBUF
        wait_gather(j, b)
        out_copies(b, j, pltpu.async_copy)
    for j in range(_NG - _NBUF, _NG):
        out_copies(j % _NBUF, j,
                   lambda s, d, sem: pltpu.make_async_copy(s, d, sem).wait())


def kernel(indices, table):
    table_p = jnp.pad(table, ((0, 0), (0, _DP - _D)))
    out = _gather(indices.astype(jnp.int32), table_p)
    return out[:, :_D, :_D]

# --- scband reference (transcript-rebuilt; emitter-appended) ---
"""Pipeline reference for scband-glove-embedding-80221399155049 (READ-ONLY COPY).

The authoritative reference and input builder live on the scoring server;
editing this copy changes nothing except your own understanding.
"""

import jax, jax.numpy as jnp
import numpy as np

VOCAB = 100000
EMBED_DIM = 50
BATCH = 16384
HIST = 50

def setup_inputs(seed: int = 0) -> dict:
    key = jax.random.key(seed)
    k1, k2 = jax.random.split(key)
    indices = jax.random.randint(k1, (BATCH, HIST), 0, VOCAB, dtype=jnp.int64 if jax.config.jax_enable_x64 else jnp.int32)
    # GloVe table: vocab rows of 50-dim vectors (last row acts as 'UNK' random vector,
    # matching glove_dict['UNK'] = [np.random.random() for i in range(50)])
    table = jax.random.uniform(k2, (VOCAB, EMBED_DIM), dtype=jnp.float32)
    return {"indices": indices, "table": table}

def reference(indices, table):
    # Faithful tensorized translation of the dict-based GloVe lookup:
    # each token id maps to its pre-trained 50-dim GloVe vector (row gather).
    return jnp.take(table, indices, axis=0)

if __name__ == "__main__":
    import jax
    _d = setup_inputs()
    print(jax.jit(kernel)(*tuple(_d.values())))

</pallas_src>

<mosaic_0001>
#map = affine_map<(d0, d1) -> (0, 0)>
#map1 = affine_map<(d0, d1) -> (0, 0, 0)>
module attributes {stable_mosaic.version = 14 : i64} {
  func.func @_gather(%arg0: i32, %arg1: i32, %arg2: memref<16384x50xi32, #tpu.memory_space<hbm>>, %arg3: memref<100000x128xf32, #tpu.memory_space<hbm>>, %arg4: memref<16384x56x128xf32, #tpu.memory_space<hbm>>, %arg5: memref<256x50xi32, #tpu.memory_space<vmem>>, %arg6: memref<128x200xi32, #tpu.memory_space<vmem>>, %arg7: memref<3x200x128xf32, #tpu.memory_space<vmem>>, %arg8: memref<!tpu.dma_semaphore, #tpu.memory_space<semaphore_mem>>, %arg9: memref<!tpu.dma_semaphore, #tpu.memory_space<semaphore_mem>>, %arg10: memref<!tpu.dma_semaphore, #tpu.memory_space<semaphore_mem>>, %arg11: memref<!tpu.dma_semaphore, #tpu.memory_space<semaphore_mem>>, %arg12: memref<!tpu.dma_semaphore, #tpu.memory_space<semaphore_mem>>, %arg13: memref<!tpu.dma_semaphore, #tpu.memory_space<semaphore_mem>>) attributes {dimension_semantics = [#tpu.dimension_semantics<core_parallel>, #tpu.dimension_semantics<subcore_parallel>], iteration_bounds = array<i64: 2, 16>, scalar_prefetch = 0 : i64, scratch_operands = 9 : i64, tpu.core_type = #tpu.core_type<sc_vector_subcore>, window_params = [{transform_indices = #map}, {transform_indices = #map}, {transform_indices = #map1}]} {
    %mul3A = arith.constant 2 : i32
    %mul3A_0 = arith.muli %arg1, %mul3A : i32
    %add3A = arith.addi %mul3A_0, %arg0 : i32
    %mul3A_1 = arith.constant 512 : i32
    %mul3A_2 = arith.muli %add3A, %mul3A_1 : i32
    %iota3A = tpu.iota {dimensions = array<i32: 0>} : vector<16xi32>
    %add3A_3 = arith.constant 0 : i32
    %add3A_4 = arith.addi %mul3A_2, %add3A_3 : i32
    "tpu.region"() ({
      %run_scoped3A = tpu.sem_alloc : memref<!tpu.dma_semaphore, #tpu.memory_space<semaphore_mem>>
      %dma_start3A_610 = arith.constant 0 : i32
      %dma_start3A_611 = tpu.memref_slice %arg2[%add3A_4, %dma_start3A_610] : memref<16384x50xi32, #tpu.memory_space<hbm>> -> memref<256x50xi32, #tpu.memory_space<hbm>>
      %dma_start3A_612 = arith.constant 0 : i32
      %dma_start3A_613 = tpu.memref_slice %arg2[%add3A_4, %dma_start3A_612] : memref<16384x50xi32, #tpu.memory_space<hbm>> -> memref<256x50xi32, #tpu.memory_space<hbm>>
      tpu.enqueue_dma source(%dma_start3A_613 : memref<256x50xi32, #tpu.memory_space<hbm>>) target(%arg5 : memref<256x50xi32, #tpu.memory_space<vmem>>) target_semaphore(%run_scoped3A : memref<!tpu.dma_semaphore, #tpu.memory_space<semaphore_mem>>)
      %dma_wait3A_614 = arith.constant 0 : i32
      %dma_wait3A_615 = tpu.memref_slice %arg2[%add3A_4, %dma_wait3A_614] : memref<16384x50xi32, #tpu.memory_space<hbm>> -> memref<256x50xi32, #tpu.memory_space<hbm>>
      %dma_wait3A_616 = arith.constant 0 : i32
      %dma_wait3A_617 = tpu.memref_slice %arg2[%add3A_4, %dma_wait3A_616] : memref<16384x50xi32, #tpu.memory_space<hbm>> -> memref<256x50xi32, #tpu.memory_space<hbm>>
      tpu.wait_dma2 semaphore(%run_scoped3A : memref<!tpu.dma_semaphore, #tpu.memory_space<semaphore_mem>>) src(%dma_wait3A_617 : memref<256x50xi32, #tpu.memory_space<hbm>>) dst(%arg5 : memref<256x50xi32, #tpu.memory_space<vmem>>)
      tpu.yield
    }) : () -> ()
    %scan3A = arith.constant 0 : i32
    %scan3A_5 = arith.constant 0 : i32
    %scan3A_6 = arith.constant 800 : i32
    %scan3A_7 = arith.addi %scan3A_5, %scan3A_6 : i32
    %scan3A_8 = arith.constant 1 : i32
    scf.for %scan3A_610 = %scan3A_5 to %scan3A_7 step %scan3A_8  : i32 {
      %mul3A_611 = arith.constant 16 : i32
      %mul3A_612 = arith.muli %scan3A_610, %mul3A_611 : i32
      %add3A_613 = vector.broadcast %mul3A_612 : i32 to vector<16xi32>
      %add3A_614 = arith.addi %add3A_613, %iota3A : vector<16xi32>
      %jit3A = arith.constant 50 : i32
      %div3A = vector.broadcast %jit3A : i32 to vector<16xi32>
      %div3A_615 = arith.divsi %add3A_614, %div3A : vector<16xi32>
      %sign3A = arith.constant 0 : i32
      %sign3A_616 = vector.broadcast %sign3A : i32 to vector<16xi32>
      %sign3A_617 = arith.cmpi sgt, %add3A_614, %sign3A_616 : vector<16xi32>
      %sign3A_618 = arith.extui %sign3A_617 : vector<16xi1> to vector<16xi32>
      %sign3A_619 = arith.constant 0 : i32
      %sign3A_620 = vector.broadcast %sign3A_619 : i32 to vector<16xi32>
      %sign3A_621 = arith.cmpi slt, %add3A_614, %sign3A_620 : vector<16xi32>
      %sign3A_622 = arith.extui %sign3A_621 : vector<16xi1> to vector<16xi32>
      %sign3A_623 = arith.subi %sign3A_618, %sign3A_622 : vector<16xi32>
      %sign3A_624 = arith.constant 0 : i32
      %sign3A_625 = arith.cmpi sgt, %jit3A, %sign3A_624 : i32
      %sign3A_626 = arith.extui %sign3A_625 : i1 to i32
      %sign3A_627 = arith.constant 0 : i32
      %sign3A_628 = arith.cmpi slt, %jit3A, %sign3A_627 : i32
      %sign3A_629 = arith.extui %sign3A_628 : i1 to i32
      %sign3A_630 = arith.subi %sign3A_626, %sign3A_629 : i32
      %ne3A = vector.broadcast %sign3A_630 : i32 to vector<16xi32>
      %ne3A_631 = arith.cmpi ne, %sign3A_623, %ne3A : vector<16xi32>
      %rem3A = vector.broadcast %jit3A : i32 to vector<16xi32>
      %rem3A_632 = arith.remsi %add3A_614, %rem3A : vector<16xi32>
      %ne3A_633 = arith.constant 0 : i32
      %ne3A_634 = vector.broadcast %ne3A_633 : i32 to vector<16xi32>
      %ne3A_635 = arith.cmpi ne, %rem3A_632, %ne3A_634 : vector<16xi32>
      %and3A = arith.andi %ne3A_631, %ne3A_635 : vector<16xi1>
      %sub3A = arith.constant 1 : i32
      %sub3A_636 = vector.broadcast %sub3A : i32 to vector<16xi32>
      %sub3A_637 = arith.subi %div3A_615, %sub3A_636 : vector<16xi32>
      %select_n3A = arith.select %and3A, %sub3A_637, %div3A_615 : vector<16xi1>, vector<16xi32>
      %jit3A_638 = arith.constant 50 : i32
      %eq3A = arith.constant 0 : i32
      %eq3A_639 = arith.cmpi eq, %jit3A_638, %eq3A : i32
      %jit3A_640 = arith.constant 1 : i32
      %select_n3A_641 = arith.select %eq3A_639, %jit3A_640, %jit3A_638 : i32
      %rem3A_642 = vector.broadcast %select_n3A_641 : i32 to vector<16xi32>
      %rem3A_643 = arith.remsi %add3A_614, %rem3A_642 : vector<16xi32>
      %ne3A_644 = arith.constant 0 : i32
      %ne3A_645 = vector.broadcast %ne3A_644 : i32 to vector<16xi32>
      %ne3A_646 = arith.cmpi ne, %rem3A_643, %ne3A_645 : vector<16xi32>
      %lt3A = arith.constant 0 : i32
      %lt3A_647 = vector.broadcast %lt3A : i32 to vector<16xi32>
      %lt3A_648 = arith.cmpi slt, %rem3A_643, %lt3A_647 : vector<16xi32>
      %lt3A_649 = arith.constant 0 : i32
      %lt3A_650 = arith.cmpi slt, %select_n3A_641, %lt3A_649 : i32
      %ne3A_651 = vector.broadcast %lt3A_650 : i1 to vector<16xi1>
      %ne3A_652 = vector.broadcast %ne3A_651 : vector<16xi1> to vector<16xi1>
      %ne3A_653 = arith.xori %lt3A_648, %ne3A_652 : vector<16xi1>
      %and3A_654 = arith.andi %ne3A_653, %ne3A_646 : vector<16xi1>
      %add3A_655 = vector.broadcast %select_n3A_641 : i32 to vector<16xi32>
      %add3A_656 = arith.addi %rem3A_643, %add3A_655 : vector<16xi32>
      %select_n3A_657 = arith.select %and3A_654, %add3A_656, %rem3A_643 : vector<16xi1>, vector<16xi32>
      %gather3A = tpu.vector_load_idx %arg5[%select_n3A, %select_n3A_657] : memref<256x50xi32, #tpu.memory_space<vmem>>[vector<16xi32>, vector<16xi32>], vector<16xi32>,
      %mul3A_658 = arith.constant 16 : i32
      %mul3A_659 = arith.muli %scan3A_610, %mul3A_658 : i32
      %add3A_660 = arith.constant 0 : i32
      %add3A_661 = arith.addi %add3A_660, %mul3A_659 : i32
      %jit3A_662 = arith.constant 200 : i32
      %div3A_663 = arith.divsi %add3A_661, %jit3A_662 : i32
      %sign3A_664 = arith.constant 0 : i32
      %sign3A_665 = arith.cmpi sgt, %add3A_661, %sign3A_664 : i32
      %sign3A_666 = arith.extui %sign3A_665 : i1 to i32
      %sign3A_667 = arith.constant 0 : i32
      %sign3A_668 = arith.cmpi slt, %add3A_661, %sign3A_667 : i32
      %sign3A_669 = arith.extui %sign3A_668 : i1 to i32
      %sign3A_670 = arith.subi %sign3A_666, %sign3A_669 : i32
      %sign3A_671 = arith.constant 0 : i32
      %sign3A_672 = arith.cmpi sgt, %jit3A_662, %sign3A_671 : i32
      %sign3A_673 = arith.extui %sign3A_672 : i1 to i32
      %sign3A_674 = arith.constant 0 : i32
      %sign3A_675 = arith.cmpi slt, %jit3A_662, %sign3A_674 : i32
      %sign3A_676 = arith.extui %sign3A_675 : i1 to i32
      %sign3A_677 = arith.subi %sign3A_673, %sign3A_676 : i32
      %ne3A_678 = arith.cmpi ne, %sign3A_670, %sign3A_677 : i32
      %rem3A_679 = arith.remsi %add3A_661, %jit3A_662 : i32
      %ne3A_680 = arith.constant 0 : i32
      %ne3A_681 = arith.cmpi ne, %rem3A_679, %ne3A_680 : i32
      %and3A_682 = arith.andi %ne3A_678, %ne3A_681 : i1
      %sub3A_683 = arith.constant 1 : i32
      %sub3A_684 = arith.subi %div3A_663, %sub3A_683 : i32
      %select_n3A_685 = arith.select %and3A_682, %sub3A_684, %div3A_663 : i32
      %jit3A_686 = arith.constant 200 : i32
      %eq3A_687 = arith.constant 0 : i32
      %eq3A_688 = arith.cmpi eq, %jit3A_686, %eq3A_687 : i32
      %jit3A_689 = arith.constant 1 : i32
      %select_n3A_690 = arith.select %eq3A_688, %jit3A_689, %jit3A_686 : i32
      %rem3A_691 = arith.remsi %add3A_661, %select_n3A_690 : i32
      %ne3A_692 = arith.constant 0 : i32
      %ne3A_693 = arith.cmpi ne, %rem3A_691, %ne3A_692 : i32
      %lt3A_694 = arith.constant 0 : i32
      %lt3A_695 = arith.cmpi slt, %rem3A_691, %lt3A_694 : i32
      %lt3A_696 = arith.constant 0 : i32
      %lt3A_697 = arith.cmpi slt, %select_n3A_690, %lt3A_696 : i32
      %ne3A_698 = arith.xori %lt3A_695, %lt3A_697 : i1
      %and3A_699 = arith.andi %ne3A_698, %ne3A_693 : i1
      %add3A_700 = arith.addi %rem3A_691, %select_n3A_690 : i32
      %select_n3A_701 = arith.select %and3A_699, %add3A_700, %rem3A_691 : i32
      %swap3A = arith.index_cast %select_n3A_685 : i32 to index
      %swap3A_702 = arith.index_cast %select_n3A_701 : i32 to index
      %swap3A_703 = tpu.vector_load %arg6[%swap3A, %swap3A_702] {strides = array<i32>} : memref<128x200xi32, #tpu.memory_space<vmem>>, vector<16xi32>,
      tpu.vector_store %arg6[%swap3A, %swap3A_702], %gather3A {strides = array<i32>} : memref<128x200xi32, #tpu.memory_space<vmem>>, vector<16xi32>,
    }
    %scan3A_9 = arith.constant 800 : i32
    %add3A_10 = arith.constant 256 : i32
    %add3A_11 = arith.addi %mul3A_2, %add3A_10 : i32
    "tpu.region"() ({
      %run_scoped3A = tpu.sem_alloc : memref<!tpu.dma_semaphore, #tpu.memory_space<semaphore_mem>>
      %dma_start3A_610 = arith.constant 0 : i32
      %dma_start3A_611 = tpu.memref_slice %arg2[%add3A_11, %dma_start3A_610] : memref<16384x50xi32, #tpu.memory_space<hbm>> -> memref<256x50xi32, #tpu.memory_space<hbm>>
      %dma_start3A_612 = arith.constant 0 : i32
      %dma_start3A_613 = tpu.memref_slice %arg2[%add3A_11, %dma_start3A_612] : memref<16384x50xi32, #tpu.memory_space<hbm>> -> memref<256x50xi32, #tpu.memory_space<hbm>>
      tpu.enqueue_dma source(%dma_start3A_613 : memref<256x50xi32, #tpu.memory_space<hbm>>) target(%arg5 : memref<256x50xi32, #tpu.memory_space<vmem>>) target_semaphore(%run_scoped3A : memref<!tpu.dma_semaphore, #tpu.memory_space<semaphore_mem>>)
      %dma_wait3A_614 = arith.constant 0 : i32
      %dma_wait3A_615 = tpu.memref_slice %arg2[%add3A_11, %dma_wait3A_614] : memref<16384x50xi32, #tpu.memory_space<hbm>> -> memref<256x50xi32, #tpu.memory_space<hbm>>
      %dma_wait3A_616 = arith.constant 0 : i32
      %dma_wait3A_617 = tpu.memref_slice %arg2[%add3A_11, %dma_wait3A_616] : memref<16384x50xi32, #tpu.memory_space<hbm>> -> memref<256x50xi32, #tpu.memory_space<hbm>>
      tpu.wait_dma2 semaphore(%run_scoped3A : memref<!tpu.dma_semaphore, #tpu.memory_space<semaphore_mem>>) src(%dma_wait3A_617 : memref<256x50xi32, #tpu.memory_space<hbm>>) dst(%arg5 : memref<256x50xi32, #tpu.memory_space<vmem>>)
      tpu.yield
    }) : () -> ()
    %scan3A_12 = arith.constant 0 : i32
    %scan3A_13 = arith.constant 0 : i32
    %scan3A_14 = arith.constant 800 : i32
    %scan3A_15 = arith.addi %scan3A_13, %scan3A_14 : i32
    %scan3A_16 = arith.constant 1 : i32
    scf.for %scan3A_610 = %scan3A_13 to %scan3A_15 step %scan3A_16  : i32 {
      %mul3A_611 = arith.constant 16 : i32
      %mul3A_612 = arith.muli %scan3A_610, %mul3A_611 : i32
      %add3A_613 = vector.broadcast %mul3A_612 : i32 to vector<16xi32>
      %add3A_614 = arith.addi %add3A_613, %iota3A : vector<16xi32>
      %jit3A = arith.constant 50 : i32
      %div3A = vector.broadcast %jit3A : i32 to vector<16xi32>
      %div3A_615 = arith.divsi %add3A_614, %div3A : vector<16xi32>
      %sign3A = arith.constant 0 : i32
      %sign3A_616 = vector.broadcast %sign3A : i32 to vector<16xi32>
      %sign3A_617 = arith.cmpi sgt, %add3A_614, %sign3A_616 : vector<16xi32>
      %sign3A_618 = arith.extui %sign3A_617 : vector<16xi1> to vector<16xi32>
      %sign3A_619 = arith.constant 0 : i32
      %sign3A_620 = vector.broadcast %sign3A_619 : i32 to vector<16xi32>
      %sign3A_621 = arith.cmpi slt, %add3A_614, %sign3A_620 : vector<16xi32>
      %sign3A_622 = arith.extui %sign3A_621 : vector<16xi1> to vector<16xi32>
      %sign3A_623 = arith.subi %sign3A_618, %sign3A_622 : vector<16xi32>
      %sign3A_624 = arith.constant 0 : i32
      %sign3A_625 = arith.cmpi sgt, %jit3A, %sign3A_624 : i32
      %sign3A_626 = arith.extui %sign3A_625 : i1 to i32
      %sign3A_627 = arith.constant 0 : i32
      %sign3A_628 = arith.cmpi slt, %jit3A, %sign3A_627 : i32
      %sign3A_629 = arith.extui %sign3A_628 : i1 to i32
      %sign3A_630 = arith.subi %sign3A_626, %sign3A_629 : i32
      %ne3A = vector.broadcast %sign3A_630 : i32 to vector<16xi32>
      %ne3A_631 = arith.cmpi ne, %sign3A_623, %ne3A : vector<16xi32>
      %rem3A = vector.broadcast %jit3A : i32 to vector<16xi32>
      %rem3A_632 = arith.remsi %add3A_614, %rem3A : vector<16xi32>
      %ne3A_633 = arith.constant 0 : i32
      %ne3A_634 = vector.broadcast %ne3A_633 : i32 to vector<16xi32>
      %ne3A_635 = arith.cmpi ne, %rem3A_632, %ne3A_634 : vector<16xi32>
      %and3A = arith.andi %ne3A_631, %ne3A_635 : vector<16xi1>
      %sub3A = arith.constant 1 : i32
      %sub3A_636 = vector.broadcast %sub3A : i32 to vector<16xi32>
      %sub3A_637 = arith.subi %div3A_615, %sub3A_636 : vector<16xi32>
      %select_n3A = arith.select %and3A, %sub3A_637, %div3A_615 : vector<16xi1>, vector<16xi32>
      %jit3A_638 = arith.constant 50 : i32
      %eq3A = arith.constant 0 : i32
      %eq3A_639 = arith.cmpi eq, %jit3A_638, %eq3A : i32
      %jit3A_640 = arith.constant 1 : i32
      %select_n3A_641 = arith.select %eq3A_639, %jit3A_640, %jit3A_638 : i32
      %rem3A_642 = vector.broadcast %select_n3A_641 : i32 to vector<16xi32>
      %rem3A_643 = arith.remsi %add3A_614, %rem3A_642 : vector<16xi32>
      %ne3A_644 = arith.constant 0 : i32
      %ne3A_645 = vector.broadcast %ne3A_644 : i32 to vector<16xi32>
      %ne3A_646 = arith.cmpi ne, %rem3A_643, %ne3A_645 : vector<16xi32>
      %lt3A = arith.constant 0 : i32
      %lt3A_647 = vector.broadcast %lt3A : i32 to vector<16xi32>
      %lt3A_648 = arith.cmpi slt, %rem3A_643, %lt3A_647 : vector<16xi32>
      %lt3A_649 = arith.constant 0 : i32
      %lt3A_650 = arith.cmpi slt, %select_n3A_641, %lt3A_649 : i32
      %ne3A_651 = vector.broadcast %lt3A_650 : i1 to vector<16xi1>
      %ne3A_652 = vector.broadcast %ne3A_651 : vector<16xi1> to vector<16xi1>
      %ne3A_653 = arith.xori %lt3A_648, %ne3A_652 : vector<16xi1>
      %and3A_654 = arith.andi %ne3A_653, %ne3A_646 : vector<16xi1>
      %add3A_655 = vector.broadcast %select_n3A_641 : i32 to vector<16xi32>
      %add3A_656 = arith.addi %rem3A_643, %add3A_655 : vector<16xi32>
      %select_n3A_657 = arith.select %and3A_654, %add3A_656, %rem3A_643 : vector<16xi1>, vector<16xi32>
      %gather3A = tpu.vector_load_idx %arg5[%select_n3A, %select_n3A_657] : memref<256x50xi32, #tpu.memory_space<vmem>>[vector<16xi32>, vector<16xi32>], vector<16xi32>,
      %mul3A_658 = arith.constant 16 : i32
      %mul3A_659 = arith.muli %scan3A_610, %mul3A_658 : i32
      %add3A_660 = arith.constant 12800 : i32
      %add3A_661 = arith.addi %add3A_660, %mul3A_659 : i32
      %jit3A_662 = arith.constant 200 : i32
      %div3A_663 = arith.divsi %add3A_661, %jit3A_662 : i32
      %sign3A_664 = arith.constant 0 : i32
      %sign3A_665 = arith.cmpi sgt, %add3A_661, %sign3A_664 : i32
      %sign3A_666 = arith.extui %sign3A_665 : i1 to i32
      %sign3A_667 = arith.constant 0 : i32
      %sign3A_668 = arith.cmpi slt, %add3A_661, %sign3A_667 : i32
      %sign3A_669 = arith.extui %sign3A_668 : i1 to i32
      %sign3A_670 = arith.subi %sign3A_666, %sign3A_669 : i32
      %sign3A_671 = arith.constant 0 : i32
      %sign3A_672 = arith.cmpi sgt, %jit3A_662, %sign3A_671 : i32
      %sign3A_673 = arith.extui %sign3A_672 : i1 to i32
      %sign3A_674 = arith.constant 0 : i32
      %sign3A_675 = arith.cmpi slt, %jit3A_662, %sign3A_674 : i32
      %sign3A_676 = arith.extui %sign3A_675 : i1 to i32
      %sign3A_677 = arith.subi %sign3A_673, %sign3A_676 : i32
      %ne3A_678 = arith.cmpi ne, %sign3A_670, %sign3A_677 : i32
      %rem3A_679 = arith.remsi %add3A_661, %jit3A_662 : i32
      %ne3A_680 = arith.constant 0 : i32
      %ne3A_681 = arith.cmpi ne, %rem3A_679, %ne3A_680 : i32
      %and3A_682 = arith.andi %ne3A_678, %ne3A_681 : i1
      %sub3A_683 = arith.constant 1 : i32
      %sub3A_684 = arith.subi %div3A_663, %sub3A_683 : i32
      %select_n3A_685 = arith.select %and3A_682, %sub3A_684, %div3A_663 : i32
      %jit3A_686 = arith.constant 200 : i32
      %eq3A_687 = arith.constant 0 : i32
      %eq3A_688 = arith.cmpi eq, %jit3A_686, %eq3A_687 : i32
      %jit3A_689 = arith.constant 1 : i32
      %select_n3A_690 = arith.select %eq3A_688, %jit3A_689, %jit3A_686 : i32
      %rem3A_691 = arith.remsi %add3A_661, %select_n3A_690 : i32
      %ne3A_692 = arith.constant 0 : i32
      %ne3A_693 = arith.cmpi ne, %rem3A_691, %ne3A_692 : i32
      %lt3A_694 = arith.constant 0 : i32
      %lt3A_695 = arith.cmpi slt, %rem3A_691, %lt3A_694 : i32
      %lt3A_696 = arith.constant 0 : i32
      %lt3A_697 = arith.cmpi slt, %select_n3A_690, %lt3A_696 : i32
      %ne3A_698 = arith.xori %lt3A_695, %lt3A_697 : i1
      %and3A_699 = arith.andi %ne3A_698, %ne3A_693 : i1
      %add3A_700 = arith.addi %rem3A_691, %select_n3A_690 : i32
      %select_n3A_701 = arith.select %and3A_699, %add3A_700, %rem3A_691 : i32
      %swap3A = arith.index_cast %select_n3A_685 : i32 to index
      %swap3A_702 = arith.index_cast %select_n3A_701 : i32 to index
      %swap3A_703 = tpu.vector_load %arg6[%swap3A, %swap3A_702] {strides = array<i32>} : memref<128x200xi32, #tpu.memory_space<vmem>>, vector<16xi32>,
      tpu.vector_store %arg6[%swap3A, %swap3A_702], %gather3A {strides = array<i32>} : memref<128x200xi32, #tpu.memory_space<vmem>>, vector<16xi32>,
    }
    %scan3A_17 = arith.constant 800 : i32
    %dma_start3A = arith.constant 0 : i32
    %dma_start3A_18 = arith.constant 0 : i32
    %dma_start3A_19 = arith.constant 0 : i32
    %dma_start3A_20 = arith.constant 0 : i32
    %dma_start3A_21 = tpu.memref_slice %arg7[%dma_start3A_18, %dma_start3A_19, %dma_start3A_20] : memref<3x200x128xf32, #tpu.memory_space<vmem>> -> memref<1x200x128xf32, #tpu.memory_space<vmem>>
    %dma_start3A_22 = tpu.memref_squeeze %dma_start3A_21 : memref<1x200x128xf32, #tpu.memory_space<vmem>> -> memref<200x128xf32, #tpu.memory_space<vmem>>
    %dma_start3A_23 = arith.constant 0 : i32
    %dma_start3A_24 = tpu.memref_slice %arg6[%dma_start3A, %dma_start3A_23] : memref<128x200xi32, #tpu.memory_space<vmem>> -> memref<1x200xi32, #tpu.memory_space<vmem>>
    %dma_start3A_25 = tpu.memref_squeeze %dma_start3A_24 : memref<1x200xi32, #tpu.memory_space<vmem>> -> memref<200xi32, #tpu.memory_space<vmem>>
    %dma_start3A_26 = arith.constant 0 : i32
    %dma_start3A_27 = arith.constant 0 : i32
    %dma_start3A_28 = tpu.memref_slice %arg3[%dma_start3A_26, %dma_start3A_27] : memref<100000x128xf32, #tpu.memory_space<hbm>> -> memref<100000x128xf32, #tpu.memory_space<hbm>>
    tpu.enqueue_indirect_dma source(%dma_start3A_28 : memref<100000x128xf32, #tpu.memory_space<hbm>>) target(%dma_start3A_22 : memref<200x128xf32, #tpu.memory_space<vmem>>) offsets(%dma_start3A_25 : memref<200xi32, #tpu.memory_space<vmem>>) semaphore(%arg8 : memref<!tpu.dma_semaphore, #tpu.memory_space<semaphore_mem>>)
    %dma_start3A_29 = arith.constant 1 : i32
    %dma_start3A_30 = arith.constant 1 : i32
    %dma_start3A_31 = arith.constant 0 : i32
    %dma_start3A_32 = arith.constant 0 : i32
    %dma_start3A_33 = tpu.memref_slice %arg7[%dma_start3A_30, %dma_start3A_31, %dma_start3A_32] : memref<3x200x128xf32, #tpu.memory_space<vmem>> -> memref<1x200x128xf32, #tpu.memory_space<vmem>>
    %dma_start3A_34 = tpu.memref_squeeze %dma_start3A_33 : memref<1x200x128xf32, #tpu.memory_space<vmem>> -> memref<200x128xf32, #tpu.memory_space<vmem>>
    %dma_start3A_35 = arith.constant 0 : i32
    %dma_start3A_36 = tpu.memref_slice %arg6[%dma_start3A_29, %dma_start3A_35] : memref<128x200xi32, #tpu.memory_space<vmem>> -> memref<1x200xi32, #tpu.memory_space<vmem>>
    %dma_start3A_37 = tpu.memref_squeeze %dma_start3A_36 : memref<1x200xi32, #tpu.memory_space<vmem>> -> memref<200xi32, #tpu.memory_space<vmem>>
    %dma_start3A_38 = arith.constant 0 : i32
    %dma_start3A_39 = arith.constant 0 : i32
    %dma_start3A_40 = tpu.memref_slice %arg3[%dma_start3A_38, %dma_start3A_39] : memref<100000x128xf32, #tpu.memory_space<hbm>> -> memref<100000x128xf32, #tpu.memory_space<hbm>>
    tpu.enqueue_indirect_dma source(%dma_start3A_40 : memref<100000x128xf32, #tpu.memory_space<hbm>>) target(%dma_start3A_34 : memref<200x128xf32, #tpu.memory_space<vmem>>) offsets(%dma_start3A_37 : memref<200xi32, #tpu.memory_space<vmem>>) semaphore(%arg9 : memref<!tpu.dma_semaphore, #tpu.memory_space<semaphore_mem>>)
    %scan3A_41 = arith.constant 0 : i32
    %scan3A_42 = arith.constant 0 : i32
    %scan3A_43 = arith.constant 42 : i32
    %scan3A_44 = arith.addi %scan3A_42, %scan3A_43 : i32
    %scan3A_45 = arith.constant 1 : i32
    scf.for %scan3A_610 = %scan3A_42 to %scan3A_44 step %scan3A_45  : i32 {
      %mul3A_611 = arith.constant 3 : i32
      %mul3A_612 = arith.muli %scan3A_610, %mul3A_611 : i32
      %add3A_613 = arith.constant 0 : i32
      %add3A_614 = arith.addi %mul3A_612, %add3A_613 : i32
      %add3A_615 = arith.constant 2 : i32
      %add3A_616 = arith.addi %add3A_614, %add3A_615 : i32
      %lt3A = arith.constant 128 : i32
      %lt3A_617 = arith.cmpi slt, %add3A_616, %lt3A : i32
      %convert_element_type3A = arith.extui %lt3A_617 : i1 to i32
      %cond3A = arith.constant 0 : i32
      %cond3A_618 = arith.cmpi ne, %convert_element_type3A, %cond3A : i32
      scf.if %cond3A_618 {
        %ge3A = arith.constant 1 : i32
        %ge3A_1010 = arith.cmpi sge, %add3A_614, %ge3A : i32
        %convert_element_type3A_1011 = arith.extui %ge3A_1010 : i1 to i32
        %cond3A_1012 = arith.constant 0 : i32
        %cond3A_1013 = arith.cmpi ne, %convert_element_type3A_1011, %cond3A_1012 : i32
        scf.if %cond3A_1013 {
          %sub3A = arith.constant 1 : i32
          %sub3A_1027 = arith.subi %add3A_614, %sub3A : i32
          %mul3A_1028 = arith.constant 4 : i32
          %mul3A_1029 = arith.muli %sub3A_1027, %mul3A_1028 : i32
          %add3A_1030 = arith.addi %mul3A_2, %mul3A_1029 : i32
          %add3A_1031 = arith.constant 0 : i32
          %add3A_1032 = arith.addi %add3A_1030, %add3A_1031 : i32
          %dma_wait3A_1033 = arith.constant 2 : i32
          %dma_wait3A_1034 = arith.constant 0 : i32
          %dma_wait3A_1035 = arith.constant 0 : i32
          %dma_wait3A_1036 = tpu.memref_slice %arg7[%dma_wait3A_1033, %dma_wait3A_1034, %dma_wait3A_1035] : memref<3x200x128xf32, #tpu.memory_space<vmem>> -> memref<1x200x128xf32, #tpu.memory_space<vmem>>
          %dma_wait3A_1037 = tpu.memref_squeeze %dma_wait3A_1036 : memref<1x200x128xf32, #tpu.memory_space<vmem>> -> memref<200x128xf32, #tpu.memory_space<vmem>>
          %dma_wait3A_1038 = arith.constant 0 : i32
          %dma_wait3A_1039 = arith.constant 0 : i32
          %dma_wait3A_1040 = tpu.memref_slice %dma_wait3A_1037[%dma_wait3A_1038, %dma_wait3A_1039] : memref<200x128xf32, #tpu.memory_space<vmem>> -> memref<50x128xf32, #tpu.memory_space<vmem>>
          %dma_wait3A_1041 = arith.constant 0 : i32
          %dma_wait3A_1042 = arith.constant 0 : i32
          %dma_wait3A_1043 = tpu.memref_slice %arg4[%add3A_1032, %dma_wait3A_1041, %dma_wait3A_1042] : memref<16384x56x128xf32, #tpu.memory_space<hbm>> -> memref<1x50x128xf32, #tpu.memory_space<hbm>>
          %dma_wait3A_1044 = tpu.memref_squeeze %dma_wait3A_1043 : memref<1x50x128xf32, #tpu.memory_space<hbm>> -> memref<50x128xf32, #tpu.memory_space<hbm>>
          %dma_wait3A_1045 = arith.constant 0 : i32
          %dma_wait3A_1046 = arith.constant 0 : i32
          %dma_wait3A_1047 = tpu.memref_slice %arg4[%add3A_1032, %dma_wait3A_1045, %dma_wait3A_1046] : memref<16384x56x128xf32, #tpu.memory_space<hbm>> -> memref<1x50x128xf32, #tpu.memory_space<hbm>>
          %dma_wait3A_1048 = tpu.memref_squeeze %dma_wait3A_1047 : memref<1x50x128xf32, #tpu.memory_space<hbm>> -> memref<50x128xf32, #tpu.memory_space<hbm>>
          %dma_wait3A_1049 = arith.constant 0 : i32
          %dma_wait3A_1050 = arith.constant 0 : i32
          %dma_wait3A_1051 = tpu.memref_slice %arg7[%dma_wait3A_1033, %dma_wait3A_1049, %dma_wait3A_1050] : memref<3x200x128xf32, #tpu.memory_space<vmem>> -> memref<1x200x128xf32, #tpu.memory_space<vmem>>
          %dma_wait3A_1052 = tpu.memref_squeeze %dma_wait3A_1051 : memref<1x200x128xf32, #tpu.memory_space<vmem>> -> memref<200x128xf32, #tpu.memory_space<vmem>>
          %dma_wait3A_1053 = arith.constant 0 : i32
          %dma_wait3A_1054 = arith.constant 0 : i32
          %dma_wait3A_1055 = tpu.memref_slice %dma_wait3A_1052[%dma_wait3A_1053, %dma_wait3A_1054] : memref<200x128xf32, #tpu.memory_space<vmem>> -> memref<50x128xf32, #tpu.memory_space<vmem>>
          tpu.wait_dma2 semaphore(%arg13 : memref<!tpu.dma_semaphore, #tpu.memory_space<semaphore_mem>>) src(%dma_wait3A_1055 : memref<50x128xf32, #tpu.memory_space<vmem>>) dst(%dma_wait3A_1048 : memref<50x128xf32, #tpu.memory_space<hbm>>)
          %mul3A_1056 = arith.constant 4 : i32
          %mul3A_1057 = arith.muli %sub3A_1027, %mul3A_1056 : i32
          %add3A_1058 = arith.addi %mul3A_2, %mul3A_1057 : i32
          %add3A_1059 = arith.constant 1 : i32
          %add3A_1060 = arith.addi %add3A_1058, %add3A_1059 : i32
          %dma_wait3A_1061 = arith.constant 2 : i32
          %dma_wait3A_1062 = arith.constant 0 : i32
          %dma_wait3A_1063 = arith.constant 0 : i32
          %dma_wait3A_1064 = tpu.memref_slice %arg7[%dma_wait3A_1061, %dma_wait3A_1062, %dma_wait3A_1063] : memref<3x200x128xf32, #tpu.memory_space<vmem>> -> memref<1x200x128xf32, #tpu.memory_space<vmem>>
          %dma_wait3A_1065 = tpu.memref_squeeze %dma_wait3A_1064 : memref<1x200x128xf32, #tpu.memory_space<vmem>> -> memref<200x128xf32, #tpu.memory_space<vmem>>
          %dma_wait3A_1066 = arith.constant 50 : i32
          %dma_wait3A_1067 = arith.constant 0 : i32
          %dma_wait3A_1068 = tpu.memref_slice %dma_wait3A_1065[%dma_wait3A_1066, %dma_wait3A_1067] : memref<200x128xf32, #tpu.memory_space<vmem>> -> memref<50x128xf32, #tpu.memory_space<vmem>>
          %dma_wait3A_1069 = arith.constant 0 : i32
          %dma_wait3A_1070 = arith.constant 0 : i32
          %dma_wait3A_1071 = tpu.memref_slice %arg4[%add3A_1060, %dma_wait3A_1069, %dma_wait3A_1070] : memref<16384x56x128xf32, #tpu.memory_space<hbm>> -> memref<1x50x128xf32, #tpu.memory_space<hbm>>
          %dma_wait3A_1072 = tpu.memref_squeeze %dma_wait3A_1071 : memref<1x50x128xf32, #tpu.memory_space<hbm>> -> memref<50x128xf32, #tpu.memory_space<hbm>>
          %dma_wait3A_1073 = arith.constant 0 : i32
          %dma_wait3A_1074 = arith.constant 0 : i32
          %dma_wait3A_1075 = tpu.memref_slice %arg4[%add3A_1060, %dma_wait3A_1073, %dma_wait3A_1074] : memref<16384x56x128xf32, #tpu.memory_space<hbm>> -> memref<1x50x128xf32, #tpu.memory_space<hbm>>
          %dma_wait3A_1076 = tpu.memref_squeeze %dma_wait3A_1075 : memref<1x50x128xf32, #tpu.memory_space<hbm>> -> memref<50x128xf32, #tpu.memory_space<hbm>>
          %dma_wait3A_1077 = arith.constant 0 : i32
          %dma_wait3A_1078 = arith.constant 0 : i32
          %dma_wait3A_1079 = tpu.memref_slice %arg7[%dma_wait3A_1061, %dma_wait3A_1077, %dma_wait3A_1078] : memref<3x200x128xf32, #tpu.memory_space<vmem>> -> memref<1x200x128xf32, #tpu.memory_space<vmem>>
          %dma_wait3A_1080 = tpu.memref_squeeze %dma_wait3A_1079 : memref<1x200x128xf32, #tpu.memory_space<vmem>> -> memref<200x128xf32, #tpu.memory_space<vmem>>
          %dma_wait3A_1081 = arith.constant 50 : i32
          %dma_wait3A_1082 = arith.constant 0 : i32
          %dma_wait3A_1083 = tpu.memref_slice %dma_wait3A_1080[%dma_wait3A_1081, %dma_wait3A_1082] : memref<200x128xf32, #tpu.memory_space<vmem>> -> memref<50x128xf32, #tpu.memory_space<vmem>>
          tpu.wait_dma2 semaphore(%arg13 : memref<!tpu.dma_semaphore, #tpu.memory_space<semaphore_mem>>) src(%dma_wait3A_1083 : memref<50x128xf32, #tpu.memory_space<vmem>>) dst(%dma_wait3A_1076 : memref<50x128xf32, #tpu.memory_space<hbm>>)
          %mul3A_1084 = arith.constant 4 : i32
          %mul3A_1085 = arith.muli %sub3A_1027, %mul3A_1084 : i32
          %add3A_1086 = arith.addi %mul3A_2, %mul3A_1085 : i32
          %add3A_1087 = arith.constant 2 : i32
          %add3A_1088 = arith.addi %add3A_1086, %add3A_1087 : i32
          %dma_wait3A_1089 = arith.constant 2 : i32
          %dma_wait3A_1090 = arith.constant 0 : i32
          %dma_wait3A_1091 = arith.constant 0 : i32
          %dma_wait3A_1092 = tpu.memref_slice %arg7[%dma_wait3A_1089, %dma_wait3A_1090, %dma_wait3A_1091] : memref<3x200x128xf32, #tpu.memory_space<vmem>> -> memref<1x200x128xf32, #tpu.memory_space<vmem>>
          %dma_wait3A_1093 = tpu.memref_squeeze %dma_wait3A_1092 : memref<1x200x128xf32, #tpu.memory_space<vmem>> -> memref<200x128xf32, #tpu.memory_space<vmem>>
          %dma_wait3A_1094 = arith.constant 100 : i32
          %dma_wait3A_1095 = arith.constant 0 : i32
          %dma_wait3A_1096 = tpu.memref_slice %dma_wait3A_1093[%dma_wait3A_1094, %dma_wait3A_1095] : memref<200x128xf32, #tpu.memory_space<vmem>> -> memref<50x128xf32, #tpu.memory_space<vmem>>
          %dma_wait3A_1097 = arith.constant 0 : i32
          %dma_wait3A_1098 = arith.constant 0 : i32
          %dma_wait3A_1099 = tpu.memref_slice %arg4[%add3A_1088, %dma_wait3A_1097, %dma_wait3A_1098] : memref<16384x56x128xf32, #tpu.memory_space<hbm>> -> memref<1x50x128xf32, #tpu.memory_space<hbm>>
          %dma_wait3A_1100 = tpu.memref_squeeze %dma_wait3A_1099 : memref<1x50x128xf32, #tpu.memory_space<hbm>> -> memref<50x128xf32, #tpu.memory_space<hbm>>
          %dma_wait3A_1101 = arith.constant 0 : i32
          %dma_wait3A_1102 = arith.constant 0 : i32
          %dma_wait3A_1103 = tpu.memref_slice %arg4[%add3A_1088, %dma_wait3A_1101, %dma_wait3A_1102] : memref<16384x56x128xf32, #tpu.memory_space<hbm>> -> memref<1x50x128xf32, #tpu.memory_space<hbm>>
          %dma_wait3A_1104 = tpu.memref_squeeze %dma_wait3A_1103 : memref<1x50x128xf32, #tpu.memory_space<hbm>> -> memref<50x128xf32, #tpu.memory_space<hbm>>
          %dma_wait3A_1105 = arith.constant 0 : i32
          %dma_wait3A_1106 = arith.constant 0 : i32
          %dma_wait3A_1107 = tpu.memref_slice %arg7[%dma_wait3A_1089, %dma_wait3A_1105, %dma_wait3A_1106] : memref<3x200x128xf32, #tpu.memory_space<vmem>> -> memref<1x200x128xf32, #tpu.memory_space<vmem>>
          %dma_wait3A_1108 = tpu.memref_squeeze %dma_wait3A_1107 : memref<1x200x128xf32, #tpu.memory_space<vmem>> -> memref<200x128xf32, #tpu.memory_space<vmem>>
          %dma_wait3A_1109 = arith.constant 100 : i32
          %dma_wait3A_1110 = arith.constant 0 : i32
          %dma_wait3A_1111 = tpu.memref_slice %dma_wait3A_1108[%dma_wait3A_1109, %dma_wait3A_1110] : memref<200x128xf32, #tpu.memory_space<vmem>> -> memref<50x128xf32, #tpu.memory_space<vmem>>
          tpu.wait_dma2 semaphore(%arg13 : memref<!tpu.dma_semaphore, #tpu.memory_space<semaphore_mem>>) src(%dma_wait3A_1111 : memref<50x128xf32, #tpu.memory_space<vmem>>) dst(%dma_wait3A_1104 : memref<50x128xf32, #tpu.memory_space<hbm>>)
          %mul3A_1112 = arith.constant 4 : i32
          %mul3A_1113 = arith.muli %sub3A_1027, %mul3A_1112 : i32
          %add3A_1114 = arith.addi %mul3A_2, %mul3A_1113 : i32
          %add3A_1115 = arith.constant 3 : i32
          %add3A_1116 = arith.addi %add3A_1114, %add3A_1115 : i32
          %dma_wait3A_1117 = arith.constant 2 : i32
          %dma_wait3A_1118 = arith.constant 0 : i32
          %dma_wait3A_1119 = arith.constant 0 : i32
          %dma_wait3A_1120 = tpu.memref_slice %arg7[%dma_wait3A_1117, %dma_wait3A_1118, %dma_wait3A_1119] : memref<3x200x128xf32, #tpu.memory_space<vmem>> -> memref<1x200x128xf32, #tpu.memory_space<vmem>>
          %dma_wait3A_1121 = tpu.memref_squeeze %dma_wait3A_1120 : memref<1x200x128xf32, #tpu.memory_space<vmem>> -> memref<200x128xf32, #tpu.memory_space<vmem>>
          %dma_wait3A_1122 = arith.constant 150 : i32
          %dma_wait3A_1123 = arith.constant 0 : i32
          %dma_wait3A_1124 = tpu.memref_slice %dma_wait3A_1121[%dma_wait3A_1122, %dma_wait3A_1123] : memref<200x128xf32, #tpu.memory_space<vmem>> -> memref<50x128xf32, #tpu.memory_space<vmem>>
          %dma_wait3A_1125 = arith.constant 0 : i32
          %dma_wait3A_1126 = arith.constant 0 : i32
          %dma_wait3A_1127 = tpu.memref_slice %arg4[%add3A_1116, %dma_wait3A_1125, %dma_wait3A_1126] : memref<16384x56x128xf32, #tpu.memory_space<hbm>> -> memref<1x50x128xf32, #tpu.memory_space<hbm>>
          %dma_wait3A_1128 = tpu.memref_squeeze %dma_wait3A_1127 : memref<1x50x128xf32, #tpu.memory_space<hbm>> -> memref<50x128xf32, #tpu.memory_space<hbm>>
          %dma_wait3A_1129 = arith.constant 0 : i32
          %dma_wait3A_1130 = arith.constant 0 : i32
          %dma_wait3A_1131 = tpu.memref_slice %arg4[%add3A_1116, %dma_wait3A_1129, %dma_wait3A_1130] : memref<16384x56x128xf32, #tpu.memory_space<hbm>> -> memref<1x50x128xf32, #tpu.memory_space<hbm>>
          %dma_wait3A_1132 = tpu.memref_squeeze %dma_wait3A_1131 : memref<1x50x128xf32, #tpu.memory_space<hbm>> -> memref<50x128xf32, #tpu.memory_space<hbm>>
          %dma_wait3A_1133 = arith.constant 0 : i32
          %dma_wait3A_1134 = arith.constant 0 : i32
          %dma_wait3A_1135 = tpu.memref_slice %arg7[%dma_wait3A_1117, %dma_wait3A_1133, %dma_wait3A_1134] : memref<3x200x128xf32, #tpu.memory_space<vmem>> -> memref<1x200x128xf32, #tpu.memory_space<vmem>>
          %dma_wait3A_1136 = tpu.memref_squeeze %dma_wait3A_1135 : memref<1x200x128xf32, #tpu.memory_space<vmem>> -> memref<200x128xf32, #tpu.memory_space<vmem>>
          %dma_wait3A_1137 = arith.constant 150 : i32
          %dma_wait3A_1138 = arith.constant 0 : i32
          %dma_wait3A_1139 = tpu.memref_slice %dma_wait3A_1136[%dma_wait3A_1137, %dma_wait3A_1138] : memref<200x128xf32, #tpu.memory_space<vmem>> -> memref<50x128xf32, #tpu.memory_space<vmem>>
          tpu.wait_dma2 semaphore(%arg13 : memref<!tpu.dma_semaphore, #tpu.memory_space<semaphore_mem>>) src(%dma_wait3A_1139 : memref<50x128xf32, #tpu.memory_space<vmem>>) dst(%dma_wait3A_1132 : memref<50x128xf32, #tpu.memory_space<hbm>>)
        } else {
        }
        %add3A_1014 = arith.constant 2 : i32
        %add3A_1015 = arith.addi %add3A_614, %add3A_1014 : i32
        %dma_start3A_1016 = arith.constant 2 : i32
        %dma_start3A_1017 = arith.constant 0 : i32
        %dma_start3A_1018 = arith.constant 0 : i32
        %dma_start3A_1019 = tpu.memref_slice %arg7[%dma_start3A_1016, %dma_start3A_1017, %dma_start3A_1018] : memref<3x200x128xf32, #tpu.memory_space<vmem>> -> memref<1x200x128xf32, #tpu.memory_space<vmem>>
        %dma_start3A_1020 = tpu.memref_squeeze %dma_start3A_1019 : memref<1x200x128xf32, #tpu.memory_space<vmem>> -> memref<200x128xf32, #tpu.memory_space<vmem>>
        %dma_start3A_1021 = arith.constant 0 : i32
        %dma_start3A_1022 = tpu.memref_slice %arg6[%add3A_1015, %dma_start3A_1021] : memref<128x200xi32, #tpu.memory_space<vmem>> -> memref<1x200xi32, #tpu.memory_space<vmem>>
        %dma_start3A_1023 = tpu.memref_squeeze %dma_start3A_1022 : memref<1x200xi32, #tpu.memory_space<vmem>> -> memref<200xi32, #tpu.memory_space<vmem>>
        %dma_start3A_1024 = arith.constant 0 : i32
        %dma_start3A_1025 = arith.constant 0 : i32
        %dma_start3A_1026 = tpu.memref_slice %arg3[%dma_start3A_1024, %dma_start3A_1025] : memref<100000x128xf32, #tpu.memory_space<hbm>> -> memref<100000x128xf32, #tpu.memory_space<hbm>>
        tpu.enqueue_indirect_dma source(%dma_start3A_1026 : memref<100000x128xf32, #tpu.memory_space<hbm>>) target(%dma_start3A_1020 : memref<200x128xf32, #tpu.memory_space<vmem>>) offsets(%dma_start3A_1023 : memref<200xi32, #tpu.memory_space<vmem>>) semaphore(%arg10 : memref<!tpu.dma_semaphore, #tpu.memory_space<semaphore_mem>>)
      } else {
      }
      %dma_wait3A_619 = arith.constant 0 : i32
      %dma_wait3A_620 = arith.constant 0 : i32
      %dma_wait3A_621 = arith.constant 0 : i32
      %dma_wait3A_622 = tpu.memref_slice %arg7[%dma_wait3A_619, %dma_wait3A_620, %dma_wait3A_621] : memref<3x200x128xf32, #tpu.memory_space<vmem>> -> memref<1x200x128xf32, #tpu.memory_space<vmem>>
      %dma_wait3A_623 = tpu.memref_squeeze %dma_wait3A_622 : memref<1x200x128xf32, #tpu.memory_space<vmem>> -> memref<200x128xf32, #tpu.memory_space<vmem>>
      %dma_wait3A_624 = arith.constant 0 : i32
      %dma_wait3A_625 = tpu.memref_slice %arg6[%add3A_614, %dma_wait3A_624] : memref<128x200xi32, #tpu.memory_space<vmem>> -> memref<1x200xi32, #tpu.memory_space<vmem>>
      %dma_wait3A_626 = tpu.memref_squeeze %dma_wait3A_625 : memref<1x200xi32, #tpu.memory_space<vmem>> -> memref<200xi32, #tpu.memory_space<vmem>>
      %dma_wait3A_627 = arith.constant 0 : i32
      %dma_wait3A_628 = arith.constant 0 : i32
      %dma_wait3A_629 = tpu.memref_slice %arg3[%dma_wait3A_627, %dma_wait3A_628] : memref<100000x128xf32, #tpu.memory_space<hbm>> -> memref<100000x128xf32, #tpu.memory_space<hbm>>
      tpu.wait_indirect_dma semaphore(%arg8 : memref<!tpu.dma_semaphore, #tpu.memory_space<semaphore_mem>>) src(%dma_wait3A_629 : memref<100000x128xf32, #tpu.memory_space<hbm>>) dst(%dma_wait3A_623 : memref<200x128xf32, #tpu.memory_space<vmem>>)
      %mul3A_630 = arith.constant 4 : i32
      %mul3A_631 = arith.muli %add3A_614, %mul3A_630 : i32
      %add3A_632 = arith.addi %mul3A_2, %mul3A_631 : i32
      %add3A_633 = arith.constant 0 : i32
      %add3A_634 = arith.addi %add3A_632, %add3A_633 : i32
      %dma_start3A_635 = arith.constant 0 : i32
      %dma_start3A_636 = arith.constant 0 : i32
      %dma_start3A_637 = arith.constant 0 : i32
      %dma_start3A_638 = tpu.memref_slice %arg7[%dma_start3A_635, %dma_start3A_636, %dma_start3A_637] : memref<3x200x128xf32, #tpu.memory_space<vmem>> -> memref<1x200x128xf32, #tpu.memory_space<vmem>>
      %dma_start3A_639 = tpu.memref_squeeze %dma_start3A_638 : memref<1x200x128xf32, #tpu.memory_space<vmem>> -> memref<200x128xf32, #tpu.memory_space<vmem>>
      %dma_start3A_640 = arith.constant 0 : i32
      %dma_start3A_641 = arith.constant 0 : i32
      %dma_start3A_642 = tpu.memref_slice %dma_start3A_639[%dma_start3A_640, %dma_start3A_641] : memref<200x128xf32, #tpu.memory_space<vmem>> -> memref<50x128xf32, #tpu.memory_space<vmem>>
      %dma_start3A_643 = arith.constant 0 : i32
      %dma_start3A_644 = arith.constant 0 : i32
      %dma_start3A_645 = tpu.memref_slice %arg4[%add3A_634, %dma_start3A_643, %dma_start3A_644] : memref<16384x56x128xf32, #tpu.memory_space<hbm>> -> memref<1x50x128xf32, #tpu.memory_space<hbm>>
      %dma_start3A_646 = tpu.memref_squeeze %dma_start3A_645 : memref<1x50x128xf32, #tpu.memory_space<hbm>> -> memref<50x128xf32, #tpu.memory_space<hbm>>
      %dma_start3A_647 = arith.constant 0 : i32
      %dma_start3A_648 = arith.constant 0 : i32
      %dma_start3A_649 = tpu.memref_slice %arg4[%add3A_634, %dma_start3A_647, %dma_start3A_648] : memref<16384x56x128xf32, #tpu.memory_space<hbm>> -> memref<1x50x128xf32, #tpu.memory_space<hbm>>
      %dma_start3A_650 = tpu.memref_squeeze %dma_start3A_649 : memref<1x50x128xf32, #tpu.memory_space<hbm>> -> memref<50x128xf32, #tpu.memory_space<hbm>>
      %dma_start3A_651 = arith.constant 0 : i32
      %dma_start3A_652 = arith.constant 0 : i32
      %dma_start3A_653 = tpu.memref_slice %arg7[%dma_start3A_635, %dma_start3A_651, %dma_start3A_652] : memref<3x200x128xf32, #tpu.memory_space<vmem>> -> memref<1x200x128xf32, #tpu.memory_space<vmem>>
      %dma_start3A_654 = tpu.memref_squeeze %dma_start3A_653 : memref<1x200x128xf32, #tpu.memory_space<vmem>> -> memref<200x128xf32, #tpu.memory_space<vmem>>
      %dma_start3A_655 = arith.constant 0 : i32
      %dma_start3A_656 = arith.constant 0 : i32
      %dma_start3A_657 = tpu.memref_slice %dma_start3A_654[%dma_start3A_655, %dma_start3A_656] : memref<200x128xf32, #tpu.memory_space<vmem>> -> memref<50x128xf32, #tpu.memory_space<vmem>>
      tpu.enqueue_dma source(%dma_start3A_657 : memref<50x128xf32, #tpu.memory_space<vmem>>) target(%dma_start3A_650 : memref<50x128xf32, #tpu.memory_space<hbm>>) target_semaphore(%arg11 : memref<!tpu.dma_semaphore, #tpu.memory_space<semaphore_mem>>)
      %mul3A_658 = arith.constant 4 : i32
      %mul3A_659 = arith.muli %add3A_614, %mul3A_658 : i32
      %add3A_660 = arith.addi %mul3A_2, %mul3A_659 : i32
      %add3A_661 = arith.constant 1 : i32
      %add3A_662 = arith.addi %add3A_660, %add3A_661 : i32
      %dma_start3A_663 = arith.constant 0 : i32
      %dma_start3A_664 = arith.constant 0 : i32
      %dma_start3A_665 = arith.constant 0 : i32
      %dma_start3A_666 = tpu.memref_slice %arg7[%dma_start3A_663, %dma_start3A_664, %dma_start3A_665] : memref<3x200x128xf32, #tpu.memory_space<vmem>> -> memref<1x200x128xf32, #tpu.memory_space<vmem>>
      %dma_start3A_667 = tpu.memref_squeeze %dma_start3A_666 : memref<1x200x128xf32, #tpu.memory_space<vmem>> -> memref<200x128xf32, #tpu.memory_space<vmem>>
      %dma_start3A_668 = arith.constant 50 : i32
      %dma_start3A_669 = arith.constant 0 : i32
      %dma_start3A_670 = tpu.memref_slice %dma_start3A_667[%dma_start3A_668, %dma_start3A_669] : memref<200x128xf32, #tpu.memory_space<vmem>> -> memref<50x128xf32, #tpu.memory_space<vmem>>
      %dma_start3A_671 = arith.constant 0 : i32
      %dma_start3A_672 = arith.constant 0 : i32
      %dma_start3A_673 = tpu.memref_slice %arg4[%add3A_662, %dma_start3A_671, %dma_start3A_672] : memref<16384x56x128xf32, #tpu.memory_space<hbm>> -> memref<1x50x128xf32, #tpu.memory_space<hbm>>
      %dma_start3A_674 = tpu.memref_squeeze %dma_start3A_673 : memref<1x50x128xf32, #tpu.memory_space<hbm>> -> memref<50x128xf32, #tpu.memory_space<hbm>>
      %dma_start3A_675 = arith.constant 0 : i32
      %dma_start3A_676 = arith.constant 0 : i32
      %dma_start3A_677 = tpu.memref_slice %arg4[%add3A_662, %dma_start3A_675, %dma_start3A_676] : memref<16384x56x128xf32, #tpu.memory_space<hbm>> -> memref<1x50x128xf32, #tpu.memory_space<hbm>>
      %dma_start3A_678 = tpu.memref_squeeze %dma_start3A_677 : memref<1x50x128xf32, #tpu.memory_space<hbm>> -> memref<50x128xf32, #tpu.memory_space<hbm>>
      %dma_start3A_679 = arith.constant 0 : i32
      %dma_start3A_680 = arith.constant 0 : i32
      %dma_start3A_681 = tpu.memref_slice %arg7[%dma_start3A_663, %dma_start3A_679, %dma_start3A_680] : memref<3x200x128xf32, #tpu.memory_space<vmem>> -> memref<1x200x128xf32, #tpu.memory_space<vmem>>
      %dma_start3A_682 = tpu.memref_squeeze %dma_start3A_681 : memref<1x200x128xf32, #tpu.memory_space<vmem>> -> memref<200x128xf32, #tpu.memory_space<vmem>>
      %dma_start3A_683 = arith.constant 50 : i32
      %dma_start3A_684 = arith.constant 0 : i32
      %dma_start3A_685 = tpu.memref_slice %dma_start3A_682[%dma_start3A_683, %dma_start3A_684] : memref<200x128xf32, #tpu.memory_space<vmem>> -> memref<50x128xf32, #tpu.memory_space<vmem>>
      tpu.enqueue_dma source(%dma_start3A_685 : memref<50x128xf32, #tpu.memory_space<vmem>>) target(%dma_start3A_678 : memref<50x128xf32, #tpu.memory_space<hbm>>) target_semaphore(%arg11 : memref<!tpu.dma_semaphore, #tpu.memory_space<semaphore_mem>>)
      %mul3A_686 = arith.constant 4 : i32
      %mul3A_687 = arith.muli %add3A_614, %mul3A_686 : i32
      %add3A_688 = arith.addi %mul3A_2, %mul3A_687 : i32
      %add3A_689 = arith.constant 2 : i32
      %add3A_690 = arith.addi %add3A_688, %add3A_689 : i32
      %dma_start3A_691 = arith.constant 0 : i32
      %dma_start3A_692 = arith.constant 0 : i32
      %dma_start3A_693 = arith.constant 0 : i32
      %dma_start3A_694 = tpu.memref_slice %arg7[%dma_start3A_691, %dma_start3A_692, %dma_start3A_693] : memref<3x200x128xf32, #tpu.memory_space<vmem>> -> memref<1x200x128xf32, #tpu.memory_space<vmem>>
      %dma_start3A_695 = tpu.memref_squeeze %dma_start3A_694 : memref<1x200x128xf32, #tpu.memory_space<vmem>> -> memref<200x128xf32, #tpu.memory_space<vmem>>
      %dma_start3A_696 = arith.constant 100 : i32
      %dma_start3A_697 = arith.constant 0 : i32
      %dma_start3A_698 = tpu.memref_slice %dma_start3A_695[%dma_start3A_696, %dma_start3A_697] : memref<200x128xf32, #tpu.memory_space<vmem>> -> memref<50x128xf32, #tpu.memory_space<vmem>>
      %dma_start3A_699 = arith.constant 0 : i32
      %dma_start3A_700 = arith.constant 0 : i32
      %dma_start3A_701 = tpu.memref_slice %arg4[%add3A_690, %dma_start3A_699, %dma_start3A_700] : memref<16384x56x128xf32, #tpu.memory_space<hbm>> -> memref<1x50x128xf32, #tpu.memory_space<hbm>>
      %dma_start3A_702 = tpu.memref_squeeze %dma_start3A_701 : memref<1x50x128xf32, #tpu.memory_space<hbm>> -> memref<50x128xf32, #tpu.memory_space<hbm>>
      %dma_start3A_703 = arith.constant 0 : i32
      %dma_start3A_704 = arith.constant 0 : i32
      %dma_start3A_705 = tpu.memref_slice %arg4[%add3A_690, %dma_start3A_703, %dma_start3A_704] : memref<16384x56x128xf32, #tpu.memory_space<hbm>> -> memref<1x50x128xf32, #tpu.memory_space<hbm>>
      %dma_start3A_706 = tpu.memref_squeeze %dma_start3A_705 : memref<1x50x128xf32, #tpu.memory_space<hbm>> -> memref<50x128xf32, #tpu.memory_space<hbm>>
      %dma_start3A_707 = arith.constant 0 : i32
      %dma_start3A_708 = arith.constant 0 : i32
      %dma_start3A_709 = tpu.memref_slice %arg7[%dma_start3A_691, %dma_start3A_707, %dma_start3A_708] : memref<3x200x128xf32, #tpu.memory_space<vmem>> -> memref<1x200x128xf32, #tpu.memory_space<vmem>>
      %dma_start3A_710 = tpu.memref_squeeze %dma_start3A_709 : memref<1x200x128xf32, #tpu.memory_space<vmem>> -> memref<200x128xf32, #tpu.memory_space<vmem>>
      %dma_start3A_711 = arith.constant 100 : i32
      %dma_start3A_712 = arith.constant 0 : i32
      %dma_start3A_713 = tpu.memref_slice %dma_start3A_710[%dma_start3A_711, %dma_start3A_712] : memref<200x128xf32, #tpu.memory_space<vmem>> -> memref<50x128xf32, #tpu.memory_space<vmem>>
      tpu.enqueue_dma source(%dma_start3A_713 : memref<50x128xf32, #tpu.memory_space<vmem>>) target(%dma_start3A_706 : memref<50x128xf32, #tpu.memory_space<hbm>>) target_semaphore(%arg11 : memref<!tpu.dma_semaphore, #tpu.memory_space<semaphore_mem>>)
      %mul3A_714 = arith.constant 4 : i32
      %mul3A_715 = arith.muli %add3A_614, %mul3A_714 : i32
      %add3A_716 = arith.addi %mul3A_2, %mul3A_715 : i32
      %add3A_717 = arith.constant 3 : i32
      %add3A_718 = arith.addi %add3A_716, %add3A_717 : i32
      %dma_start3A_719 = arith.constant 0 : i32
      %dma_start3A_720 = arith.constant 0 : i32
      %dma_start3A_721 = arith.constant 0 : i32
      %dma_start3A_722 = tpu.memref_slice %arg7[%dma_start3A_719, %dma_start3A_720, %dma_start3A_721] : memref<3x200x128xf32, #tpu.memory_space<vmem>> -> memref<1x200x128xf32, #tpu.memory_space<vmem>>
      %dma_start3A_723 = tpu.memref_squeeze %dma_start3A_722 : memref<1x200x128xf32, #tpu.memory_space<vmem>> -> memref<200x128xf32, #tpu.memory_space<vmem>>
      %dma_start3A_724 = arith.constant 150 : i32
      %dma_start3A_725 = arith.constant 0 : i32
      %dma_start3A_726 = tpu.memref_slice %dma_start3A_723[%dma_start3A_724, %dma_start3A_725] : memref<200x128xf32, #tpu.memory_space<vmem>> -> memref<50x128xf32, #tpu.memory_space<vmem>>
      %dma_start3A_727 = arith.constant 0 : i32
      %dma_start3A_728 = arith.constant 0 : i32
      %dma_start3A_729 = tpu.memref_slice %arg4[%add3A_718, %dma_start3A_727, %dma_start3A_728] : memref<16384x56x128xf32, #tpu.memory_space<hbm>> -> memref<1x50x128xf32, #tpu.memory_space<hbm>>
      %dma_start3A_730 = tpu.memref_squeeze %dma_start3A_729 : memref<1x50x128xf32, #tpu.memory_space<hbm>> -> memref<50x128xf32, #tpu.memory_space<hbm>>
      %dma_start3A_731 = arith.constant 0 : i32
      %dma_start3A_732 = arith.constant 0 : i32
      %dma_start3A_733 = tpu.memref_slice %arg4[%add3A_718, %dma_start3A_731, %dma_start3A_732] : memref<16384x56x128xf32, #tpu.memory_space<hbm>> -> memref<1x50x128xf32, #tpu.memory_space<hbm>>
      %dma_start3A_734 = tpu.memref_squeeze %dma_start3A_733 : memref<1x50x128xf32, #tpu.memory_space<hbm>> -> memref<50x128xf32, #tpu.memory_space<hbm>>
      %dma_start3A_735 = arith.constant 0 : i32
      %dma_start3A_736 = arith.constant 0 : i32
      %dma_start3A_737 = tpu.memref_slice %arg7[%dma_start3A_719, %dma_start3A_735, %dma_start3A_736] : memref<3x200x128xf32, #tpu.memory_space<vmem>> -> memref<1x200x128xf32, #tpu.memory_space<vmem>>
      %dma_start3A_738 = tpu.memref_squeeze %dma_start3A_737 : memref<1x200x128xf32, #tpu.memory_space<vmem>> -> memref<200x128xf32, #tpu.memory_space<vmem>>
      %dma_start3A_739 = arith.constant 150 : i32
      %dma_start3A_740 = arith.constant 0 : i32
      %dma_start3A_741 = tpu.memref_slice %dma_start3A_738[%dma_start3A_739, %dma_start3A_740] : memref<200x128xf32, #tpu.memory_space<vmem>> -> memref<50x128xf32, #tpu.memory_space<vmem>>
      tpu.enqueue_dma source(%dma_start3A_741 : memref<50x128xf32, #tpu.memory_space<vmem>>) target(%dma_start3A_734 : memref<50x128xf32, #tpu.memory_space<hbm>>) target_semaphore(%arg11 : memref<!tpu.dma_semaphore, #tpu.memory_space<semaphore_mem>>)
      %mul3A_742 = arith.constant 3 : i32
      %mul3A_743 = arith.muli %scan3A_610, %mul3A_742 : i32
      %add3A_744 = arith.constant 1 : i32
      %add3A_745 = arith.addi %mul3A_743, %add3A_744 : i32
      %add3A_746 = arith.constant 2 : i32
      %add3A_747 = arith.addi %add3A_745, %add3A_746 : i32
      %lt3A_748 = arith.constant 128 : i32
      %lt3A_749 = arith.cmpi slt, %add3A_747, %lt3A_748 : i32
      %convert_element_type3A_750 = arith.extui %lt3A_749 : i1 to i32
      %cond3A_751 = arith.constant 0 : i32
      %cond3A_752 = arith.cmpi ne, %convert_element_type3A_750, %cond3A_751 : i32
      scf.if %cond3A_752 {
        %ge3A = arith.constant 1 : i32
        %ge3A_1010 = arith.cmpi sge, %add3A_745, %ge3A : i32
        %convert_element_type3A_1011 = arith.extui %ge3A_1010 : i1 to i32
        %cond3A_1012 = arith.constant 0 : i32
        %cond3A_1013 = arith.cmpi ne, %convert_element_type3A_1011, %cond3A_1012 : i32
        scf.if %cond3A_1013 {
          %sub3A = arith.constant 1 : i32
          %sub3A_1027 = arith.subi %add3A_745, %sub3A : i32
          %mul3A_1028 = arith.constant 4 : i32
          %mul3A_1029 = arith.muli %sub3A_1027, %mul3A_1028 : i32
          %add3A_1030 = arith.addi %mul3A_2, %mul3A_1029 : i32
          %add3A_1031 = arith.constant 0 : i32
          %add3A_1032 = arith.addi %add3A_1030, %add3A_1031 : i32
          %dma_wait3A_1033 = arith.constant 0 : i32
          %dma_wait3A_1034 = arith.constant 0 : i32
          %dma_wait3A_1035 = arith.constant 0 : i32
          %dma_wait3A_1036 = tpu.memref_slice %arg7[%dma_wait3A_1033, %dma_wait3A_1034, %dma_wait3A_1035] : memref<3x200x128xf32, #tpu.memory_space<vmem>> -> memref<1x200x128xf32, #tpu.memory_space<vmem>>
          %dma_wait3A_1037 = tpu.memref_squeeze %dma_wait3A_1036 : memref<1x200x128xf32, #tpu.memory_space<vmem>> -> memref<200x128xf32, #tpu.memory_space<vmem>>
          %dma_wait3A_1038 = arith.constant 0 : i32
          %dma_wait3A_1039 = arith.constant 0 : i32
          %dma_wait3A_1040 = tpu.memref_slice %dma_wait3A_1037[%dma_wait3A_1038, %dma_wait3A_1039] : memref<200x128xf32, #tpu.memory_space<vmem>> -> memref<50x128xf32, #tpu.memory_space<vmem>>
          %dma_wait3A_1041 = arith.constant 0 : i32
          %dma_wait3A_1042 = arith.constant 0 : i32
          %dma_wait3A_1043 = tpu.memref_slice %arg4[%add3A_1032, %dma_wait3A_1041, %dma_wait3A_1042] : memref<16384x56x128xf32, #tpu.memory_space<hbm>> -> memref<1x50x128xf32, #tpu.memory_space<hbm>>
          %dma_wait3A_1044 = tpu.memref_squeeze %dma_wait3A_1043 : memref<1x50x128xf32, #tpu.memory_space<hbm>> -> memref<50x128xf32, #tpu.memory_space<hbm>>
          %dma_wait3A_1045 = arith.constant 0 : i32
          %dma_wait3A_1046 = arith.constant 0 : i32
          %dma_wait3A_1047 = tpu.memref_slice %arg4[%add3A_1032, %dma_wait3A_1045, %dma_wait3A_1046] : memref<16384x56x128xf32, #tpu.memory_space<hbm>> -> memref<1x50x128xf32, #tpu.memory_space<hbm>>
          %dma_wait3A_1048 = tpu.memref_squeeze %dma_wait3A_1047 : memref<1x50x128xf32, #tpu.memory_space<hbm>> -> memref<50x128xf32, #tpu.memory_space<hbm>>
          %dma_wait3A_1049 = arith.constant 0 : i32
          %dma_wait3A_1050 = arith.constant 0 : i32
          %dma_wait3A_1051 = tpu.memref_slice %arg7[%dma_wait3A_1033, %dma_wait3A_1049, %dma_wait3A_1050] : memref<3x200x128xf32, #tpu.memory_space<vmem>> -> memref<1x200x128xf32, #tpu.memory_space<vmem>>
          %dma_wait3A_1052 = tpu.memref_squeeze %dma_wait3A_1051 : memref<1x200x128xf32, #tpu.memory_space<vmem>> -> memref<200x128xf32, #tpu.memory_space<vmem>>
          %dma_wait3A_1053 = arith.constant 0 : i32
          %dma_wait3A_1054 = arith.constant 0 : i32
          %dma_wait3A_1055 = tpu.memref_slice %dma_wait3A_1052[%dma_wait3A_1053, %dma_wait3A_1054] : memref<200x128xf32, #tpu.memory_space<vmem>> -> memref<50x128xf32, #tpu.memory_space<vmem>>
          tpu.wait_dma2 semaphore(%arg11 : memref<!tpu.dma_semaphore, #tpu.memory_space<semaphore_mem>>) src(%dma_wait3A_1055 : memref<50x128xf32, #tpu.memory_space<vmem>>) dst(%dma_wait3A_1048 : memref<50x128xf32, #tpu.memory_space<hbm>>)
          %mul3A_1056 = arith.constant 4 : i32
          %mul3A_1057 = arith.muli %sub3A_1027, %mul3A_1056 : i32
          %add3A_1058 = arith.addi %mul3A_2, %mul3A_1057 : i32
          %add3A_1059 = arith.constant 1 : i32
          %add3A_1060 = arith.addi %add3A_1058, %add3A_1059 : i32
          %dma_wait3A_1061 = arith.constant 0 : i32
          %dma_wait3A_1062 = arith.constant 0 : i32
          %dma_wait3A_1063 = arith.constant 0 : i32
          %dma_wait3A_1064 = tpu.memref_slice %arg7[%dma_wait3A_1061, %dma_wait3A_1062, %dma_wait3A_1063] : memref<3x200x128xf32, #tpu.memory_space<vmem>> -> memref<1x200x128xf32, #tpu.memory_space<vmem>>
          %dma_wait3A_1065 = tpu.memref_squeeze %dma_wait3A_1064 : memref<1x200x128xf32, #tpu.memory_space<vmem>> -> memref<200x128xf32, #tpu.memory_space<vmem>>
          %dma_wait3A_1066 = arith.constant 50 : i32
          %dma_wait3A_1067 = arith.constant 0 : i32
          %dma_wait3A_1068 = tpu.memref_slice %dma_wait3A_1065[%dma_wait3A_1066, %dma_wait3A_1067] : memref<200x128xf32, #tpu.memory_space<vmem>> -> memref<50x128xf32, #tpu.memory_space<vmem>>
          %dma_wait3A_1069 = arith.constant 0 : i32
          %dma_wait3A_1070 = arith.constant 0 : i32
          %dma_wait3A_1071 = tpu.memref_slice %arg4[%add3A_1060, %dma_wait3A_1069, %dma_wait3A_1070] : memref<16384x56x128xf32, #tpu.memory_space<hbm>> -> memref<1x50x128xf32, #tpu.memory_space<hbm>>
          %dma_wait3A_1072 = tpu.memref_squeeze %dma_wait3A_1071 : memref<1x50x128xf32, #tpu.memory_space<hbm>> -> memref<50x128xf32, #tpu.memory_space<hbm>>
          %dma_wait3A_1073 = arith.constant 0 : i32
          %dma_wait3A_1074 = arith.constant 0 : i32
          %dma_wait3A_1075 = tpu.memref_slice %arg4[%add3A_1060, %dma_wait3A_1073, %dma_wait3A_1074] : memref<16384x56x128xf32, #tpu.memory_space<hbm>> -> memref<1x50x128xf32, #tpu.memory_space<hbm>>
          %dma_wait3A_1076 = tpu.memref_squeeze %dma_wait3A_1075 : memref<1x50x128xf32, #tpu.memory_space<hbm>> -> memref<50x128xf32, #tpu.memory_space<hbm>>
          %dma_wait3A_1077 = arith.constant 0 : i32
          %dma_wait3A_1078 = arith.constant 0 : i32
          %dma_wait3A_1079 = tpu.memref_slice %arg7[%dma_wait3A_1061, %dma_wait3A_1077, %dma_wait3A_1078] : memref<3x200x128xf32, #tpu.memory_space<vmem>> -> memref<1x200x128xf32, #tpu.memory_space<vmem>>
          %dma_wait3A_1080 = tpu.memref_squeeze %dma_wait3A_1079 : memref<1x200x128xf32, #tpu.memory_space<vmem>> -> memref<200x128xf32, #tpu.memory_space<vmem>>
          %dma_wait3A_1081 = arith.constant 50 : i32
          %dma_wait3A_1082 = arith.constant 0 : i32
          %dma_wait3A_1083 = tpu.memref_slice %dma_wait3A_1080[%dma_wait3A_1081, %dma_wait3A_1082] : memref<200x128xf32, #tpu.memory_space<vmem>> -> memref<50x128xf32, #tpu.memory_space<vmem>>
          tpu.wait_dma2 semaphore(%arg11 : memref<!tpu.dma_semaphore, #tpu.memory_space<semaphore_mem>>) src(%dma_wait3A_1083 : memref<50x128xf32, #tpu.memory_space<vmem>>) dst(%dma_wait3A_1076 : memref<50x128xf32, #tpu.memory_space<hbm>>)
          %mul3A_1084 = arith.constant 4 : i32
          %mul3A_1085 = arith.muli %sub3A_1027, %mul3A_1084 : i32
          %add3A_1086 = arith.addi %mul3A_2, %mul3A_1085 : i32
          %add3A_1087 = arith.constant 2 : i32
          %add3A_1088 = arith.addi %add3A_1086, %add3A_1087 : i32
          %dma_wait3A_1089 = arith.constant 0 : i32
          %dma_wait3A_1090 = arith.constant 0 : i32
          %dma_wait3A_1091 = arith.constant 0 : i32
          %dma_wait3A_1092 = tpu.memref_slice %arg7[%dma_wait3A_1089, %dma_wait3A_1090, %dma_wait3A_1091] : memref<3x200x128xf32, #tpu.memory_space<vmem>> -> memref<1x200x128xf32, #tpu.memory_space<vmem>>
          %dma_wait3A_1093 = tpu.memref_squeeze %dma_wait3A_1092 : memref<1x200x128xf32, #tpu.memory_space<vmem>> -> memref<200x128xf32, #tpu.memory_space<vmem>>
          %dma_wait3A_1094 = arith.constant 100 : i32
          %dma_wait3A_1095 = arith.constant 0 : i32
          %dma_wait3A_1096 = tpu.memref_slice %dma_wait3A_1093[%dma_wait3A_1094, %dma_wait3A_1095] : memref<200x128xf32, #tpu.memory_space<vmem>> -> memref<50x128xf32, #tpu.memory_space<vmem>>
          %dma_wait3A_1097 = arith.constant 0 : i32
          %dma_wait3A_1098 = arith.constant 0 : i32
          %dma_wait3A_1099 = tpu.memref_slice %arg4[%add3A_1088, %dma_wait3A_1097, %dma_wait3A_1098] : memref<16384x56x128xf32, #tpu.memory_space<hbm>> -> memref<1x50x128xf32, #tpu.memory_space<hbm>>
          %dma_wait3A_1100 = tpu.memref_squeeze %dma_wait3A_1099 : memref<1x50x128xf32, #tpu.memory_space<hbm>> -> memref<50x128xf32, #tpu.memory_space<hbm>>
          %dma_wait3A_1101 = arith.constant 0 : i32
          %dma_wait3A_1102 = arith.constant 0 : i32
          %dma_wait3A_1103 = tpu.memref_slice %arg4[%add3A_1088, %dma_wait3A_1101, %dma_wait3A_1102] : memref<16384x56x128xf32, #tpu.memory_space<hbm>> -> memref<1x50x128xf32, #tpu.memory_space<hbm>>
          %dma_wait3A_1104 = tpu.memref_squeeze %dma_wait3A_1103 : memref<1x50x128xf32, #tpu.memory_space<hbm>> -> memref<50x128xf32, #tpu.memory_space<hbm>>
          %dma_wait3A_1105 = arith.constant 0 : i32
          %dma_wait3A_1106 = arith.constant 0 : i32
          %dma_wait3A_1107 = tpu.memref_slice %arg7[%dma_wait3A_1089, %dma_wait3A_1105, %dma_wait3A_1106] : memref<3x200x128xf32, #tpu.memory_space<vmem>> -> memref<1x200x128xf32, #tpu.memory_space<vmem>>
          %dma_wait3A_1108 = tpu.memref_squeeze %dma_wait3A_1107 : memref<1x200x128xf32, #tpu.memory_space<vmem>> -> memref<200x128xf32, #tpu.memory_space<vmem>>
          %dma_wait3A_1109 = arith.constant 100 : i32
          %dma_wait3A_1110 = arith.constant 0 : i32
          %dma_wait3A_1111 = tpu.memref_slice %dma_wait3A_1108[%dma_wait3A_1109, %dma_wait3A_1110] : memref<200x128xf32, #tpu.memory_space<vmem>> -> memref<50x128xf32, #tpu.memory_space<vmem>>
          tpu.wait_dma2 semaphore(%arg11 : memref<!tpu.dma_semaphore, #tpu.memory_space<semaphore_mem>>) src(%dma_wait3A_1111 : memref<50x128xf32, #tpu.memory_space<vmem>>) dst(%dma_wait3A_1104 : memref<50x128xf32, #tpu.memory_space<hbm>>)
          %mul3A_1112 = arith.constant 4 : i32
          %mul3A_1113 = arith.muli %sub3A_1027, %mul3A_1112 : i32
          %add3A_1114 = arith.addi %mul3A_2, %mul3A_1113 : i32
          %add3A_1115 = arith.constant 3 : i32
          %add3A_1116 = arith.addi %add3A_1114, %add3A_1115 : i32
          %dma_wait3A_1117 = arith.constant 0 : i32
          %dma_wait3A_1118 = arith.constant 0 : i32
          %dma_wait3A_1119 = arith.constant 0 : i32
          %dma_wait3A_1120 = tpu.memref_slice %arg7[%dma_wait3A_1117, %dma_wait3A_1118, %dma_wait3A_1119] : memref<3x200x128xf32, #tpu.memory_space<vmem>> -> memref<1x200x128xf32, #tpu.memory_space<vmem>>
          %dma_wait3A_1121 = tpu.memref_squeeze %dma_wait3A_1120 : memref<1x200x128xf32, #tpu.memory_space<vmem>> -> memref<200x128xf32, #tpu.memory_space<vmem>>
          %dma_wait3A_1122 = arith.constant 150 : i32
          %dma_wait3A_1123 = arith.constant 0 : i32
          %dma_wait3A_1124 = tpu.memref_slice %dma_wait3A_1121[%dma_wait3A_1122, %dma_wait3A_1123] : memref<200x128xf32, #tpu.memory_space<vmem>> -> memref<50x128xf32, #tpu.memory_space<vmem>>
          %dma_wait3A_1125 = arith.constant 0 : i32
          %dma_wait3A_1126 = arith.constant 0 : i32
          %dma_wait3A_1127 = tpu.memref_slice %arg4[%add3A_1116, %dma_wait3A_1125, %dma_wait3A_1126] : memref<16384x56x128xf32, #tpu.memory_space<hbm>> -> memref<1x50x128xf32, #tpu.memory_space<hbm>>
          %dma_wait3A_1128 = tpu.memref_squeeze %dma_wait3A_1127 : memref<1x50x128xf32, #tpu.memory_space<hbm>> -> memref<50x128xf32, #tpu.memory_space<hbm>>
          %dma_wait3A_1129 = arith.constant 0 : i32
          %dma_wait3A_1130 = arith.constant 0 : i32
          %dma_wait3A_1131 = tpu.memref_slice %arg4[%add3A_1116, %dma_wait3A_1129, %dma_wait3A_1130] : memref<16384x56x128xf32, #tpu.memory_space<hbm>> -> memref<1x50x128xf32, #tpu.memory_space<hbm>>
          %dma_wait3A_1132 = tpu.memref_squeeze %dma_wait3A_1131 : memref<1x50x128xf32, #tpu.memory_space<hbm>> -> memref<50x128xf32, #tpu.memory_space<hbm>>
          %dma_wait3A_1133 = arith.constant 0 : i32
          %dma_wait3A_1134 = arith.constant 0 : i32
          %dma_wait3A_1135 = tpu.memref_slice %arg7[%dma_wait3A_1117, %dma_wait3A_1133, %dma_wait3A_1134] : memref<3x200x128xf32, #tpu.memory_space<vmem>> -> memref<1x200x128xf32, #tpu.memory_space<vmem>>
          %dma_wait3A_1136 = tpu.memref_squeeze %dma_wait3A_1135 : memref<1x200x128xf32, #tpu.memory_space<vmem>> -> memref<200x128xf32, #tpu.memory_space<vmem>>
          %dma_wait3A_1137 = arith.constant 150 : i32
          %dma_wait3A_1138 = arith.constant 0 : i32
          %dma_wait3A_1139 = tpu.memref_slice %dma_wait3A_1136[%dma_wait3A_1137, %dma_wait3A_1138] : memref<200x128xf32, #tpu.memory_space<vmem>> -> memref<50x128xf32, #tpu.memory_space<vmem>>
          tpu.wait_dma2 semaphore(%arg11 : memref<!tpu.dma_semaphore, #tpu.memory_space<semaphore_mem>>) src(%dma_wait3A_1139 : memref<50x128xf32, #tpu.memory_space<vmem>>) dst(%dma_wait3A_1132 : memref<50x128xf32, #tpu.memory_space<hbm>>)
        } else {
        }
        %add3A_1014 = arith.constant 2 : i32
        %add3A_1015 = arith.addi %add3A_745, %add3A_1014 : i32
        %dma_start3A_1016 = arith.constant 0 : i32
        %dma_start3A_1017 = arith.constant 0 : i32
        %dma_start3A_1018 = arith.constant 0 : i32
        %dma_start3A_1019 = tpu.memref_slice %arg7[%dma_start3A_1016, %dma_start3A_1017, %dma_start3A_1018] : memref<3x200x128xf32, #tpu.memory_space<vmem>> -> memref<1x200x128xf32, #tpu.memory_space<vmem>>
        %dma_start3A_1020 = tpu.memref_squeeze %dma_start3A_1019 : memref<1x200x128xf32, #tpu.memory_space<vmem>> -> memref<200x128xf32, #tpu.memory_space<vmem>>
        %dma_start3A_1021 = arith.constant 0 : i32
        %dma_start3A_1022 = tpu.memref_slice %arg6[%add3A_1015, %dma_start3A_1021] : memref<128x200xi32, #tpu.memory_space<vmem>> -> memref<1x200xi32, #tpu.memory_space<vmem>>
        %dma_start3A_1023 = tpu.memref_squeeze %dma_start3A_1022 : memref<1x200xi32, #tpu.memory_space<vmem>> -> memref<200xi32, #tpu.memory_space<vmem>>
        %dma_start3A_1024 = arith.constant 0 : i32
        %dma_start3A_1025 = arith.constant 0 : i32
        %dma_start3A_1026 = tpu.memref_slice %arg3[%dma_start3A_1024, %dma_start3A_1025] : memref<100000x128xf32, #tpu.memory_space<hbm>> -> memref<100000x128xf32, #tpu.memory_space<hbm>>
        tpu.enqueue_indirect_dma source(%dma_start3A_1026 : memref<100000x128xf32, #tpu.memory_space<hbm>>) target(%dma_start3A_1020 : memref<200x128xf32, #tpu.memory_space<vmem>>) offsets(%dma_start3A_1023 : memref<200xi32, #tpu.memory_space<vmem>>) semaphore(%arg8 : memref<!tpu.dma_semaphore, #tpu.memory_space<semaphore_mem>>)
      } else {
      }
      %dma_wait3A_753 = arith.constant 1 : i32
      %dma_wait3A_754 = arith.constant 0 : i32
      %dma_wait3A_755 = arith.constant 0 : i32
      %dma_wait3A_756 = tpu.memref_slice %arg7[%dma_wait3A_753, %dma_wait3A_754, %dma_wait3A_755] : memref<3x200x128xf32, #tpu.memory_space<vmem>> -> memref<1x200x128xf32, #tpu.memory_space<vmem>>
      %dma_wait3A_757 = tpu.memref_squeeze %dma_wait3A_756 : memref<1x200x128xf32, #tpu.memory_space<vmem>> -> memref<200x128xf32, #tpu.memory_space<vmem>>
      %dma_wait3A_758 = arith.constant 0 : i32
      %dma_wait3A_759 = tpu.memref_slice %arg6[%add3A_745, %dma_wait3A_758] : memref<128x200xi32, #tpu.memory_space<vmem>> -> memref<1x200xi32, #tpu.memory_space<vmem>>
      %dma_wait3A_760 = tpu.memref_squeeze %dma_wait3A_759 : memref<1x200xi32, #tpu.memory_space<vmem>> -> memref<200xi32, #tpu.memory_space<vmem>>
      %dma_wait3A_761 = arith.constant 0 : i32
      %dma_wait3A_762 = arith.constant 0 : i32
      %dma_wait3A_763 = tpu.memref_slice %arg3[%dma_wait3A_761, %dma_wait3A_762] : memref<100000x128xf32, #tpu.memory_space<hbm>> -> memref<100000x128xf32, #tpu.memory_space<hbm>>
      tpu.wait_indirect_dma semaphore(%arg9 : memref<!tpu.dma_semaphore, #tpu.memory_space<semaphore_mem>>) src(%dma_wait3A_763 : memref<100000x128xf32, #tpu.memory_space<hbm>>) dst(%dma_wait3A_757 : memref<200x128xf32, #tpu.memory_space<vmem>>)
      %mul3A_764 = arith.constant 4 : i32
      %mul3A_765 = arith.muli %add3A_745, %mul3A_764 : i32
      %add3A_766 = arith.addi %mul3A_2, %mul3A_765 : i32
      %add3A_767 = arith.constant 0 : i32
      %add3A_768 = arith.addi %add3A_766, %add3A_767 : i32
      %dma_start3A_769 = arith.constant 1 : i32
      %dma_start3A_770 = arith.constant 0 : i32
      %dma_start3A_771 = arith.constant 0 : i32
      %dma_start3A_772 = tpu.memref_slice %arg7[%dma_start3A_769, %dma_start3A_770, %dma_start3A_771] : memref<3x200x128xf32, #tpu.memory_space<vmem>> -> memref<1x200x128xf32, #tpu.memory_space<vmem>>
      %dma_start3A_773 = tpu.memref_squeeze %dma_start3A_772 : memref<1x200x128xf32, #tpu.memory_space<vmem>> -> memref<200x128xf32, #tpu.memory_space<vmem>>
      %dma_start3A_774 = arith.constant 0 : i32
      %dma_start3A_775 = arith.constant 0 : i32
      %dma_start3A_776 = tpu.memref_slice %dma_start3A_773[%dma_start3A_774, %dma_start3A_775] : memref<200x128xf32, #tpu.memory_space<vmem>> -> memref<50x128xf32, #tpu.memory_space<vmem>>
      %dma_start3A_777 = arith.constant 0 : i32
      %dma_start3A_778 = arith.constant 0 : i32
      %dma_start3A_779 = tpu.memref_slice %arg4[%add3A_768, %dma_start3A_777, %dma_start3A_778] : memref<16384x56x128xf32, #tpu.memory_space<hbm>> -> memref<1x50x128xf32, #tpu.memory_space<hbm>>
      %dma_start3A_780 = tpu.memref_squeeze %dma_start3A_779 : memref<1x50x128xf32, #tpu.memory_space<hbm>> -> memref<50x128xf32, #tpu.memory_space<hbm>>
      %dma_start3A_781 = arith.constant 0 : i32
      %dma_start3A_782 = arith.constant 0 : i32
      %dma_start3A_783 = tpu.memref_slice %arg4[%add3A_768, %dma_start3A_781, %dma_start3A_782] : memref<16384x56x128xf32, #tpu.memory_space<hbm>> -> memref<1x50x128xf32, #tpu.memory_space<hbm>>
      %dma_start3A_784 = tpu.memref_squeeze %dma_start3A_783 : memref<1x50x128xf32, #tpu.memory_space<hbm>> -> memref<50x128xf32, #tpu.memory_space<hbm>>
      %dma_start3A_785 = arith.constant 0 : i32
      %dma_start3A_786 = arith.constant 0 : i32
      %dma_start3A_787 = tpu.memref_slice %arg7[%dma_start3A_769, %dma_start3A_785, %dma_start3A_786] : memref<3x200x128xf32, #tpu.memory_space<vmem>> -> memref<1x200x128xf32, #tpu.memory_space<vmem>>
      %dma_start3A_788 = tpu.memref_squeeze %dma_start3A_787 : memref<1x200x128xf32, #tpu.memory_space<vmem>> -> memref<200x128xf32, #tpu.memory_space<vmem>>
      %dma_start3A_789 = arith.constant 0 : i32
      %dma_start3A_790 = arith.constant 0 : i32
      %dma_start3A_791 = tpu.memref_slice %dma_start3A_788[%dma_start3A_789, %dma_start3A_790] : memref<200x128xf32, #tpu.memory_space<vmem>> -> memref<50x128xf32, #tpu.memory_space<vmem>>
      tpu.enqueue_dma source(%dma_start3A_791 : memref<50x128xf32, #tpu.memory_space<vmem>>) target(%dma_start3A_784 : memref<50x128xf32, #tpu.memory_space<hbm>>) target_semaphore(%arg12 : memref<!tpu.dma_semaphore, #tpu.memory_space<semaphore_mem>>)
      %mul3A_792 = arith.constant 4 : i32
      %mul3A_793 = arith.muli %add3A_745, %mul3A_792 : i32
      %add3A_794 = arith.addi %mul3A_2, %mul3A_793 : i32
      %add3A_795 = arith.constant 1 : i32
      %add3A_796 = arith.addi %add3A_794, %add3A_795 : i32
      %dma_start3A_797 = arith.constant 1 : i32
      %dma_start3A_798 = arith.constant 0 : i32
      %dma_start3A_799 = arith.constant 0 : i32
      %dma_start3A_800 = tpu.memref_slice %arg7[%dma_start3A_797, %dma_start3A_798, %dma_start3A_799] : memref<3x200x128xf32, #tpu.memory_space<vmem>> -> memref<1x200x128xf32, #tpu.memory_space<vmem>>
      %dma_start3A_801 = tpu.memref_squeeze %dma_start3A_800 : memref<1x200x128xf32, #tpu.memory_space<vmem>> -> memref<200x128xf32, #tpu.memory_space<vmem>>
      %dma_start3A_802 = arith.constant 50 : i32
      %dma_start3A_803 = arith.constant 0 : i32
      %dma_start3A_804 = tpu.memref_slice %dma_start3A_801[%dma_start3A_802, %dma_start3A_803] : memref<200x128xf32, #tpu.memory_space<vmem>> -> memref<50x128xf32, #tpu.memory_space<vmem>>
      %dma_start3A_805 = arith.constant 0 : i32
      %dma_start3A_806 = arith.constant 0 : i32
      %dma_start3A_807 = tpu.memref_slice %arg4[%add3A_796, %dma_start3A_805, %dma_start3A_806] : memref<16384x56x128xf32, #tpu.memory_space<hbm>> -> memref<1x50x128xf32, #tpu.memory_space<hbm>>
      %dma_start3A_808 = tpu.memref_squeeze %dma_start3A_807 : memref<1x50x128xf32, #tpu.memory_space<hbm>> -> memref<50x128xf32, #tpu.memory_space<hbm>>
      %dma_start3A_809 = arith.constant 0 : i32
      %dma_start3A_810 = arith.constant 0 : i32
      %dma_start3A_811 = tpu.memref_slice %arg4[%add3A_796, %dma_start3A_809, %dma_start3A_810] : memref<16384x56x128xf32, #tpu.memory_space<hbm>> -> memref<1x50x128xf32, #tpu.memory_space<hbm>>
      %dma_start3A_812 = tpu.memref_squeeze %dma_start3A_811 : memref<1x50x128xf32, #tpu.memory_space<hbm>> -> memref<50x128xf32, #tpu.memory_space<hbm>>
      %dma_start3A_813 = arith.constant 0 : i32
      %dma_start3A_814 = arith.constant 0 : i32
      %dma_start3A_815 = tpu.memref_slice %arg7[%dma_start3A_797, %dma_start3A_813, %dma_start3A_814] : memref<3x200x128xf32, #tpu.memory_space<vmem>> -> memref<1x200x128xf32, #tpu.memory_space<vmem>>
      %dma_start3A_816 = tpu.memref_squeeze %dma_start3A_815 : memref<1x200x128xf32, #tpu.memory_space<vmem>> -> memref<200x128xf32, #tpu.memory_space<vmem>>
      %dma_start3A_817 = arith.constant 50 : i32
      %dma_start3A_818 = arith.constant 0 : i32
      %dma_start3A_819 = tpu.memref_slice %dma_start3A_816[%dma_start3A_817, %dma_start3A_818] : memref<200x128xf32, #tpu.memory_space<vmem>> -> memref<50x128xf32, #tpu.memory_space<vmem>>
      tpu.enqueue_dma source(%dma_start3A_819 : memref<50x128xf32, #tpu.memory_space<vmem>>) target(%dma_start3A_812 : memref<50x128xf32, #tpu.memory_space<hbm>>) target_semaphore(%arg12 : memref<!tpu.dma_semaphore, #tpu.memory_space<semaphore_mem>>)
      %mul3A_820 = arith.constant 4 : i32
      %mul3A_821 = arith.muli %add3A_745, %mul3A_820 : i32
      %add3A_822 = arith.addi %mul3A_2, %mul3A_821 : i32
      %add3A_823 = arith.constant 2 : i32
      %add3A_824 = arith.addi %add3A_822, %add3A_823 : i32
      %dma_start3A_825 = arith.constant 1 : i32
      %dma_start3A_826 = arith.constant 0 : i32
      %dma_start3A_827 = arith.constant 0 : i32
      %dma_start3A_828 = tpu.memref_slice %arg7[%dma_start3A_825, %dma_start3A_826, %dma_start3A_827] : memref<3x200x128xf32, #tpu.memory_space<vmem>> -> memref<1x200x128xf32, #tpu.memory_space<vmem>>
      %dma_start3A_829 = tpu.memref_squeeze %dma_start3A_828 : memref<1x200x128xf32, #tpu.memory_space<vmem>> -> memref<200x128xf32, #tpu.memory_space<vmem>>
      %dma_start3A_830 = arith.constant 100 : i32
      %dma_start3A_831 = arith.constant 0 : i32
      %dma_start3A_832 = tpu.memref_slice %dma_start3A_829[%dma_start3A_830, %dma_start3A_831] : memref<200x128xf32, #tpu.memory_space<vmem>> -> memref<50x128xf32, #tpu.memory_space<vmem>>
      %dma_start3A_833 = arith.constant 0 : i32
      %dma_start3A_834 = arith.constant 0 : i32
      %dma_start3A_835 = tpu.memref_slice %arg4[%add3A_824, %dma_start3A_833, %dma_start3A_834] : memref<16384x56x128xf32, #tpu.memory_space<hbm>> -> memref<1x50x128xf32, #tpu.memory_space<hbm>>
      %dma_start3A_836 = tpu.memref_squeeze %dma_start3A_835 : memref<1x50x128xf32, #tpu.memory_space<hbm>> -> memref<50x128xf32, #tpu.memory_space<hbm>>
      %dma_start3A_837 = arith.constant 0 : i32
      %dma_start3A_838 = arith.constant 0 : i32
      %dma_start3A_839 = tpu.memref_slice %arg4[%add3A_824, %dma_start3A_837, %dma_start3A_838] : memref<16384x56x128xf32, #tpu.memory_space<hbm>> -> memref<1x50x128xf32, #tpu.memory_space<hbm>>
      %dma_start3A_840 = tpu.memref_squeeze %dma_start3A_839 : memref<1x50x128xf32, #tpu.memory_space<hbm>> -> memref<50x128xf32, #tpu.memory_space<hbm>>
      %dma_start3A_841 = arith.constant 0 : i32
      %dma_start3A_842 = arith.constant 0 : i32
      %dma_start3A_843 = tpu.memref_slice %arg7[%dma_start3A_825, %dma_start3A_841, %dma_start3A_842] : memref<3x200x128xf32, #tpu.memory_space<vmem>> -> memref<1x200x128xf32, #tpu.memory_space<vmem>>
      %dma_start3A_844 = tpu.memref_squeeze %dma_start3A_843 : memref<1x200x128xf32, #tpu.memory_space<vmem>> -> memref<200x128xf32, #tpu.memory_space<vmem>>
      %dma_start3A_845 = arith.constant 100 : i32
      %dma_start3A_846 = arith.constant 0 : i32
      %dma_start3A_847 = tpu.memref_slice %dma_start3A_844[%dma_start3A_845, %dma_start3A_846] : memref<200x128xf32, #tpu.memory_space<vmem>> -> memref<50x128xf32, #tpu.memory_space<vmem>>
      tpu.enqueue_dma source(%dma_start3A_847 : memref<50x128xf32, #tpu.memory_space<vmem>>) target(%dma_start3A_840 : memref<50x128xf32, #tpu.memory_space<hbm>>) target_semaphore(%arg12 : memref<!tpu.dma_semaphore, #tpu.memory_space<semaphore_mem>>)
      %mul3A_848 = arith.constant 4 : i32
      %mul3A_849 = arith.muli %add3A_745, %mul3A_848 : i32
      %add3A_850 = arith.addi %mul3A_2, %mul3A_849 : i32
      %add3A_851 = arith.constant 3 : i32
      %add3A_852 = arith.addi %add3A_850, %add3A_851 : i32
      %dma_start3A_853 = arith.constant 1 : i32
      %dma_start3A_854 = arith.constant 0 : i32
      %dma_start3A_855 = arith.constant 0 : i32
      %dma_start3A_856 = tpu.memref_slice %arg7[%dma_start3A_853, %dma_start3A_854, %dma_start3A_855] : memref<3x200x128xf32, #tpu.memory_space<vmem>> -> memref<1x200x128xf32, #tpu.memory_space<vmem>>
      %dma_start3A_857 = tpu.memref_squeeze %dma_start3A_856 : memref<1x200x128xf32, #tpu.memory_space<vmem>> -> memref<200x128xf32, #tpu.memory_space<vmem>>
      %dma_start3A_858 = arith.constant 150 : i32
      %dma_start3A_859 = arith.constant 0 : i32
      %dma_start3A_860 = tpu.memref_slice %dma_start3A_857[%dma_start3A_858, %dma_start3A_859] : memref<200x128xf32, #tpu.memory_space<vmem>> -> memref<50x128xf32, #tpu.memory_space<vmem>>
      %dma_start3A_861 = arith.constant 0 : i32
      %dma_start3A_862 = arith.constant 0 : i32
      %dma_start3A_863 = tpu.memref_slice %arg4[%add3A_852, %dma_start3A_861, %dma_start3A_862] : memref<16384x56x128xf32, #tpu.memory_space<hbm>> -> memref<1x50x128xf32, #tpu.memory_space<hbm>>
      %dma_start3A_864 = tpu.memref_squeeze %dma_start3A_863 : memref<1x50x128xf32, #tpu.memory_space<hbm>> -> memref<50x128xf32, #tpu.memory_space<hbm>>
      %dma_start3A_865 = arith.constant 0 : i32
      %dma_start3A_866 = arith.constant 0 : i32
      %dma_start3A_867 = tpu.memref_slice %arg4[%add3A_852, %dma_start3A_865, %dma_start3A_866] : memref<16384x56x128xf32, #tpu.memory_space<hbm>> -> memref<1x50x128xf32, #tpu.memory_space<hbm>>
      %dma_start3A_868 = tpu.memref_squeeze %dma_start3A_867 : memref<1x50x128xf32, #tpu.memory_space<hbm>> -> memref<50x128xf32, #tpu.memory_space<hbm>>
      %dma_start3A_869 = arith.constant 0 : i32
      %dma_start3A_870 = arith.constant 0 : i32
      %dma_start3A_871 = tpu.memref_slice %arg7[%dma_start3A_853, %dma_start3A_869, %dma_start3A_870] : memref<3x200x128xf32, #tpu.memory_space<vmem>> -> memref<1x200x128xf32, #tpu.memory_space<vmem>>
      %dma_start3A_872 = tpu.memref_squeeze %dma_start3A_871 : memref<1x200x128xf32, #tpu.memory_space<vmem>> -> memref<200x128xf32, #tpu.memory_space<vmem>>
      %dma_start3A_873 = arith.constant 150 : i32
      %dma_start3A_874 = arith.constant 0 : i32
      %dma_start3A_875 = tpu.memref_slice %dma_start3A_872[%dma_start3A_873, %dma_start3A_874] : memref<200x128xf32, #tpu.memory_space<vmem>> -> memref<50x128xf32, #tpu.memory_space<vmem>>
      tpu.enqueue_dma source(%dma_start3A_875 : memref<50x128xf32, #tpu.memory_space<vmem>>) target(%dma_start3A_868 : memref<50x128xf32, #tpu.memory_space<hbm>>) target_semaphore(%arg12 : memref<!tpu.dma_semaphore, #tpu.memory_space<semaphore_mem>>)
      %mul3A_876 = arith.constant 3 : i32
      %mul3A_877 = arith.muli %scan3A_610, %mul3A_876 : i32
      %add3A_878 = arith.constant 2 : i32
      %add3A_879 = arith.addi %mul3A_877, %add3A_878 : i32
      %add3A_880 = arith.constant 2 : i32
      %add3A_881 = arith.addi %add3A_879, %add3A_880 : i32
      %lt3A_882 = arith.constant 128 : i32
      %lt3A_883 = arith.cmpi slt, %add3A_881, %lt3A_882 : i32
      %convert_element_type3A_884 = arith.extui %lt3A_883 : i1 to i32
      %cond3A_885 = arith.constant 0 : i32
      %cond3A_886 = arith.cmpi ne, %convert_element_type3A_884, %cond3A_885 : i32
      scf.if %cond3A_886 {
        %ge3A = arith.constant 1 : i32
        %ge3A_1010 = arith.cmpi sge, %add3A_879, %ge3A : i32
        %convert_element_type3A_1011 = arith.extui %ge3A_1010 : i1 to i32
        %cond3A_1012 = arith.constant 0 : i32
        %cond3A_1013 = arith.cmpi ne, %convert_element_type3A_1011, %cond3A_1012 : i32
        scf.if %cond3A_1013 {
          %sub3A = arith.constant 1 : i32
          %sub3A_1027 = arith.subi %add3A_879, %sub3A : i32
          %mul3A_1028 = arith.constant 4 : i32
          %mul3A_1029 = arith.muli %sub3A_1027, %mul3A_1028 : i32
          %add3A_1030 = arith.addi %mul3A_2, %mul3A_1029 : i32
          %add3A_1031 = arith.constant 0 : i32
          %add3A_1032 = arith.addi %add3A_1030, %add3A_1031 : i32
          %dma_wait3A_1033 = arith.constant 1 : i32
          %dma_wait3A_1034 = arith.constant 0 : i32
          %dma_wait3A_1035 = arith.constant 0 : i32
          %dma_wait3A_1036 = tpu.memref_slice %arg7[%dma_wait3A_1033, %dma_wait3A_1034, %dma_wait3A_1035] : memref<3x200x128xf32, #tpu.memory_space<vmem>> -> memref<1x200x128xf32, #tpu.memory_space<vmem>>
          %dma_wait3A_1037 = tpu.memref_squeeze %dma_wait3A_1036 : memref<1x200x128xf32, #tpu.memory_space<vmem>> -> memref<200x128xf32, #tpu.memory_space<vmem>>
          %dma_wait3A_1038 = arith.constant 0 : i32
          %dma_wait3A_1039 = arith.constant 0 : i32
          %dma_wait3A_1040 = tpu.memref_slice %dma_wait3A_1037[%dma_wait3A_1038, %dma_wait3A_1039] : memref<200x128xf32, #tpu.memory_space<vmem>> -> memref<50x128xf32, #tpu.memory_space<vmem>>
          %dma_wait3A_1041 = arith.constant 0 : i32
          %dma_wait3A_1042 = arith.constant 0 : i32
          %dma_wait3A_1043 = tpu.memref_slice %arg4[%add3A_1032, %dma_wait3A_1041, %dma_wait3A_1042] : memref<16384x56x128xf32, #tpu.memory_space<hbm>> -> memref<1x50x128xf32, #tpu.memory_space<hbm>>
          %dma_wait3A_1044 = tpu.memref_squeeze %dma_wait3A_1043 : memref<1x50x128xf32, #tpu.memory_space<hbm>> -> memref<50x128xf32, #tpu.memory_space<hbm>>
          %dma_wait3A_1045 = arith.constant 0 : i32
          %dma_wait3A_1046 = arith.constant 0 : i32
          %dma_wait3A_1047 = tpu.memref_slice %arg4[%add3A_1032, %dma_wait3A_1045, %dma_wait3A_1046] : memref<16384x56x128xf32, #tpu.memory_space<hbm>> -> memref<1x50x128xf32, #tpu.memory_space<hbm>>
          %dma_wait3A_1048 = tpu.memref_squeeze %dma_wait3A_1047 : memref<1x50x128xf32, #tpu.memory_space<hbm>> -> memref<50x128xf32, #tpu.memory_space<hbm>>
          %dma_wait3A_1049 = arith.constant 0 : i32
          %dma_wait3A_1050 = arith.constant 0 : i32
          %dma_wait3A_1051 = tpu.memref_slice %arg7[%dma_wait3A_1033, %dma_wait3A_1049, %dma_wait3A_1050] : memref<3x200x128xf32, #tpu.memory_space<vmem>> -> memref<1x200x128xf32, #tpu.memory_space<vmem>>
          %dma_wait3A_1052 = tpu.memref_squeeze %dma_wait3A_1051 : memref<1x200x128xf32, #tpu.memory_space<vmem>> -> memref<200x128xf32, #tpu.memory_space<vmem>>
          %dma_wait3A_1053 = arith.constant 0 : i32
          %dma_wait3A_1054 = arith.constant 0 : i32
          %dma_wait3A_1055 = tpu.memref_slice %dma_wait3A_1052[%dma_wait3A_1053, %dma_wait3A_1054] : memref<200x128xf32, #tpu.memory_space<vmem>> -> memref<50x128xf32, #tpu.memory_space<vmem>>
          tpu.wait_dma2 semaphore(%arg12 : memref<!tpu.dma_semaphore, #tpu.memory_space<semaphore_mem>>) src(%dma_wait3A_1055 : memref<50x128xf32, #tpu.memory_space<vmem>>) dst(%dma_wait3A_1048 : memref<50x128xf32, #tpu.memory_space<hbm>>)
          %mul3A_1056 = arith.constant 4 : i32
          %mul3A_1057 = arith.muli %sub3A_1027, %mul3A_1056 : i32
          %add3A_1058 = arith.addi %mul3A_2, %mul3A_1057 : i32
          %add3A_1059 = arith.constant 1 : i32
          %add3A_1060 = arith.addi %add3A_1058, %add3A_1059 : i32
          %dma_wait3A_1061 = arith.constant 1 : i32
          %dma_wait3A_1062 = arith.constant 0 : i32
          %dma_wait3A_1063 = arith.constant 0 : i32
          %dma_wait3A_1064 = tpu.memref_slice %arg7[%dma_wait3A_1061, %dma_wait3A_1062, %dma_wait3A_1063] : memref<3x200x128xf32, #tpu.memory_space<vmem>> -> memref<1x200x128xf32, #tpu.memory_space<vmem>>
          %dma_wait3A_1065 = tpu.memref_squeeze %dma_wait3A_1064 : memref<1x200x128xf32, #tpu.memory_space<vmem>> -> memref<200x128xf32, #tpu.memory_space<vmem>>
          %dma_wait3A_1066 = arith.constant 50 : i32
          %dma_wait3A_1067 = arith.constant 0 : i32
          %dma_wait3A_1068 = tpu.memref_slice %dma_wait3A_1065[%dma_wait3A_1066, %dma_wait3A_1067] : memref<200x128xf32, #tpu.memory_space<vmem>> -> memref<50x128xf32, #tpu.memory_space<vmem>>
          %dma_wait3A_1069 = arith.constant 0 : i32
          %dma_wait3A_1070 = arith.constant 0 : i32
          %dma_wait3A_1071 = tpu.memref_slice %arg4[%add3A_1060, %dma_wait3A_1069, %dma_wait3A_1070] : memref<16384x56x128xf32, #tpu.memory_space<hbm>> -> memref<1x50x128xf32, #tpu.memory_space<hbm>>
          %dma_wait3A_1072 = tpu.memref_squeeze %dma_wait3A_1071 : memref<1x50x128xf32, #tpu.memory_space<hbm>> -> memref<50x128xf32, #tpu.memory_space<hbm>>
          %dma_wait3A_1073 = arith.constant 0 : i32
          %dma_wait3A_1074 = arith.constant 0 : i32
          %dma_wait3A_1075 = tpu.memref_slice %arg4[%add3A_1060, %dma_wait3A_1073, %dma_wait3A_1074] : memref<16384x56x128xf32, #tpu.memory_space<hbm>> -> memref<1x50x128xf32, #tpu.memory_space<hbm>>
          %dma_wait3A_1076 = tpu.memref_squeeze %dma_wait3A_1075 : memref<1x50x128xf32, #tpu.memory_space<hbm>> -> memref<50x128xf32, #tpu.memory_space<hbm>>
          %dma_wait3A_1077 = arith.constant 0 : i32
          %dma_wait3A_1078 = arith.constant 0 : i32
          %dma_wait3A_1079 = tpu.memref_slice %arg7[%dma_wait3A_1061, %dma_wait3A_1077, %dma_wait3A_1078] : memref<3x200x128xf32, #tpu.memory_space<vmem>> -> memref<1x200x128xf32, #tpu.memory_space<vmem>>
          %dma_wait3A_1080 = tpu.memref_squeeze %dma_wait3A_1079 : memref<1x200x128xf32, #tpu.memory_space<vmem>> -> memref<200x128xf32, #tpu.memory_space<vmem>>
          %dma_wait3A_1081 = arith.constant 50 : i32
          %dma_wait3A_1082 = arith.constant 0 : i32
          %dma_wait3A_1083 = tpu.memref_slice %dma_wait3A_1080[%dma_wait3A_1081, %dma_wait3A_1082] : memref<200x128xf32, #tpu.memory_space<vmem>> -> memref<50x128xf32, #tpu.memory_space<vmem>>
          tpu.wait_dma2 semaphore(%arg12 : memref<!tpu.dma_semaphore, #tpu.memory_space<semaphore_mem>>) src(%dma_wait3A_1083 : memref<50x128xf32, #tpu.memory_space<vmem>>) dst(%dma_wait3A_1076 : memref<50x128xf32, #tpu.memory_space<hbm>>)
          %mul3A_1084 = arith.constant 4 : i32
          %mul3A_1085 = arith.muli %sub3A_1027, %mul3A_1084 : i32
          %add3A_1086 = arith.addi %mul3A_2, %mul3A_1085 : i32
          %add3A_1087 = arith.constant 2 : i32
          %add3A_1088 = arith.addi %add3A_1086, %add3A_1087 : i32
          %dma_wait3A_1089 = arith.constant 1 : i32
          %dma_wait3A_1090 = arith.constant 0 : i32
          %dma_wait3A_1091 = arith.constant 0 : i32
          %dma_wait3A_1092 = tpu.memref_slice %arg7[%dma_wait3A_1089, %dma_wait3A_1090, %dma_wait3A_1091] : memref<3x200x128xf32, #tpu.memory_space<vmem>> -> memref<1x200x128xf32, #tpu.memory_space<vmem>>
          %dma_wait3A_1093 = tpu.memref_squeeze %dma_wait3A_1092 : memref<1x200x128xf32, #tpu.memory_space<vmem>> -> memref<200x128xf32, #tpu.memory_space<vmem>>
          %dma_wait3A_1094 = arith.constant 100 : i32
          %dma_wait3A_1095 = arith.constant 0 : i32
          %dma_wait3A_1096 = tpu.memref_slice %dma_wait3A_1093[%dma_wait3A_1094, %dma_wait3A_1095] : memref<200x128xf32, #tpu.memory_space<vmem>> -> memref<50x128xf32, #tpu.memory_space<vmem>>
          %dma_wait3A_1097 = arith.constant 0 : i32
          %dma_wait3A_1098 = arith.constant 0 : i32
          %dma_wait3A_1099 = tpu.memref_slice %arg4[%add3A_1088, %dma_wait3A_1097, %dma_wait3A_1098] : memref<16384x56x128xf32, #tpu.memory_space<hbm>> -> memref<1x50x128xf32, #tpu.memory_space<hbm>>
          %dma_wait3A_1100 = tpu.memref_squeeze %dma_wait3A_1099 : memref<1x50x128xf32, #tpu.memory_space<hbm>> -> memref<50x128xf32, #tpu.memory_space<hbm>>
          %dma_wait3A_1101 = arith.constant 0 : i32
          %dma_wait3A_1102 = arith.constant 0 : i32
          %dma_wait3A_1103 = tpu.memref_slice %arg4[%add3A_1088, %dma_wait3A_1101, %dma_wait3A_1102] : memref<16384x56x128xf32, #tpu.memory_space<hbm>> -> memref<1x50x128xf32, #tpu.memory_space<hbm>>
          %dma_wait3A_1104 = tpu.memref_squeeze %dma_wait3A_1103 : memref<1x50x128xf32, #tpu.memory_space<hbm>> -> memref<50x128xf32, #tpu.memory_space<hbm>>
          %dma_wait3A_1105 = arith.constant 0 : i32
          %dma_wait3A_1106 = arith.constant 0 : i32
          %dma_wait3A_1107 = tpu.memref_slice %arg7[%dma_wait3A_1089, %dma_wait3A_1105, %dma_wait3A_1106] : memref<3x200x128xf32, #tpu.memory_space<vmem>> -> memref<1x200x128xf32, #tpu.memory_space<vmem>>
          %dma_wait3A_1108 = tpu.memref_squeeze %dma_wait3A_1107 : memref<1x200x128xf32, #tpu.memory_space<vmem>> -> memref<200x128xf32, #tpu.memory_space<vmem>>
          %dma_wait3A_1109 = arith.constant 100 : i32
          %dma_wait3A_1110 = arith.constant 0 : i32
          %dma_wait3A_1111 = tpu.memref_slice %dma_wait3A_1108[%dma_wait3A_1109, %dma_wait3A_1110] : memref<200x128xf32, #tpu.memory_space<vmem>> -> memref<50x128xf32, #tpu.memory_space<vmem>>
          tpu.wait_dma2 semaphore(%arg12 : memref<!tpu.dma_semaphore, #tpu.memory_space<semaphore_mem>>) src(%dma_wait3A_1111 : memref<50x128xf32, #tpu.memory_space<vmem>>) dst(%dma_wait3A_1104 : memref<50x128xf32, #tpu.memory_space<hbm>>)
          %mul3A_1112 = arith.constant 4 : i32
          %mul3A_1113 = arith.muli %sub3A_1027, %mul3A_1112 : i32
          %add3A_1114 = arith.addi %mul3A_2, %mul3A_1113 : i32
          %add3A_1115 = arith.constant 3 : i32
          %add3A_1116 = arith.addi %add3A_1114, %add3A_1115 : i32
          %dma_wait3A_1117 = arith.constant 1 : i32
          %dma_wait3A_1118 = arith.constant 0 : i32
          %dma_wait3A_1119 = arith.constant 0 : i32
          %dma_wait3A_1120 = tpu.memref_slice %arg7[%dma_wait3A_1117, %dma_wait3A_1118, %dma_wait3A_1119] : memref<3x200x128xf32, #tpu.memory_space<vmem>> -> memref<1x200x128xf32, #tpu.memory_space<vmem>>
          %dma_wait3A_1121 = tpu.memref_squeeze %dma_wait3A_1120 : memref<1x200x128xf32, #tpu.memory_space<vmem>> -> memref<200x128xf32, #tpu.memory_space<vmem>>
          %dma_wait3A_1122 = arith.constant 150 : i32
          %dma_wait3A_1123 = arith.constant 0 : i32
          %dma_wait3A_1124 = tpu.memref_slice %dma_wait3A_1121[%dma_wait3A_1122, %dma_wait3A_1123] : memref<200x128xf32, #tpu.memory_space<vmem>> -> memref<50x128xf32, #tpu.memory_space<vmem>>
          %dma_wait3A_1125 = arith.constant 0 : i32
          %dma_wait3A_1126 = arith.constant 0 : i32
          %dma_wait3A_1127 = tpu.memref_slice %arg4[%add3A_1116, %dma_wait3A_1125, %dma_wait3A_1126] : memref<16384x56x128xf32, #tpu.memory_space<hbm>> -> memref<1x50x128xf32, #tpu.memory_space<hbm>>
          %dma_wait3A_1128 = tpu.memref_squeeze %dma_wait3A_1127 : memref<1x50x128xf32, #tpu.memory_space<hbm>> -> memref<50x128xf32, #tpu.memory_space<hbm>>
          %dma_wait3A_1129 = arith.constant 0 : i32
          %dma_wait3A_1130 = arith.constant 0 : i32
          %dma_wait3A_1131 = tpu.memref_slice %arg4[%add3A_1116, %dma_wait3A_1129, %dma_wait3A_1130] : memref<16384x56x128xf32, #tpu.memory_space<hbm>> -> memref<1x50x128xf32, #tpu.memory_space<hbm>>
          %dma_wait3A_1132 = tpu.memref_squeeze %dma_wait3A_1131 : memref<1x50x128xf32, #tpu.memory_space<hbm>> -> memref<50x128xf32, #tpu.memory_space<hbm>>
          %dma_wait3A_1133 = arith.constant 0 : i32
          %dma_wait3A_1134 = arith.constant 0 : i32
          %dma_wait3A_1135 = tpu.memref_slice %arg7[%dma_wait3A_1117, %dma_wait3A_1133, %dma_wait3A_1134] : memref<3x200x128xf32, #tpu.memory_space<vmem>> -> memref<1x200x128xf32, #tpu.memory_space<vmem>>
          %dma_wait3A_1136 = tpu.memref_squeeze %dma_wait3A_1135 : memref<1x200x128xf32, #tpu.memory_space<vmem>> -> memref<200x128xf32, #tpu.memory_space<vmem>>
          %dma_wait3A_1137 = arith.constant 150 : i32
          %dma_wait3A_1138 = arith.constant 0 : i32
          %dma_wait3A_1139 = tpu.memref_slice %dma_wait3A_1136[%dma_wait3A_1137, %dma_wait3A_1138] : memref<200x128xf32, #tpu.memory_space<vmem>> -> memref<50x128xf32, #tpu.memory_space<vmem>>
          tpu.wait_dma2 semaphore(%arg12 : memref<!tpu.dma_semaphore, #tpu.memory_space<semaphore_mem>>) src(%dma_wait3A_1139 : memref<50x128xf32, #tpu.memory_space<vmem>>) dst(%dma_wait3A_1132 : memref<50x128xf32, #tpu.memory_space<hbm>>)
        } else {
        }
        %add3A_1014 = arith.constant 2 : i32
        %add3A_1015 = arith.addi %add3A_879, %add3A_1014 : i32
        %dma_start3A_1016 = arith.constant 1 : i32
        %dma_start3A_1017 = arith.constant 0 : i32
        %dma_start3A_1018 = arith.constant 0 : i32
        %dma_start3A_1019 = tpu.memref_slice %arg7[%dma_start3A_1016, %dma_start3A_1017, %dma_start3A_1018] : memref<3x200x128xf32, #tpu.memory_space<vmem>> -> memref<1x200x128xf32, #tpu.memory_space<vmem>>
        %dma_start3A_1020 = tpu.memref_squeeze %dma_start3A_1019 : memref<1x200x128xf32, #tpu.memory_space<vmem>> -> memref<200x128xf32, #tpu.memory_space<vmem>>
        %dma_start3A_1021 = arith.constant 0 : i32
        %dma_start3A_1022 = tpu.memref_slice %arg6[%add3A_1015, %dma_start3A_1021] : memref<128x200xi32, #tpu.memory_space<vmem>> -> memref<1x200xi32, #tpu.memory_space<vmem>>
        %dma_start3A_1023 = tpu.memref_squeeze %dma_start3A_1022 : memref<1x200xi32, #tpu.memory_space<vmem>> -> memref<200xi32, #tpu.memory_space<vmem>>
        %dma_start3A_1024 = arith.constant 0 : i32
        %dma_start3A_1025 = arith.constant 0 : i32
        %dma_start3A_1026 = tpu.memref_slice %arg3[%dma_start3A_1024, %dma_start3A_1025] : memref<100000x128xf32, #tpu.memory_space<hbm>> -> memref<100000x128xf32, #tpu.memory_space<hbm>>
        tpu.enqueue_indirect_dma source(%dma_start3A_1026 : memref<100000x128xf32, #tpu.memory_space<hbm>>) target(%dma_start3A_1020 : memref<200x128xf32, #tpu.memory_space<vmem>>) offsets(%dma_start3A_1023 : memref<200xi32, #tpu.memory_space<vmem>>) semaphore(%arg9 : memref<!tpu.dma_semaphore, #tpu.memory_space<semaphore_mem>>)
      } else {
      }
      %dma_wait3A_887 = arith.constant 2 : i32
      %dma_wait3A_888 = arith.constant 0 : i32
      %dma_wait3A_889 = arith.constant 0 : i32
      %dma_wait3A_890 = tpu.memref_slice %arg7[%dma_wait3A_887, %dma_wait3A_888, %dma_wait3A_889] : memref<3x200x128xf32, #tpu.memory_space<vmem>> -> memref<1x200x128xf32, #tpu.memory_space<vmem>>
      %dma_wait3A_891 = tpu.memref_squeeze %dma_wait3A_890 : memref<1x200x128xf32, #tpu.memory_space<vmem>> -> memref<200x128xf32, #tpu.memory_space<vmem>>
      %dma_wait3A_892 = arith.constant 0 : i32
      %dma_wait3A_893 = tpu.memref_slice %arg6[%add3A_879, %dma_wait3A_892] : memref<128x200xi32, #tpu.memory_space<vmem>> -> memref<1x200xi32, #tpu.memory_space<vmem>>
      %dma_wait3A_894 = tpu.memref_squeeze %dma_wait3A_893 : memref<1x200xi32, #tpu.memory_space<vmem>> -> memref<200xi32, #tpu.memory_space<vmem>>
      %dma_wait3A_895 = arith.constant 0 : i32
      %dma_wait3A_896 = arith.constant 0 : i32
      %dma_wait3A_897 = tpu.memref_slice %arg3[%dma_wait3A_895, %dma_wait3A_896] : memref<100000x128xf32, #tpu.memory_space<hbm>> -> memref<100000x128xf32, #tpu.memory_space<hbm>>
      tpu.wait_indirect_dma semaphore(%arg10 : memref<!tpu.dma_semaphore, #tpu.memory_space<semaphore_mem>>) src(%dma_wait3A_897 : memref<100000x128xf32, #tpu.memory_space<hbm>>) dst(%dma_wait3A_891 : memref<200x128xf32, #tpu.memory_space<vmem>>)
      %mul3A_898 = arith.constant 4 : i32
      %mul3A_899 = arith.muli %add3A_879, %mul3A_898 : i32
      %add3A_900 = arith.addi %mul3A_2, %mul3A_899 : i32
      %add3A_901 = arith.constant 0 : i32
      %add3A_902 = arith.addi %add3A_900, %add3A_901 : i32
      %dma_start3A_903 = arith.constant 2 : i32
      %dma_start3A_904 = arith.constant 0 : i32
      %dma_start3A_905 = arith.constant 0 : i32
      %dma_start3A_906 = tpu.memref_slice %arg7[%dma_start3A_903, %dma_start3A_904, %dma_start3A_905] : memref<3x200x128xf32, #tpu.memory_space<vmem>> -> memref<1x200x128xf32, #tpu.memory_space<vmem>>
      %dma_start3A_907 = tpu.memref_squeeze %dma_start3A_906 : memref<1x200x128xf32, #tpu.memory_space<vmem>> -> memref<200x128xf32, #tpu.memory_space<vmem>>
      %dma_start3A_908 = arith.constant 0 : i32
      %dma_start3A_909 = arith.constant 0 : i32
      %dma_start3A_910 = tpu.memref_slice %dma_start3A_907[%dma_start3A_908, %dma_start3A_909] : memref<200x128xf32, #tpu.memory_space<vmem>> -> memref<50x128xf32, #tpu.memory_space<vmem>>
      %dma_start3A_911 = arith.constant 0 : i32
      %dma_start3A_912 = arith.constant 0 : i32
      %dma_start3A_913 = tpu.memref_slice %arg4[%add3A_902, %dma_start3A_911, %dma_start3A_912] : memref<16384x56x128xf32, #tpu.memory_space<hbm>> -> memref<1x50x128xf32, #tpu.memory_space<hbm>>
      %dma_start3A_914 = tpu.memref_squeeze %dma_start3A_913 : memref<1x50x128xf32, #tpu.memory_space<hbm>> -> memref<50x128xf32, #tpu.memory_space<hbm>>
      %dma_start3A_915 = arith.constant 0 : i32
      %dma_start3A_916 = arith.constant 0 : i32
      %dma_start3A_917 = tpu.memref_slice %arg4[%add3A_902, %dma_start3A_915, %dma_start3A_916] : memref<16384x56x128xf32, #tpu.memory_space<hbm>> -> memref<1x50x128xf32, #tpu.memory_space<hbm>>
      %dma_start3A_918 = tpu.memref_squeeze %dma_start3A_917 : memref<1x50x128xf32, #tpu.memory_space<hbm>> -> memref<50x128xf32, #tpu.memory_space<hbm>>
      %dma_start3A_919 = arith.constant 0 : i32
      %dma_start3A_920 = arith.constant 0 : i32
      %dma_start3A_921 = tpu.memref_slice %arg7[%dma_start3A_903, %dma_start3A_919, %dma_start3A_920] : memref<3x200x128xf32, #tpu.memory_space<vmem>> -> memref<1x200x128xf32, #tpu.memory_space<vmem>>
      %dma_start3A_922 = tpu.memref_squeeze %dma_start3A_921 : memref<1x200x128xf32, #tpu.memory_space<vmem>> -> memref<200x128xf32, #tpu.memory_space<vmem>>
      %dma_start3A_923 = arith.constant 0 : i32
      %dma_start3A_924 = arith.constant 0 : i32
      %dma_start3A_925 = tpu.memref_slice %dma_start3A_922[%dma_start3A_923, %dma_start3A_924] : memref<200x128xf32, #tpu.memory_space<vmem>> -> memref<50x128xf32, #tpu.memory_space<vmem>>
      tpu.enqueue_dma source(%dma_start3A_925 : memref<50x128xf32, #tpu.memory_space<vmem>>) target(%dma_start3A_918 : memref<50x128xf32, #tpu.memory_space<hbm>>) target_semaphore(%arg13 : memref<!tpu.dma_semaphore, #tpu.memory_space<semaphore_mem>>)
      %mul3A_926 = arith.constant 4 : i32
      %mul3A_927 = arith.muli %add3A_879, %mul3A_926 : i32
      %add3A_928 = arith.addi %mul3A_2, %mul3A_927 : i32
      %add3A_929 = arith.constant 1 : i32
      %add3A_930 = arith.addi %add3A_928, %add3A_929 : i32
      %dma_start3A_931 = arith.constant 2 : i32
      %dma_start3A_932 = arith.constant 0 : i32
      %dma_start3A_933 = arith.constant 0 : i32
      %dma_start3A_934 = tpu.memref_slice %arg7[%dma_start3A_931, %dma_start3A_932, %dma_start3A_933] : memref<3x200x128xf32, #tpu.memory_space<vmem>> -> memref<1x200x128xf32, #tpu.memory_space<vmem>>
      %dma_start3A_935 = tpu.memref_squeeze %dma_start3A_934 : memref<1x200x128xf32, #tpu.memory_space<vmem>> -> memref<200x128xf32, #tpu.memory_space<vmem>>
      %dma_start3A_936 = arith.constant 50 : i32
      %dma_start3A_937 = arith.constant 0 : i32
      %dma_start3A_938 = tpu.memref_slice %dma_start3A_935[%dma_start3A_936, %dma_start3A_937] : memref<200x128xf32, #tpu.memory_space<vmem>> -> memref<50x128xf32, #tpu.memory_space<vmem>>
      %dma_start3A_939 = arith.constant 0 : i32
      %dma_start3A_940 = arith.constant 0 : i32
      %dma_start3A_941 = tpu.memref_slice %arg4[%add3A_930, %dma_start3A_939, %dma_start3A_940] : memref<16384x56x128xf32, #tpu.memory_space<hbm>> -> memref<1x50x128xf32, #tpu.memory_space<hbm>>
      %dma_start3A_942 = tpu.memref_squeeze %dma_start3A_941 : memref<1x50x128xf32, #tpu.memory_space<hbm>> -> memref<50x128xf32, #tpu.memory_space<hbm>>
      %dma_start3A_943 = arith.constant 0 : i32
      %dma_start3A_944 = arith.constant 0 : i32
      %dma_start3A_945 = tpu.memref_slice %arg4[%add3A_930, %dma_start3A_943, %dma_start3A_944] : memref<16384x56x128xf32, #tpu.memory_space<hbm>> -> memref<1x50x128xf32, #tpu.memory_space<hbm>>
      %dma_start3A_946 = tpu.memref_squeeze %dma_start3A_945 : memref<1x50x128xf32, #tpu.memory_space<hbm>> -> memref<50x128xf32, #tpu.memory_space<hbm>>
      %dma_start3A_947 = arith.constant 0 : i32
      %dma_start3A_948 = arith.constant 0 : i32
      %dma_start3A_949 = tpu.memref_slice %arg7[%dma_start3A_931, %dma_start3A_947, %dma_start3A_948] : memref<3x200x128xf32, #tpu.memory_space<vmem>> -> memref<1x200x128xf32, #tpu.memory_space<vmem>>
      %dma_start3A_950 = tpu.memref_squeeze %dma_start3A_949 : memref<1x200x128xf32, #tpu.memory_space<vmem>> -> memref<200x128xf32, #tpu.memory_space<vmem>>
      %dma_start3A_951 = arith.constant 50 : i32
      %dma_start3A_952 = arith.constant 0 : i32
      %dma_start3A_953 = tpu.memref_slice %dma_start3A_950[%dma_start3A_951, %dma_start3A_952] : memref<200x128xf32, #tpu.memory_space<vmem>> -> memref<50x128xf32, #tpu.memory_space<vmem>>
      tpu.enqueue_dma source(%dma_start3A_953 : memref<50x128xf32, #tpu.memory_space<vmem>>) target(%dma_start3A_946 : memref<50x128xf32, #tpu.memory_space<hbm>>) target_semaphore(%arg13 : memref<!tpu.dma_semaphore, #tpu.memory_space<semaphore_mem>>)
      %mul3A_954 = arith.constant 4 : i32
      %mul3A_955 = arith.muli %add3A_879, %mul3A_954 : i32
      %add3A_956 = arith.addi %mul3A_2, %mul3A_955 : i32
      %add3A_957 = arith.constant 2 : i32
      %add3A_958 = arith.addi %add3A_956, %add3A_957 : i32
      %dma_start3A_959 = arith.constant 2 : i32
      %dma_start3A_960 = arith.constant 0 : i32
      %dma_start3A_961 = arith.constant 0 : i32
      %dma_start3A_962 = tpu.memref_slice %arg7[%dma_start3A_959, %dma_start3A_960, %dma_start3A_961] : memref<3x200x128xf32, #tpu.memory_space<vmem>> -> memref<1x200x128xf32, #tpu.memory_space<vmem>>
      %dma_start3A_963 = tpu.memref_squeeze %dma_start3A_962 : memref<1x200x128xf32, #tpu.memory_space<vmem>> -> memref<200x128xf32, #tpu.memory_space<vmem>>
      %dma_start3A_964 = arith.constant 100 : i32
      %dma_start3A_965 = arith.constant 0 : i32
      %dma_start3A_966 = tpu.memref_slice %dma_start3A_963[%dma_start3A_964, %dma_start3A_965] : memref<200x128xf32, #tpu.memory_space<vmem>> -> memref<50x128xf32, #tpu.memory_space<vmem>>
      %dma_start3A_967 = arith.constant 0 : i32
      %dma_start3A_968 = arith.constant 0 : i32
      %dma_start3A_969 = tpu.memref_slice %arg4[%add3A_958, %dma_start3A_967, %dma_start3A_968] : memref<16384x56x128xf32, #tpu.memory_space<hbm>> -> memref<1x50x128xf32, #tpu.memory_space<hbm>>
      %dma_start3A_970 = tpu.memref_squeeze %dma_start3A_969 : memref<1x50x128xf32, #tpu.memory_space<hbm>> -> memref<50x128xf32, #tpu.memory_space<hbm>>
      %dma_start3A_971 = arith.constant 0 : i32
      %dma_start3A_972 = arith.constant 0 : i32
      %dma_start3A_973 = tpu.memref_slice %arg4[%add3A_958, %dma_start3A_971, %dma_start3A_972] : memref<16384x56x128xf32, #tpu.memory_space<hbm>> -> memref<1x50x128xf32, #tpu.memory_space<hbm>>
      %dma_start3A_974 = tpu.memref_squeeze %dma_start3A_973 : memref<1x50x128xf32, #tpu.memory_space<hbm>> -> memref<50x128xf32, #tpu.memory_space<hbm>>
      %dma_start3A_975 = arith.constant 0 : i32
      %dma_start3A_976 = arith.constant 0 : i32
      %dma_start3A_977 = tpu.memref_slice %arg7[%dma_start3A_959, %dma_start3A_975, %dma_start3A_976] : memref<3x200x128xf32, #tpu.memory_space<vmem>> -> memref<1x200x128xf32, #tpu.memory_space<vmem>>
      %dma_start3A_978 = tpu.memref_squeeze %dma_start3A_977 : memref<1x200x128xf32, #tpu.memory_space<vmem>> -> memref<200x128xf32, #tpu.memory_space<vmem>>
      %dma_start3A_979 = arith.constant 100 : i32
      %dma_start3A_980 = arith.constant 0 : i32
      %dma_start3A_981 = tpu.memref_slice %dma_start3A_978[%dma_start3A_979, %dma_start3A_980] : memref<200x128xf32, #tpu.memory_space<vmem>> -> memref<50x128xf32, #tpu.memory_space<vmem>>
      tpu.enqueue_dma source(%dma_start3A_981 : memref<50x128xf32, #tpu.memory_space<vmem>>) target(%dma_start3A_974 : memref<50x128xf32, #tpu.memory_space<hbm>>) target_semaphore(%arg13 : memref<!tpu.dma_semaphore, #tpu.memory_space<semaphore_mem>>)
      %mul3A_982 = arith.constant 4 : i32
      %mul3A_983 = arith.muli %add3A_879, %mul3A_982 : i32
      %add3A_984 = arith.addi %mul3A_2, %mul3A_983 : i32
      %add3A_985 = arith.constant 3 : i32
      %add3A_986 = arith.addi %add3A_984, %add3A_985 : i32
      %dma_start3A_987 = arith.constant 2 : i32
      %dma_start3A_988 = arith.constant 0 : i32
      %dma_start3A_989 = arith.constant 0 : i32
      %dma_start3A_990 = tpu.memref_slice %arg7[%dma_start3A_987, %dma_start3A_988, %dma_start3A_989] : memref<3x200x128xf32, #tpu.memory_space<vmem>> -> memref<1x200x128xf32, #tpu.memory_space<vmem>>
      %dma_start3A_991 = tpu.memref_squeeze %dma_start3A_990 : memref<1x200x128xf32, #tpu.memory_space<vmem>> -> memref<200x128xf32, #tpu.memory_space<vmem>>
      %dma_start3A_992 = arith.constant 150 : i32
      %dma_start3A_993 = arith.constant 0 : i32
      %dma_start3A_994 = tpu.memref_slice %dma_start3A_991[%dma_start3A_992, %dma_start3A_993] : memref<200x128xf32, #tpu.memory_space<vmem>> -> memref<50x128xf32, #tpu.memory_space<vmem>>
      %dma_start3A_995 = arith.constant 0 : i32
      %dma_start3A_996 = arith.constant 0 : i32
      %dma_start3A_997 = tpu.memref_slice %arg4[%add3A_986, %dma_start3A_995, %dma_start3A_996] : memref<16384x56x128xf32, #tpu.memory_space<hbm>> -> memref<1x50x128xf32, #tpu.memory_space<hbm>>
      %dma_start3A_998 = tpu.memref_squeeze %dma_start3A_997 : memref<1x50x128xf32, #tpu.memory_space<hbm>> -> memref<50x128xf32, #tpu.memory_space<hbm>>
      %dma_start3A_999 = arith.constant 0 : i32
      %dma_start3A_1000 = arith.constant 0 : i32
      %dma_start3A_1001 = tpu.memref_slice %arg4[%add3A_986, %dma_start3A_999, %dma_start3A_1000] : memref<16384x56x128xf32, #tpu.memory_space<hbm>> -> memref<1x50x128xf32, #tpu.memory_space<hbm>>
      %dma_start3A_1002 = tpu.memref_squeeze %dma_start3A_1001 : memref<1x50x128xf32, #tpu.memory_space<hbm>> -> memref<50x128xf32, #tpu.memory_space<hbm>>
      %dma_start3A_1003 = arith.constant 0 : i32
      %dma_start3A_1004 = arith.constant 0 : i32
      %dma_start3A_1005 = tpu.memref_slice %arg7[%dma_start3A_987, %dma_start3A_1003, %dma_start3A_1004] : memref<3x200x128xf32, #tpu.memory_space<vmem>> -> memref<1x200x128xf32, #tpu.memory_space<vmem>>
      %dma_start3A_1006 = tpu.memref_squeeze %dma_start3A_1005 : memref<1x200x128xf32, #tpu.memory_space<vmem>> -> memref<200x128xf32, #tpu.memory_space<vmem>>
      %dma_start3A_1007 = arith.constant 150 : i32
      %dma_start3A_1008 = arith.constant 0 : i32
      %dma_start3A_1009 = tpu.memref_slice %dma_start3A_1006[%dma_start3A_1007, %dma_start3A_1008] : memref<200x128xf32, #tpu.memory_space<vmem>> -> memref<50x128xf32, #tpu.memory_space<vmem>>
      tpu.enqueue_dma source(%dma_start3A_1009 : memref<50x128xf32, #tpu.memory_space<vmem>>) target(%dma_start3A_1002 : memref<50x128xf32, #tpu.memory_space<hbm>>) target_semaphore(%arg13 : memref<!tpu.dma_semaphore, #tpu.memory_space<semaphore_mem>>)
    }
    %scan3A_46 = arith.constant 42 : i32
    %dma_wait3A = arith.constant 126 : i32
    %dma_wait3A_47 = arith.constant 0 : i32
    %dma_wait3A_48 = arith.constant 0 : i32
    %dma_wait3A_49 = arith.constant 0 : i32
    %dma_wait3A_50 = tpu.memref_slice %arg7[%dma_wait3A_47, %dma_wait3A_48, %dma_wait3A_49] : memref<3x200x128xf32, #tpu.memory_space<vmem>> -> memref<1x200x128xf32, #tpu.memory_space<vmem>>
    %dma_wait3A_51 = tpu.memref_squeeze %dma_wait3A_50 : memref<1x200x128xf32, #tpu.memory_space<vmem>> -> memref<200x128xf32, #tpu.memory_space<vmem>>
    %dma_wait3A_52 = arith.constant 0 : i32
    %dma_wait3A_53 = tpu.memref_slice %arg6[%dma_wait3A, %dma_wait3A_52] : memref<128x200xi32, #tpu.memory_space<vmem>> -> memref<1x200xi32, #tpu.memory_space<vmem>>
    %dma_wait3A_54 = tpu.memref_squeeze %dma_wait3A_53 : memref<1x200xi32, #tpu.memory_space<vmem>> -> memref<200xi32, #tpu.memory_space<vmem>>
    %dma_wait3A_55 = arith.constant 0 : i32
    %dma_wait3A_56 = arith.constant 0 : i32
    %dma_wait3A_57 = tpu.memref_slice %arg3[%dma_wait3A_55, %dma_wait3A_56] : memref<100000x128xf32, #tpu.memory_space<hbm>> -> memref<100000x128xf32, #tpu.memory_space<hbm>>
    tpu.wait_indirect_dma semaphore(%arg8 : memref<!tpu.dma_semaphore, #tpu.memory_space<semaphore_mem>>) src(%dma_wait3A_57 : memref<100000x128xf32, #tpu.memory_space<hbm>>) dst(%dma_wait3A_51 : memref<200x128xf32, #tpu.memory_space<vmem>>)
    %add3A_58 = arith.constant 504 : i32
    %add3A_59 = arith.addi %mul3A_2, %add3A_58 : i32
    %add3A_60 = arith.constant 0 : i32
    %add3A_61 = arith.addi %add3A_59, %add3A_60 : i32
    %dma_start3A_62 = arith.constant 0 : i32
    %dma_start3A_63 = arith.constant 0 : i32
    %dma_start3A_64 = arith.constant 0 : i32
    %dma_start3A_65 = tpu.memref_slice %arg7[%dma_start3A_62, %dma_start3A_63, %dma_start3A_64] : memref<3x200x128xf32, #tpu.memory_space<vmem>> -> memref<1x200x128xf32, #tpu.memory_space<vmem>>
    %dma_start3A_66 = tpu.memref_squeeze %dma_start3A_65 : memref<1x200x128xf32, #tpu.memory_space<vmem>> -> memref<200x128xf32, #tpu.memory_space<vmem>>
    %dma_start3A_67 = arith.constant 0 : i32
    %dma_start3A_68 = arith.constant 0 : i32
    %dma_start3A_69 = tpu.memref_slice %dma_start3A_66[%dma_start3A_67, %dma_start3A_68] : memref<200x128xf32, #tpu.memory_space<vmem>> -> memref<50x128xf32, #tpu.memory_space<vmem>>
    %dma_start3A_70 = arith.constant 0 : i32
    %dma_start3A_71 = arith.constant 0 : i32
    %dma_start3A_72 = tpu.memref_slice %arg4[%add3A_61, %dma_start3A_70, %dma_start3A_71] : memref<16384x56x128xf32, #tpu.memory_space<hbm>> -> memref<1x50x128xf32, #tpu.memory_space<hbm>>
    %dma_start3A_73 = tpu.memref_squeeze %dma_start3A_72 : memref<1x50x128xf32, #tpu.memory_space<hbm>> -> memref<50x128xf32, #tpu.memory_space<hbm>>
    %dma_start3A_74 = arith.constant 0 : i32
    %dma_start3A_75 = arith.constant 0 : i32
    %dma_start3A_76 = tpu.memref_slice %arg4[%add3A_61, %dma_start3A_74, %dma_start3A_75] : memref<16384x56x128xf32, #tpu.memory_space<hbm>> -> memref<1x50x128xf32, #tpu.memory_space<hbm>>
    %dma_start3A_77 = tpu.memref_squeeze %dma_start3A_76 : memref<1x50x128xf32, #tpu.memory_space<hbm>> -> memref<50x128xf32, #tpu.memory_space<hbm>>
    %dma_start3A_78 = arith.constant 0 : i32
    %dma_start3A_79 = arith.constant 0 : i32
    %dma_start3A_80 = tpu.memref_slice %arg7[%dma_start3A_62, %dma_start3A_78, %dma_start3A_79] : memref<3x200x128xf32, #tpu.memory_space<vmem>> -> memref<1x200x128xf32, #tpu.memory_space<vmem>>
    %dma_start3A_81 = tpu.memref_squeeze %dma_start3A_80 : memref<1x200x128xf32, #tpu.memory_space<vmem>> -> memref<200x128xf32, #tpu.memory_space<vmem>>
    %dma_start3A_82 = arith.constant 0 : i32
    %dma_start3A_83 = arith.constant 0 : i32
    %dma_start3A_84 = tpu.memref_slice %dma_start3A_81[%dma_start3A_82, %dma_start3A_83] : memref<200x128xf32, #tpu.memory_space<vmem>> -> memref<50x128xf32, #tpu.memory_space<vmem>>
    tpu.enqueue_dma source(%dma_start3A_84 : memref<50x128xf32, #tpu.memory_space<vmem>>) target(%dma_start3A_77 : memref<50x128xf32, #tpu.memory_space<hbm>>) target_semaphore(%arg11 : memref<!tpu.dma_semaphore, #tpu.memory_space<semaphore_mem>>)
    %add3A_85 = arith.constant 504 : i32
    %add3A_86 = arith.addi %mul3A_2, %add3A_85 : i32
    %add3A_87 = arith.constant 1 : i32
    %add3A_88 = arith.addi %add3A_86, %add3A_87 : i32
    %dma_start3A_89 = arith.constant 0 : i32
    %dma_start3A_90 = arith.constant 0 : i32
    %dma_start3A_91 = arith.constant 0 : i32
    %dma_start3A_92 = tpu.memref_slice %arg7[%dma_start3A_89, %dma_start3A_90, %dma_start3A_91] : memref<3x200x128xf32, #tpu.memory_space<vmem>> -> memref<1x200x128xf32, #tpu.memory_space<vmem>>
    %dma_start3A_93 = tpu.memref_squeeze %dma_start3A_92 : memref<1x200x128xf32, #tpu.memory_space<vmem>> -> memref<200x128xf32, #tpu.memory_space<vmem>>
    %dma_start3A_94 = arith.constant 50 : i32
    %dma_start3A_95 = arith.constant 0 : i32
    %dma_start3A_96 = tpu.memref_slice %dma_start3A_93[%dma_start3A_94, %dma_start3A_95] : memref<200x128xf32, #tpu.memory_space<vmem>> -> memref<50x128xf32, #tpu.memory_space<vmem>>
    %dma_start3A_97 = arith.constant 0 : i32
    %dma_start3A_98 = arith.constant 0 : i32
    %dma_start3A_99 = tpu.memref_slice %arg4[%add3A_88, %dma_start3A_97, %dma_start3A_98] : memref<16384x56x128xf32, #tpu.memory_space<hbm>> -> memref<1x50x128xf32, #tpu.memory_space<hbm>>
    %dma_start3A_100 = tpu.memref_squeeze %dma_start3A_99 : memref<1x50x128xf32, #tpu.memory_space<hbm>> -> memref<50x128xf32, #tpu.memory_space<hbm>>
    %dma_start3A_101 = arith.constant 0 : i32
    %dma_start3A_102 = arith.constant 0 : i32
    %dma_start3A_103 = tpu.memref_slice %arg4[%add3A_88, %dma_start3A_101, %dma_start3A_102] : memref<16384x56x128xf32, #tpu.memory_space<hbm>> -> memref<1x50x128xf32, #tpu.memory_space<hbm>>
    %dma_start3A_104 = tpu.memref_squeeze %dma_start3A_103 : memref<1x50x128xf32, #tpu.memory_space<hbm>> -> memref<50x128xf32, #tpu.memory_space<hbm>>
    %dma_start3A_105 = arith.constant 0 : i32
    %dma_start3A_106 = arith.constant 0 : i32
    %dma_start3A_107 = tpu.memref_slice %arg7[%dma_start3A_89, %dma_start3A_105, %dma_start3A_106] : memref<3x200x128xf32, #tpu.memory_space<vmem>> -> memref<1x200x128xf32, #tpu.memory_space<vmem>>
    %dma_start3A_108 = tpu.memref_squeeze %dma_start3A_107 : memref<1x200x128xf32, #tpu.memory_space<vmem>> -> memref<200x128xf32, #tpu.memory_space<vmem>>
    %dma_start3A_109 = arith.constant 50 : i32
    %dma_start3A_110 = arith.constant 0 : i32
    %dma_start3A_111 = tpu.memref_slice %dma_start3A_108[%dma_start3A_109, %dma_start3A_110] : memref<200x128xf32, #tpu.memory_space<vmem>> -> memref<50x128xf32, #tpu.memory_space<vmem>>
    tpu.enqueue_dma source(%dma_start3A_111 : memref<50x128xf32, #tpu.memory_space<vmem>>) target(%dma_start3A_104 : memref<50x128xf32, #tpu.memory_space<hbm>>) target_semaphore(%arg11 : memref<!tpu.dma_semaphore, #tpu.memory_space<semaphore_mem>>)
    %add3A_112 = arith.constant 504 : i32
    %add3A_113 = arith.addi %mul3A_2, %add3A_112 : i32
    %add3A_114 = arith.constant 2 : i32
    %add3A_115 = arith.addi %add3A_113, %add3A_114 : i32
    %dma_start3A_116 = arith.constant 0 : i32
    %dma_start3A_117 = arith.constant 0 : i32
    %dma_start3A_118 = arith.constant 0 : i32
    %dma_start3A_119 = tpu.memref_slice %arg7[%dma_start3A_116, %dma_start3A_117, %dma_start3A_118] : memref<3x200x128xf32, #tpu.memory_space<vmem>> -> memref<1x200x128xf32, #tpu.memory_space<vmem>>
    %dma_start3A_120 = tpu.memref_squeeze %dma_start3A_119 : memref<1x200x128xf32, #tpu.memory_space<vmem>> -> memref<200x128xf32, #tpu.memory_space<vmem>>
    %dma_start3A_121 = arith.constant 100 : i32
    %dma_start3A_122 = arith.constant 0 : i32
    %dma_start3A_123 = tpu.memref_slice %dma_start3A_120[%dma_start3A_121, %dma_start3A_122] : memref<200x128xf32, #tpu.memory_space<vmem>> -> memref<50x128xf32, #tpu.memory_space<vmem>>
    %dma_start3A_124 = arith.constant 0 : i32
    %dma_start3A_125 = arith.constant 0 : i32
    %dma_start3A_126 = tpu.memref_slice %arg4[%add3A_115, %dma_start3A_124, %dma_start3A_125] : memref<16384x56x128xf32, #tpu.memory_space<hbm>> -> memref<1x50x128xf32, #tpu.memory_space<hbm>>
    %dma_start3A_127 = tpu.memref_squeeze %dma_start3A_126 : memref<1x50x128xf32, #tpu.memory_space<hbm>> -> memref<50x128xf32, #tpu.memory_space<hbm>>
    %dma_start3A_128 = arith.constant 0 : i32
    %dma_start3A_129 = arith.constant 0 : i32
    %dma_start3A_130 = tpu.memref_slice %arg4[%add3A_115, %dma_start3A_128, %dma_start3A_129] : memref<16384x56x128xf32, #tpu.memory_space<hbm>> -> memref<1x50x128xf32, #tpu.memory_space<hbm>>
    %dma_start3A_131 = tpu.memref_squeeze %dma_start3A_130 : memref<1x50x128xf32, #tpu.memory_space<hbm>> -> memref<50x128xf32, #tpu.memory_space<hbm>>
    %dma_start3A_132 = arith.constant 0 : i32
    %dma_start3A_133 = arith.constant 0 : i32
    %dma_start3A_134 = tpu.memref_slice %arg7[%dma_start3A_116, %dma_start3A_132, %dma_start3A_133] : memref<3x200x128xf32, #tpu.memory_space<vmem>> -> memref<1x200x128xf32, #tpu.memory_space<vmem>>
    %dma_start3A_135 = tpu.memref_squeeze %dma_start3A_134 : memref<1x200x128xf32, #tpu.memory_space<vmem>> -> memref<200x128xf32, #tpu.memory_space<vmem>>
    %dma_start3A_136 = arith.constant 100 : i32
    %dma_start3A_137 = arith.constant 0 : i32
    %dma_start3A_138 = tpu.memref_slice %dma_start3A_135[%dma_start3A_136, %dma_start3A_137] : memref<200x128xf32, #tpu.memory_space<vmem>> -> memref<50x128xf32, #tpu.memory_space<vmem>>
    tpu.enqueue_dma source(%dma_start3A_138 : memref<50x128xf32, #tpu.memory_space<vmem>>) target(%dma_start3A_131 : memref<50x128xf32, #tpu.memory_space<hbm>>) target_semaphore(%arg11 : memref<!tpu.dma_semaphore, #tpu.memory_space<semaphore_mem>>)
    %add3A_139 = arith.constant 504 : i32
    %add3A_140 = arith.addi %mul3A_2, %add3A_139 : i32
    %add3A_141 = arith.constant 3 : i32
    %add3A_142 = arith.addi %add3A_140, %add3A_141 : i32
    %dma_start3A_143 = arith.constant 0 : i32
    %dma_start3A_144 = arith.constant 0 : i32
    %dma_start3A_145 = arith.constant 0 : i32
    %dma_start3A_146 = tpu.memref_slice %arg7[%dma_start3A_143, %dma_start3A_144, %dma_start3A_145] : memref<3x200x128xf32, #tpu.memory_space<vmem>> -> memref<1x200x128xf32, #tpu.memory_space<vmem>>
    %dma_start3A_147 = tpu.memref_squeeze %dma_start3A_146 : memref<1x200x128xf32, #tpu.memory_space<vmem>> -> memref<200x128xf32, #tpu.memory_space<vmem>>
    %dma_start3A_148 = arith.constant 150 : i32
    %dma_start3A_149 = arith.constant 0 : i32
    %dma_start3A_150 = tpu.memref_slice %dma_start3A_147[%dma_start3A_148, %dma_start3A_149] : memref<200x128xf32, #tpu.memory_space<vmem>> -> memref<50x128xf32, #tpu.memory_space<vmem>>
    %dma_start3A_151 = arith.constant 0 : i32
    %dma_start3A_152 = arith.constant 0 : i32
    %dma_start3A_153 = tpu.memref_slice %arg4[%add3A_142, %dma_start3A_151, %dma_start3A_152] : memref<16384x56x128xf32, #tpu.memory_space<hbm>> -> memref<1x50x128xf32, #tpu.memory_space<hbm>>
    %dma_start3A_154 = tpu.memref_squeeze %dma_start3A_153 : memref<1x50x128xf32, #tpu.memory_space<hbm>> -> memref<50x128xf32, #tpu.memory_space<hbm>>
    %dma_start3A_155 = arith.constant 0 : i32
    %dma_start3A_156 = arith.constant 0 : i32
    %dma_start3A_157 = tpu.memref_slice %arg4[%add3A_142, %dma_start3A_155, %dma_start3A_156] : memref<16384x56x128xf32, #tpu.memory_space<hbm>> -> memref<1x50x128xf32, #tpu.memory_space<hbm>>
    %dma_start3A_158 = tpu.memref_squeeze %dma_start3A_157 : memref<1x50x128xf32, #tpu.memory_space<hbm>> -> memref<50x128xf32, #tpu.memory_space<hbm>>
    %dma_start3A_159 = arith.constant 0 : i32
    %dma_start3A_160 = arith.constant 0 : i32
    %dma_start3A_161 = tpu.memref_slice %arg7[%dma_start3A_143, %dma_start3A_159, %dma_start3A_160] : memref<3x200x128xf32, #tpu.memory_space<vmem>> -> memref<1x200x128xf32, #tpu.memory_space<vmem>>
    %dma_start3A_162 = tpu.memref_squeeze %dma_start3A_161 : memref<1x200x128xf32, #tpu.memory_space<vmem>> -> memref<200x128xf32, #tpu.memory_space<vmem>>
    %dma_start3A_163 = arith.constant 150 : i32
    %dma_start3A_164 = arith.constant 0 : i32
    %dma_start3A_165 = tpu.memref_slice %dma_start3A_162[%dma_start3A_163, %dma_start3A_164] : memref<200x128xf32, #tpu.memory_space<vmem>> -> memref<50x128xf32, #tpu.memory_space<vmem>>
    tpu.enqueue_dma source(%dma_start3A_165 : memref<50x128xf32, #tpu.memory_space<vmem>>) target(%dma_start3A_158 : memref<50x128xf32, #tpu.memory_space<hbm>>) target_semaphore(%arg11 : memref<!tpu.dma_semaphore, #tpu.memory_space<semaphore_mem>>)
    %dma_wait3A_166 = arith.constant 127 : i32
    %dma_wait3A_167 = arith.constant 1 : i32
    %dma_wait3A_168 = arith.constant 0 : i32
    %dma_wait3A_169 = arith.constant 0 : i32
    %dma_wait3A_170 = tpu.memref_slice %arg7[%dma_wait3A_167, %dma_wait3A_168, %dma_wait3A_169] : memref<3x200x128xf32, #tpu.memory_space<vmem>> -> memref<1x200x128xf32, #tpu.memory_space<vmem>>
    %dma_wait3A_171 = tpu.memref_squeeze %dma_wait3A_170 : memref<1x200x128xf32, #tpu.memory_space<vmem>> -> memref<200x128xf32, #tpu.memory_space<vmem>>
    %dma_wait3A_172 = arith.constant 0 : i32
    %dma_wait3A_173 = tpu.memref_slice %arg6[%dma_wait3A_166, %dma_wait3A_172] : memref<128x200xi32, #tpu.memory_space<vmem>> -> memref<1x200xi32, #tpu.memory_space<vmem>>
    %dma_wait3A_174 = tpu.memref_squeeze %dma_wait3A_173 : memref<1x200xi32, #tpu.memory_space<vmem>> -> memref<200xi32, #tpu.memory_space<vmem>>
    %dma_wait3A_175 = arith.constant 0 : i32
    %dma_wait3A_176 = arith.constant 0 : i32
    %dma_wait3A_177 = tpu.memref_slice %arg3[%dma_wait3A_175, %dma_wait3A_176] : memref<100000x128xf32, #tpu.memory_space<hbm>> -> memref<100000x128xf32, #tpu.memory_space<hbm>>
    tpu.wait_indirect_dma semaphore(%arg9 : memref<!tpu.dma_semaphore, #tpu.memory_space<semaphore_mem>>) src(%dma_wait3A_177 : memref<100000x128xf32, #tpu.memory_space<hbm>>) dst(%dma_wait3A_171 : memref<200x128xf32, #tpu.memory_space<vmem>>)
    %add3A_178 = arith.constant 508 : i32
    %add3A_179 = arith.addi %mul3A_2, %add3A_178 : i32
    %add3A_180 = arith.constant 0 : i32
    %add3A_181 = arith.addi %add3A_179, %add3A_180 : i32
    %dma_start3A_182 = arith.constant 1 : i32
    %dma_start3A_183 = arith.constant 0 : i32
    %dma_start3A_184 = arith.constant 0 : i32
    %dma_start3A_185 = tpu.memref_slice %arg7[%dma_start3A_182, %dma_start3A_183, %dma_start3A_184] : memref<3x200x128xf32, #tpu.memory_space<vmem>> -> memref<1x200x128xf32, #tpu.memory_space<vmem>>
    %dma_start3A_186 = tpu.memref_squeeze %dma_start3A_185 : memref<1x200x128xf32, #tpu.memory_space<vmem>> -> memref<200x128xf32, #tpu.memory_space<vmem>>
    %dma_start3A_187 = arith.constant 0 : i32
    %dma_start3A_188 = arith.constant 0 : i32
    %dma_start3A_189 = tpu.memref_slice %dma_start3A_186[%dma_start3A_187, %dma_start3A_188] : memref<200x128xf32, #tpu.memory_space<vmem>> -> memref<50x128xf32, #tpu.memory_space<vmem>>
    %dma_start3A_190 = arith.constant 0 : i32
    %dma_start3A_191 = arith.constant 0 : i32
    %dma_start3A_192 = tpu.memref_slice %arg4[%add3A_181, %dma_start3A_190, %dma_start3A_191] : memref<16384x56x128xf32, #tpu.memory_space<hbm>> -> memref<1x50x128xf32, #tpu.memory_space<hbm>>
    %dma_start3A_193 = tpu.memref_squeeze %dma_start3A_192 : memref<1x50x128xf32, #tpu.memory_space<hbm>> -> memref<50x128xf32, #tpu.memory_space<hbm>>
    %dma_start3A_194 = arith.constant 0 : i32
    %dma_start3A_195 = arith.constant 0 : i32
    %dma_start3A_196 = tpu.memref_slice %arg4[%add3A_181, %dma_start3A_194, %dma_start3A_195] : memref<16384x56x128xf32, #tpu.memory_space<hbm>> -> memref<1x50x128xf32, #tpu.memory_space<hbm>>
    %dma_start3A_197 = tpu.memref_squeeze %dma_start3A_196 : memref<1x50x128xf32, #tpu.memory_space<hbm>> -> memref<50x128xf32, #tpu.memory_space<hbm>>
    %dma_start3A_198 = arith.constant 0 : i32
    %dma_start3A_199 = arith.constant 0 : i32
    %dma_start3A_200 = tpu.memref_slice %arg7[%dma_start3A_182, %dma_start3A_198, %dma_start3A_199] : memref<3x200x128xf32, #tpu.memory_space<vmem>> -> memref<1x200x128xf32, #tpu.memory_space<vmem>>
    %dma_start3A_201 = tpu.memref_squeeze %dma_start3A_200 : memref<1x200x128xf32, #tpu.memory_space<vmem>> -> memref<200x128xf32, #tpu.memory_space<vmem>>
    %dma_start3A_202 = arith.constant 0 : i32
    %dma_start3A_203 = arith.constant 0 : i32
    %dma_start3A_204 = tpu.memref_slice %dma_start3A_201[%dma_start3A_202, %dma_start3A_203] : memref<200x128xf32, #tpu.memory_space<vmem>> -> memref<50x128xf32, #tpu.memory_space<vmem>>
    tpu.enqueue_dma source(%dma_start3A_204 : memref<50x128xf32, #tpu.memory_space<vmem>>) target(%dma_start3A_197 : memref<50x128xf32, #tpu.memory_space<hbm>>) target_semaphore(%arg12 : memref<!tpu.dma_semaphore, #tpu.memory_space<semaphore_mem>>)
    %add3A_205 = arith.constant 508 : i32
    %add3A_206 = arith.addi %mul3A_2, %add3A_205 : i32
    %add3A_207 = arith.constant 1 : i32
    %add3A_208 = arith.addi %add3A_206, %add3A_207 : i32
    %dma_start3A_209 = arith.constant 1 : i32
    %dma_start3A_210 = arith.constant 0 : i32
    %dma_start3A_211 = arith.constant 0 : i32
    %dma_start3A_212 = tpu.memref_slice %arg7[%dma_start3A_209, %dma_start3A_210, %dma_start3A_211] : memref<3x200x128xf32, #tpu.memory_space<vmem>> -> memref<1x200x128xf32, #tpu.memory_space<vmem>>
    %dma_start3A_213 = tpu.memref_squeeze %dma_start3A_212 : memref<1x200x128xf32, #tpu.memory_space<vmem>> -> memref<200x128xf32, #tpu.memory_space<vmem>>
    %dma_start3A_214 = arith.constant 50 : i32
    %dma_start3A_215 = arith.constant 0 : i32
    %dma_start3A_216 = tpu.memref_slice %dma_start3A_213[%dma_start3A_214, %dma_start3A_215] : memref<200x128xf32, #tpu.memory_space<vmem>> -> memref<50x128xf32, #tpu.memory_space<vmem>>
    %dma_start3A_217 = arith.constant 0 : i32
    %dma_start3A_218 = arith.constant 0 : i32
    %dma_start3A_219 = tpu.memref_slice %arg4[%add3A_208, %dma_start3A_217, %dma_start3A_218] : memref<16384x56x128xf32, #tpu.memory_space<hbm>> -> memref<1x50x128xf32, #tpu.memory_space<hbm>>
    %dma_start3A_220 = tpu.memref_squeeze %dma_start3A_219 : memref<1x50x128xf32, #tpu.memory_space<hbm>> -> memref<50x128xf32, #tpu.memory_space<hbm>>
    %dma_start3A_221 = arith.constant 0 : i32
    %dma_start3A_222 = arith.constant 0 : i32
    %dma_start3A_223 = tpu.memref_slice %arg4[%add3A_208, %dma_start3A_221, %dma_start3A_222] : memref<16384x56x128xf32, #tpu.memory_space<hbm>> -> memref<1x50x128xf32, #tpu.memory_space<hbm>>
    %dma_start3A_224 = tpu.memref_squeeze %dma_start3A_223 : memref<1x50x128xf32, #tpu.memory_space<hbm>> -> memref<50x128xf32, #tpu.memory_space<hbm>>
    %dma_start3A_225 = arith.constant 0 : i32
    %dma_start3A_226 = arith.constant 0 : i32
    %dma_start3A_227 = tpu.memref_slice %arg7[%dma_start3A_209, %dma_start3A_225, %dma_start3A_226] : memref<3x200x128xf32, #tpu.memory_space<vmem>> -> memref<1x200x128xf32, #tpu.memory_space<vmem>>
    %dma_start3A_228 = tpu.memref_squeeze %dma_start3A_227 : memref<1x200x128xf32, #tpu.memory_space<vmem>> -> memref<200x128xf32, #tpu.memory_space<vmem>>
    %dma_start3A_229 = arith.constant 50 : i32
    %dma_start3A_230 = arith.constant 0 : i32
    %dma_start3A_231 = tpu.memref_slice %dma_start3A_228[%dma_start3A_229, %dma_start3A_230] : memref<200x128xf32, #tpu.memory_space<vmem>> -> memref<50x128xf32, #tpu.memory_space<vmem>>
    tpu.enqueue_dma source(%dma_start3A_231 : memref<50x128xf32, #tpu.memory_space<vmem>>) target(%dma_start3A_224 : memref<50x128xf32, #tpu.memory_space<hbm>>) target_semaphore(%arg12 : memref<!tpu.dma_semaphore, #tpu.memory_space<semaphore_mem>>)
    %add3A_232 = arith.constant 508 : i32
    %add3A_233 = arith.addi %mul3A_2, %add3A_232 : i32
    %add3A_234 = arith.constant 2 : i32
    %add3A_235 = arith.addi %add3A_233, %add3A_234 : i32
    %dma_start3A_236 = arith.constant 1 : i32
    %dma_start3A_237 = arith.constant 0 : i32
    %dma_start3A_238 = arith.constant 0 : i32
    %dma_start3A_239 = tpu.memref_slice %arg7[%dma_start3A_236, %dma_start3A_237, %dma_start3A_238] : memref<3x200x128xf32, #tpu.memory_space<vmem>> -> memref<1x200x128xf32, #tpu.memory_space<vmem>>
    %dma_start3A_240 = tpu.memref_squeeze %dma_start3A_239 : memref<1x200x128xf32, #tpu.memory_space<vmem>> -> memref<200x128xf32, #tpu.memory_space<vmem>>
    %dma_start3A_241 = arith.constant 100 : i32
    %dma_start3A_242 = arith.constant 0 : i32
    %dma_start3A_243 = tpu.memref_slice %dma_start3A_240[%dma_start3A_241, %dma_start3A_242] : memref<200x128xf32, #tpu.memory_space<vmem>> -> memref<50x128xf32, #tpu.memory_space<vmem>>
    %dma_start3A_244 = arith.constant 0 : i32
    %dma_start3A_245 = arith.constant 0 : i32
    %dma_start3A_246 = tpu.memref_slice %arg4[%add3A_235, %dma_start3A_244, %dma_start3A_245] : memref<16384x56x128xf32, #tpu.memory_space<hbm>> -> memref<1x50x128xf32, #tpu.memory_space<hbm>>
    %dma_start3A_247 = tpu.memref_squeeze %dma_start3A_246 : memref<1x50x128xf32, #tpu.memory_space<hbm>> -> memref<50x128xf32, #tpu.memory_space<hbm>>
    %dma_start3A_248 = arith.constant 0 : i32
    %dma_start3A_249 = arith.constant 0 : i32
    %dma_start3A_250 = tpu.memref_slice %arg4[%add3A_235, %dma_start3A_248, %dma_start3A_249] : memref<16384x56x128xf32, #tpu.memory_space<hbm>> -> memref<1x50x128xf32, #tpu.memory_space<hbm>>
    %dma_start3A_251 = tpu.memref_squeeze %dma_start3A_250 : memref<1x50x128xf32, #tpu.memory_space<hbm>> -> memref<50x128xf32, #tpu.memory_space<hbm>>
    %dma_start3A_252 = arith.constant 0 : i32
    %dma_start3A_253 = arith.constant 0 : i32
    %dma_start3A_254 = tpu.memref_slice %arg7[%dma_start3A_236, %dma_start3A_252, %dma_start3A_253] : memref<3x200x128xf32, #tpu.memory_space<vmem>> -> memref<1x200x128xf32, #tpu.memory_space<vmem>>
    %dma_start3A_255 = tpu.memref_squeeze %dma_start3A_254 : memref<1x200x128xf32, #tpu.memory_space<vmem>> -> memref<200x128xf32, #tpu.memory_space<vmem>>
    %dma_start3A_256 = arith.constant 100 : i32
    %dma_start3A_257 = arith.constant 0 : i32
    %dma_start3A_258 = tpu.memref_slice %dma_start3A_255[%dma_start3A_256, %dma_start3A_257] : memref<200x128xf32, #tpu.memory_space<vmem>> -> memref<50x128xf32, #tpu.memory_space<vmem>>
    tpu.enqueue_dma source(%dma_start3A_258 : memref<50x128xf32, #tpu.memory_space<vmem>>) target(%dma_start3A_251 : memref<50x128xf32, #tpu.memory_space<hbm>>) target_semaphore(%arg12 : memref<!tpu.dma_semaphore, #tpu.memory_space<semaphore_mem>>)
    %add3A_259 = arith.constant 508 : i32
    %add3A_260 = arith.addi %mul3A_2, %add3A_259 : i32
    %add3A_261 = arith.constant 3 : i32
    %add3A_262 = arith.addi %add3A_260, %add3A_261 : i32
    %dma_start3A_263 = arith.constant 1 : i32
    %dma_start3A_264 = arith.constant 0 : i32
    %dma_start3A_265 = arith.constant 0 : i32
    %dma_start3A_266 = tpu.memref_slice %arg7[%dma_start3A_263, %dma_start3A_264, %dma_start3A_265] : memref<3x200x128xf32, #tpu.memory_space<vmem>> -> memref<1x200x128xf32, #tpu.memory_space<vmem>>
    %dma_start3A_267 = tpu.memref_squeeze %dma_start3A_266 : memref<1x200x128xf32, #tpu.memory_space<vmem>> -> memref<200x128xf32, #tpu.memory_space<vmem>>
    %dma_start3A_268 = arith.constant 150 : i32
    %dma_start3A_269 = arith.constant 0 : i32
    %dma_start3A_270 = tpu.memref_slice %dma_start3A_267[%dma_start3A_268, %dma_start3A_269] : memref<200x128xf32, #tpu.memory_space<vmem>> -> memref<50x128xf32, #tpu.memory_space<vmem>>
    %dma_start3A_271 = arith.constant 0 : i32
    %dma_start3A_272 = arith.constant 0 : i32
    %dma_start3A_273 = tpu.memref_slice %arg4[%add3A_262, %dma_start3A_271, %dma_start3A_272] : memref<16384x56x128xf32, #tpu.memory_space<hbm>> -> memref<1x50x128xf32, #tpu.memory_space<hbm>>
    %dma_start3A_274 = tpu.memref_squeeze %dma_start3A_273 : memref<1x50x128xf32, #tpu.memory_space<hbm>> -> memref<50x128xf32, #tpu.memory_space<hbm>>
    %dma_start3A_275 = arith.constant 0 : i32
    %dma_start3A_276 = arith.constant 0 : i32
    %dma_start3A_277 = tpu.memref_slice %arg4[%add3A_262, %dma_start3A_275, %dma_start3A_276] : memref<16384x56x128xf32, #tpu.memory_space<hbm>> -> memref<1x50x128xf32, #tpu.memory_space<hbm>>
    %dma_start3A_278 = tpu.memref_squeeze %dma_start3A_277 : memref<1x50x128xf32, #tpu.memory_space<hbm>> -> memref<50x128xf32, #tpu.memory_space<hbm>>
    %dma_start3A_279 = arith.constant 0 : i32
    %dma_start3A_280 = arith.constant 0 : i32
    %dma_start3A_281 = tpu.memref_slice %arg7[%dma_start3A_263, %dma_start3A_279, %dma_start3A_280] : memref<3x200x128xf32, #tpu.memory_space<vmem>> -> memref<1x200x128xf32, #tpu.memory_space<vmem>>
    %dma_start3A_282 = tpu.memref_squeeze %dma_start3A_281 : memref<1x200x128xf32, #tpu.memory_space<vmem>> -> memref<200x128xf32, #tpu.memory_space<vmem>>
    %dma_start3A_283 = arith.constant 150 : i32
    %dma_start3A_284 = arith.constant 0 : i32
    %dma_start3A_285 = tpu.memref_slice %dma_start3A_282[%dma_start3A_283, %dma_start3A_284] : memref<200x128xf32, #tpu.memory_space<vmem>> -> memref<50x128xf32, #tpu.memory_space<vmem>>
    tpu.enqueue_dma source(%dma_start3A_285 : memref<50x128xf32, #tpu.memory_space<vmem>>) target(%dma_start3A_278 : memref<50x128xf32, #tpu.memory_space<hbm>>) target_semaphore(%arg12 : memref<!tpu.dma_semaphore, #tpu.memory_space<semaphore_mem>>)
    %add3A_286 = arith.constant 500 : i32
    %add3A_287 = arith.addi %mul3A_2, %add3A_286 : i32
    %add3A_288 = arith.constant 0 : i32
    %add3A_289 = arith.addi %add3A_287, %add3A_288 : i32
    %dma_wait3A_290 = arith.constant 2 : i32
    %dma_wait3A_291 = arith.constant 0 : i32
    %dma_wait3A_292 = arith.constant 0 : i32
    %dma_wait3A_293 = tpu.memref_slice %arg7[%dma_wait3A_290, %dma_wait3A_291, %dma_wait3A_292] : memref<3x200x128xf32, #tpu.memory_space<vmem>> -> memref<1x200x128xf32, #tpu.memory_space<vmem>>
    %dma_wait3A_294 = tpu.memref_squeeze %dma_wait3A_293 : memref<1x200x128xf32, #tpu.memory_space<vmem>> -> memref<200x128xf32, #tpu.memory_space<vmem>>
    %dma_wait3A_295 = arith.constant 0 : i32
    %dma_wait3A_296 = arith.constant 0 : i32
    %dma_wait3A_297 = tpu.memref_slice %dma_wait3A_294[%dma_wait3A_295, %dma_wait3A_296] : memref<200x128xf32, #tpu.memory_space<vmem>> -> memref<50x128xf32, #tpu.memory_space<vmem>>
    %dma_wait3A_298 = arith.constant 0 : i32
    %dma_wait3A_299 = arith.constant 0 : i32
    %dma_wait3A_300 = tpu.memref_slice %arg4[%add3A_289, %dma_wait3A_298, %dma_wait3A_299] : memref<16384x56x128xf32, #tpu.memory_space<hbm>> -> memref<1x50x128xf32, #tpu.memory_space<hbm>>
    %dma_wait3A_301 = tpu.memref_squeeze %dma_wait3A_300 : memref<1x50x128xf32, #tpu.memory_space<hbm>> -> memref<50x128xf32, #tpu.memory_space<hbm>>
    %dma_wait3A_302 = arith.constant 0 : i32
    %dma_wait3A_303 = arith.constant 0 : i32
    %dma_wait3A_304 = tpu.memref_slice %arg4[%add3A_289, %dma_wait3A_302, %dma_wait3A_303] : memref<16384x56x128xf32, #tpu.memory_space<hbm>> -> memref<1x50x128xf32, #tpu.memory_space<hbm>>
    %dma_wait3A_305 = tpu.memref_squeeze %dma_wait3A_304 : memref<1x50x128xf32, #tpu.memory_space<hbm>> -> memref<50x128xf32, #tpu.memory_space<hbm>>
    %dma_wait3A_306 = arith.constant 0 : i32
    %dma_wait3A_307 = arith.constant 0 : i32
    %dma_wait3A_308 = tpu.memref_slice %arg7[%dma_wait3A_290, %dma_wait3A_306, %dma_wait3A_307] : memref<3x200x128xf32, #tpu.memory_space<vmem>> -> memref<1x200x128xf32, #tpu.memory_space<vmem>>
    %dma_wait3A_309 = tpu.memref_squeeze %dma_wait3A_308 : memref<1x200x128xf32, #tpu.memory_space<vmem>> -> memref<200x128xf32, #tpu.memory_space<vmem>>
    %dma_wait3A_310 = arith.constant 0 : i32
    %dma_wait3A_311 = arith.constant 0 : i32
    %dma_wait3A_312 = tpu.memref_slice %dma_wait3A_309[%dma_wait3A_310, %dma_wait3A_311] : memref<200x128xf32, #tpu.memory_space<vmem>> -> memref<50x128xf32, #tpu.memory_space<vmem>>
    tpu.wait_dma2 semaphore(%arg13 : memref<!tpu.dma_semaphore, #tpu.memory_space<semaphore_mem>>) src(%dma_wait3A_312 : memref<50x128xf32, #tpu.memory_space<vmem>>) dst(%dma_wait3A_305 : memref<50x128xf32, #tpu.memory_space<hbm>>)
    %add3A_313 = arith.constant 500 : i32
    %add3A_314 = arith.addi %mul3A_2, %add3A_313 : i32
    %add3A_315 = arith.constant 1 : i32
    %add3A_316 = arith.addi %add3A_314, %add3A_315 : i32
    %dma_wait3A_317 = arith.constant 2 : i32
    %dma_wait3A_318 = arith.constant 0 : i32
    %dma_wait3A_319 = arith.constant 0 : i32
    %dma_wait3A_320 = tpu.memref_slice %arg7[%dma_wait3A_317, %dma_wait3A_318, %dma_wait3A_319] : memref<3x200x128xf32, #tpu.memory_space<vmem>> -> memref<1x200x128xf32, #tpu.memory_space<vmem>>
    %dma_wait3A_321 = tpu.memref_squeeze %dma_wait3A_320 : memref<1x200x128xf32, #tpu.memory_space<vmem>> -> memref<200x128xf32, #tpu.memory_space<vmem>>
    %dma_wait3A_322 = arith.constant 50 : i32
    %dma_wait3A_323 = arith.constant 0 : i32
    %dma_wait3A_324 = tpu.memref_slice %dma_wait3A_321[%dma_wait3A_322, %dma_wait3A_323] : memref<200x128xf32, #tpu.memory_space<vmem>> -> memref<50x128xf32, #tpu.memory_space<vmem>>
    %dma_wait3A_325 = arith.constant 0 : i32
    %dma_wait3A_326 = arith.constant 0 : i32
    %dma_wait3A_327 = tpu.memref_slice %arg4[%add3A_316, %dma_wait3A_325, %dma_wait3A_326] : memref<16384x56x128xf32, #tpu.memory_space<hbm>> -> memref<1x50x128xf32, #tpu.memory_space<hbm>>
    %dma_wait3A_328 = tpu.memref_squeeze %dma_wait3A_327 : memref<1x50x128xf32, #tpu.memory_space<hbm>> -> memref<50x128xf32, #tpu.memory_space<hbm>>
    %dma_wait3A_329 = arith.constant 0 : i32
    %dma_wait3A_330 = arith.constant 0 : i32
    %dma_wait3A_331 = tpu.memref_slice %arg4[%add3A_316, %dma_wait3A_329, %dma_wait3A_330] : memref<16384x56x128xf32, #tpu.memory_space<hbm>> -> memref<1x50x128xf32, #tpu.memory_space<hbm>>
    %dma_wait3A_332 = tpu.memref_squeeze %dma_wait3A_331 : memref<1x50x128xf32, #tpu.memory_space<hbm>> -> memref<50x128xf32, #tpu.memory_space<hbm>>
    %dma_wait3A_333 = arith.constant 0 : i32
    %dma_wait3A_334 = arith.constant 0 : i32
    %dma_wait3A_335 = tpu.memref_slice %arg7[%dma_wait3A_317, %dma_wait3A_333, %dma_wait3A_334] : memref<3x200x128xf32, #tpu.memory_space<vmem>> -> memref<1x200x128xf32, #tpu.memory_space<vmem>>
    %dma_wait3A_336 = tpu.memref_squeeze %dma_wait3A_335 : memref<1x200x128xf32, #tpu.memory_space<vmem>> -> memref<200x128xf32, #tpu.memory_space<vmem>>
    %dma_wait3A_337 = arith.constant 50 : i32
    %dma_wait3A_338 = arith.constant 0 : i32
    %dma_wait3A_339 = tpu.memref_slice %dma_wait3A_336[%dma_wait3A_337, %dma_wait3A_338] : memref<200x128xf32, #tpu.memory_space<vmem>> -> memref<50x128xf32, #tpu.memory_space<vmem>>
    tpu.wait_dma2 semaphore(%arg13 : memref<!tpu.dma_semaphore, #tpu.memory_space<semaphore_mem>>) src(%dma_wait3A_339 : memref<50x128xf32, #tpu.memory_space<vmem>>) dst(%dma_wait3A_332 : memref<50x128xf32, #tpu.memory_space<hbm>>)
    %add3A_340 = arith.constant 500 : i32
    %add3A_341 = arith.addi %mul3A_2, %add3A_340 : i32
    %add3A_342 = arith.constant 2 : i32
    %add3A_343 = arith.addi %add3A_341, %add3A_342 : i32
    %dma_wait3A_344 = arith.constant 2 : i32
    %dma_wait3A_345 = arith.constant 0 : i32
    %dma_wait3A_346 = arith.constant 0 : i32
    %dma_wait3A_347 = tpu.memref_slice %arg7[%dma_wait3A_344, %dma_wait3A_345, %dma_wait3A_346] : memref<3x200x128xf32, #tpu.memory_space<vmem>> -> memref<1x200x128xf32, #tpu.memory_space<vmem>>
    %dma_wait3A_348 = tpu.memref_squeeze %dma_wait3A_347 : memref<1x200x128xf32, #tpu.memory_space<vmem>> -> memref<200x128xf32, #tpu.memory_space<vmem>>
    %dma_wait3A_349 = arith.constant 100 : i32
    %dma_wait3A_350 = arith.constant 0 : i32
    %dma_wait3A_351 = tpu.memref_slice %dma_wait3A_348[%dma_wait3A_349, %dma_wait3A_350] : memref<200x128xf32, #tpu.memory_space<vmem>> -> memref<50x128xf32, #tpu.memory_space<vmem>>
    %dma_wait3A_352 = arith.constant 0 : i32
    %dma_wait3A_353 = arith.constant 0 : i32
    %dma_wait3A_354 = tpu.memref_slice %arg4[%add3A_343, %dma_wait3A_352, %dma_wait3A_353] : memref<16384x56x128xf32, #tpu.memory_space<hbm>> -> memref<1x50x128xf32, #tpu.memory_space<hbm>>
    %dma_wait3A_355 = tpu.memref_squeeze %dma_wait3A_354 : memref<1x50x128xf32, #tpu.memory_space<hbm>> -> memref<50x128xf32, #tpu.memory_space<hbm>>
    %dma_wait3A_356 = arith.constant 0 : i32
    %dma_wait3A_357 = arith.constant 0 : i32
    %dma_wait3A_358 = tpu.memref_slice %arg4[%add3A_343, %dma_wait3A_356, %dma_wait3A_357] : memref<16384x56x128xf32, #tpu.memory_space<hbm>> -> memref<1x50x128xf32, #tpu.memory_space<hbm>>
    %dma_wait3A_359 = tpu.memref_squeeze %dma_wait3A_358 : memref<1x50x128xf32, #tpu.memory_space<hbm>> -> memref<50x128xf32, #tpu.memory_space<hbm>>
    %dma_wait3A_360 = arith.constant 0 : i32
    %dma_wait3A_361 = arith.constant 0 : i32
    %dma_wait3A_362 = tpu.memref_slice %arg7[%dma_wait3A_344, %dma_wait3A_360, %dma_wait3A_361] : memref<3x200x128xf32, #tpu.memory_space<vmem>> -> memref<1x200x128xf32, #tpu.memory_space<vmem>>
    %dma_wait3A_363 = tpu.memref_squeeze %dma_wait3A_362 : memref<1x200x128xf32, #tpu.memory_space<vmem>> -> memref<200x128xf32, #tpu.memory_space<vmem>>
    %dma_wait3A_364 = arith.constant 100 : i32
    %dma_wait3A_365 = arith.constant 0 : i32
    %dma_wait3A_366 = tpu.memref_slice %dma_wait3A_363[%dma_wait3A_364, %dma_wait3A_365] : memref<200x128xf32, #tpu.memory_space<vmem>> -> memref<50x128xf32, #tpu.memory_space<vmem>>
    tpu.wait_dma2 semaphore(%arg13 : memref<!tpu.dma_semaphore, #tpu.memory_space<semaphore_mem>>) src(%dma_wait3A_366 : memref<50x128xf32, #tpu.memory_space<vmem>>) dst(%dma_wait3A_359 : memref<50x128xf32, #tpu.memory_space<hbm>>)
    %add3A_367 = arith.constant 500 : i32
    %add3A_368 = arith.addi %mul3A_2, %add3A_367 : i32
    %add3A_369 = arith.constant 3 : i32
    %add3A_370 = arith.addi %add3A_368, %add3A_369 : i32
    %dma_wait3A_371 = arith.constant 2 : i32
    %dma_wait3A_372 = arith.constant 0 : i32
    %dma_wait3A_373 = arith.constant 0 : i32
    %dma_wait3A_374 = tpu.memref_slice %arg7[%dma_wait3A_371, %dma_wait3A_372, %dma_wait3A_373] : memref<3x200x128xf32, #tpu.memory_space<vmem>> -> memref<1x200x128xf32, #tpu.memory_space<vmem>>
    %dma_wait3A_375 = tpu.memref_squeeze %dma_wait3A_374 : memref<1x200x128xf32, #tpu.memory_space<vmem>> -> memref<200x128xf32, #tpu.memory_space<vmem>>
    %dma_wait3A_376 = arith.constant 150 : i32
    %dma_wait3A_377 = arith.constant 0 : i32
    %dma_wait3A_378 = tpu.memref_slice %dma_wait3A_375[%dma_wait3A_376, %dma_wait3A_377] : memref<200x128xf32, #tpu.memory_space<vmem>> -> memref<50x128xf32, #tpu.memory_space<vmem>>
    %dma_wait3A_379 = arith.constant 0 : i32
    %dma_wait3A_380 = arith.constant 0 : i32
    %dma_wait3A_381 = tpu.memref_slice %arg4[%add3A_370, %dma_wait3A_379, %dma_wait3A_380] : memref<16384x56x128xf32, #tpu.memory_space<hbm>> -> memref<1x50x128xf32, #tpu.memory_space<hbm>>
    %dma_wait3A_382 = tpu.memref_squeeze %dma_wait3A_381 : memref<1x50x128xf32, #tpu.memory_space<hbm>> -> memref<50x128xf32, #tpu.memory_space<hbm>>
    %dma_wait3A_383 = arith.constant 0 : i32
    %dma_wait3A_384 = arith.constant 0 : i32
    %dma_wait3A_385 = tpu.memref_slice %arg4[%add3A_370, %dma_wait3A_383, %dma_wait3A_384] : memref<16384x56x128xf32, #tpu.memory_space<hbm>> -> memref<1x50x128xf32, #tpu.memory_space<hbm>>
    %dma_wait3A_386 = tpu.memref_squeeze %dma_wait3A_385 : memref<1x50x128xf32, #tpu.memory_space<hbm>> -> memref<50x128xf32, #tpu.memory_space<hbm>>
    %dma_wait3A_387 = arith.constant 0 : i32
    %dma_wait3A_388 = arith.constant 0 : i32
    %dma_wait3A_389 = tpu.memref_slice %arg7[%dma_wait3A_371, %dma_wait3A_387, %dma_wait3A_388] : memref<3x200x128xf32, #tpu.memory_space<vmem>> -> memref<1x200x128xf32, #tpu.memory_space<vmem>>
    %dma_wait3A_390 = tpu.memref_squeeze %dma_wait3A_389 : memref<1x200x128xf32, #tpu.memory_space<vmem>> -> memref<200x128xf32, #tpu.memory_space<vmem>>
    %dma_wait3A_391 = arith.constant 150 : i32
    %dma_wait3A_392 = arith.constant 0 : i32
    %dma_wait3A_393 = tpu.memref_slice %dma_wait3A_390[%dma_wait3A_391, %dma_wait3A_392] : memref<200x128xf32, #tpu.memory_space<vmem>> -> memref<50x128xf32, #tpu.memory_space<vmem>>
    tpu.wait_dma2 semaphore(%arg13 : memref<!tpu.dma_semaphore, #tpu.memory_space<semaphore_mem>>) src(%dma_wait3A_393 : memref<50x128xf32, #tpu.memory_space<vmem>>) dst(%dma_wait3A_386 : memref<50x128xf32, #tpu.memory_space<hbm>>)
    %add3A_394 = arith.constant 504 : i32
    %add3A_395 = arith.addi %mul3A_2, %add3A_394 : i32
    %add3A_396 = arith.constant 0 : i32
    %add3A_397 = arith.addi %add3A_395, %add3A_396 : i32
    %dma_wait3A_398 = arith.constant 0 : i32
    %dma_wait3A_399 = arith.constant 0 : i32
    %dma_wait3A_400 = arith.constant 0 : i32
    %dma_wait3A_401 = tpu.memref_slice %arg7[%dma_wait3A_398, %dma_wait3A_399, %dma_wait3A_400] : memref<3x200x128xf32, #tpu.memory_space<vmem>> -> memref<1x200x128xf32, #tpu.memory_space<vmem>>
    %dma_wait3A_402 = tpu.memref_squeeze %dma_wait3A_401 : memref<1x200x128xf32, #tpu.memory_space<vmem>> -> memref<200x128xf32, #tpu.memory_space<vmem>>
    %dma_wait3A_403 = arith.constant 0 : i32
    %dma_wait3A_404 = arith.constant 0 : i32
    %dma_wait3A_405 = tpu.memref_slice %dma_wait3A_402[%dma_wait3A_403, %dma_wait3A_404] : memref<200x128xf32, #tpu.memory_space<vmem>> -> memref<50x128xf32, #tpu.memory_space<vmem>>
    %dma_wait3A_406 = arith.constant 0 : i32
    %dma_wait3A_407 = arith.constant 0 : i32
    %dma_wait3A_408 = tpu.memref_slice %arg4[%add3A_397, %dma_wait3A_406, %dma_wait3A_407] : memref<16384x56x128xf32, #tpu.memory_space<hbm>> -> memref<1x50x128xf32, #tpu.memory_space<hbm>>
    %dma_wait3A_409 = tpu.memref_squeeze %dma_wait3A_408 : memref<1x50x128xf32, #tpu.memory_space<hbm>> -> memref<50x128xf32, #tpu.memory_space<hbm>>
    %dma_wait3A_410 = arith.constant 0 : i32
    %dma_wait3A_411 = arith.constant 0 : i32
    %dma_wait3A_412 = tpu.memref_slice %arg4[%add3A_397, %dma_wait3A_410, %dma_wait3A_411] : memref<16384x56x128xf32, #tpu.memory_space<hbm>> -> memref<1x50x128xf32, #tpu.memory_space<hbm>>
    %dma_wait3A_413 = tpu.memref_squeeze %dma_wait3A_412 : memref<1x50x128xf32, #tpu.memory_space<hbm>> -> memref<50x128xf32, #tpu.memory_space<hbm>>
    %dma_wait3A_414 = arith.constant 0 : i32
    %dma_wait3A_415 = arith.constant 0 : i32
    %dma_wait3A_416 = tpu.memref_slice %arg7[%dma_wait3A_398, %dma_wait3A_414, %dma_wait3A_415] : memref<3x200x128xf32, #tpu.memory_space<vmem>> -> memref<1x200x128xf32, #tpu.memory_space<vmem>>
    %dma_wait3A_417 = tpu.memref_squeeze %dma_wait3A_416 : memref<1x200x128xf32, #tpu.memory_space<vmem>> -> memref<200x128xf32, #tpu.memory_space<vmem>>
    %dma_wait3A_418 = arith.constant 0 : i32
    %dma_wait3A_419 = arith.constant 0 : i32
    %dma_wait3A_420 = tpu.memref_slice %dma_wait3A_417[%dma_wait3A_418, %dma_wait3A_419] : memref<200x128xf32, #tpu.memory_space<vmem>> -> memref<50x128xf32, #tpu.memory_space<vmem>>
    tpu.wait_dma2 semaphore(%arg11 : memref<!tpu.dma_semaphore, #tpu.memory_space<semaphore_mem>>) src(%dma_wait3A_420 : memref<50x128xf32, #tpu.memory_space<vmem>>) dst(%dma_wait3A_413 : memref<50x128xf32, #tpu.memory_space<hbm>>)
    %add3A_421 = arith.constant 504 : i32
    %add3A_422 = arith.addi %mul3A_2, %add3A_421 : i32
    %add3A_423 = arith.constant 1 : i32
    %add3A_424 = arith.addi %add3A_422, %add3A_423 : i32
    %dma_wait3A_425 = arith.constant 0 : i32
    %dma_wait3A_426 = arith.constant 0 : i32
    %dma_wait3A_427 = arith.constant 0 : i32
    %dma_wait3A_428 = tpu.memref_slice %arg7[%dma_wait3A_425, %dma_wait3A_426, %dma_wait3A_427] : memref<3x200x128xf32, #tpu.memory_space<vmem>> -> memref<1x200x128xf32, #tpu.memory_space<vmem>>
    %dma_wait3A_429 = tpu.memref_squeeze %dma_wait3A_428 : memref<1x200x128xf32, #tpu.memory_space<vmem>> -> memref<200x128xf32, #tpu.memory_space<vmem>>
    %dma_wait3A_430 = arith.constant 50 : i32
    %dma_wait3A_431 = arith.constant 0 : i32
    %dma_wait3A_432 = tpu.memref_slice %dma_wait3A_429[%dma_wait3A_430, %dma_wait3A_431] : memref<200x128xf32, #tpu.memory_space<vmem>> -> memref<50x128xf32, #tpu.memory_space<vmem>>
    %dma_wait3A_433 = arith.constant 0 : i32
    %dma_wait3A_434 = arith.constant 0 : i32
    %dma_wait3A_435 = tpu.memref_slice %arg4[%add3A_424, %dma_wait3A_433, %dma_wait3A_434] : memref<16384x56x128xf32, #tpu.memory_space<hbm>> -> memref<1x50x128xf32, #tpu.memory_space<hbm>>
    %dma_wait3A_436 = tpu.memref_squeeze %dma_wait3A_435 : memref<1x50x128xf32, #tpu.memory_space<hbm>> -> memref<50x128xf32, #tpu.memory_space<hbm>>
    %dma_wait3A_437 = arith.constant 0 : i32
    %dma_wait3A_438 = arith.constant 0 : i32
    %dma_wait3A_439 = tpu.memref_slice %arg4[%add3A_424, %dma_wait3A_437, %dma_wait3A_438] : memref<16384x56x128xf32, #tpu.memory_space<hbm>> -> memref<1x50x128xf32, #tpu.memory_space<hbm>>
    %dma_wait3A_440 = tpu.memref_squeeze %dma_wait3A_439 : memref<1x50x128xf32, #tpu.memory_space<hbm>> -> memref<50x128xf32, #tpu.memory_space<hbm>>
    %dma_wait3A_441 = arith.constant 0 : i32
    %dma_wait3A_442 = arith.constant 0 : i32
    %dma_wait3A_443 = tpu.memref_slice %arg7[%dma_wait3A_425, %dma_wait3A_441, %dma_wait3A_442] : memref<3x200x128xf32, #tpu.memory_space<vmem>> -> memref<1x200x128xf32, #tpu.memory_space<vmem>>
    %dma_wait3A_444 = tpu.memref_squeeze %dma_wait3A_443 : memref<1x200x128xf32, #tpu.memory_space<vmem>> -> memref<200x128xf32, #tpu.memory_space<vmem>>
    %dma_wait3A_445 = arith.constant 50 : i32
    %dma_wait3A_446 = arith.constant 0 : i32
    %dma_wait3A_447 = tpu.memref_slice %dma_wait3A_444[%dma_wait3A_445, %dma_wait3A_446] : memref<200x128xf32, #tpu.memory_space<vmem>> -> memref<50x128xf32, #tpu.memory_space<vmem>>
    tpu.wait_dma2 semaphore(%arg11 : memref<!tpu.dma_semaphore, #tpu.memory_space<semaphore_mem>>) src(%dma_wait3A_447 : memref<50x128xf32, #tpu.memory_space<vmem>>) dst(%dma_wait3A_440 : memref<50x128xf32, #tpu.memory_space<hbm>>)
    %add3A_448 = arith.constant 504 : i32
    %add3A_449 = arith.addi %mul3A_2, %add3A_448 : i32
    %add3A_450 = arith.constant 2 : i32
    %add3A_451 = arith.addi %add3A_449, %add3A_450 : i32
    %dma_wait3A_452 = arith.constant 0 : i32
    %dma_wait3A_453 = arith.constant 0 : i32
    %dma_wait3A_454 = arith.constant 0 : i32
    %dma_wait3A_455 = tpu.memref_slice %arg7[%dma_wait3A_452, %dma_wait3A_453, %dma_wait3A_454] : memref<3x200x128xf32, #tpu.memory_space<vmem>> -> memref<1x200x128xf32, #tpu.memory_space<vmem>>
    %dma_wait3A_456 = tpu.memref_squeeze %dma_wait3A_455 : memref<1x200x128xf32, #tpu.memory_space<vmem>> -> memref<200x128xf32, #tpu.memory_space<vmem>>
    %dma_wait3A_457 = arith.constant 100 : i32
    %dma_wait3A_458 = arith.constant 0 : i32
    %dma_wait3A_459 = tpu.memref_slice %dma_wait3A_456[%dma_wait3A_457, %dma_wait3A_458] : memref<200x128xf32, #tpu.memory_space<vmem>> -> memref<50x128xf32, #tpu.memory_space<vmem>>
    %dma_wait3A_460 = arith.constant 0 : i32
    %dma_wait3A_461 = arith.constant 0 : i32
    %dma_wait3A_462 = tpu.memref_slice %arg4[%add3A_451, %dma_wait3A_460, %dma_wait3A_461] : memref<16384x56x128xf32, #tpu.memory_space<hbm>> -> memref<1x50x128xf32, #tpu.memory_space<hbm>>
    %dma_wait3A_463 = tpu.memref_squeeze %dma_wait3A_462 : memref<1x50x128xf32, #tpu.memory_space<hbm>> -> memref<50x128xf32, #tpu.memory_space<hbm>>
    %dma_wait3A_464 = arith.constant 0 : i32
    %dma_wait3A_465 = arith.constant 0 : i32
    %dma_wait3A_466 = tpu.memref_slice %arg4[%add3A_451, %dma_wait3A_464, %dma_wait3A_465] : memref<16384x56x128xf32, #tpu.memory_space<hbm>> -> memref<1x50x128xf32, #tpu.memory_space<hbm>>
    %dma_wait3A_467 = tpu.memref_squeeze %dma_wait3A_466 : memref<1x50x128xf32, #tpu.memory_space<hbm>> -> memref<50x128xf32, #tpu.memory_space<hbm>>
    %dma_wait3A_468 = arith.constant 0 : i32
    %dma_wait3A_469 = arith.constant 0 : i32
    %dma_wait3A_470 = tpu.memref_slice %arg7[%dma_wait3A_452, %dma_wait3A_468, %dma_wait3A_469] : memref<3x200x128xf32, #tpu.memory_space<vmem>> -> memref<1x200x128xf32, #tpu.memory_space<vmem>>
    %dma_wait3A_471 = tpu.memref_squeeze %dma_wait3A_470 : memref<1x200x128xf32, #tpu.memory_space<vmem>> -> memref<200x128xf32, #tpu.memory_space<vmem>>
    %dma_wait3A_472 = arith.constant 100 : i32
    %dma_wait3A_473 = arith.constant 0 : i32
    %dma_wait3A_474 = tpu.memref_slice %dma_wait3A_471[%dma_wait3A_472, %dma_wait3A_473] : memref<200x128xf32, #tpu.memory_space<vmem>> -> memref<50x128xf32, #tpu.memory_space<vmem>>
    tpu.wait_dma2 semaphore(%arg11 : memref<!tpu.dma_semaphore, #tpu.memory_space<semaphore_mem>>) src(%dma_wait3A_474 : memref<50x128xf32, #tpu.memory_space<vmem>>) dst(%dma_wait3A_467 : memref<50x128xf32, #tpu.memory_space<hbm>>)
    %add3A_475 = arith.constant 504 : i32
    %add3A_476 = arith.addi %mul3A_2, %add3A_475 : i32
    %add3A_477 = arith.constant 3 : i32
    %add3A_478 = arith.addi %add3A_476, %add3A_477 : i32
    %dma_wait3A_479 = arith.constant 0 : i32
    %dma_wait3A_480 = arith.constant 0 : i32
    %dma_wait3A_481 = arith.constant 0 : i32
    %dma_wait3A_482 = tpu.memref_slice %arg7[%dma_wait3A_479, %dma_wait3A_480, %dma_wait3A_481] : memref<3x200x128xf32, #tpu.memory_space<vmem>> -> memref<1x200x128xf32, #tpu.memory_space<vmem>>
    %dma_wait3A_483 = tpu.memref_squeeze %dma_wait3A_482 : memref<1x200x128xf32, #tpu.memory_space<vmem>> -> memref<200x128xf32, #tpu.memory_space<vmem>>
    %dma_wait3A_484 = arith.constant 150 : i32
    %dma_wait3A_485 = arith.constant 0 : i32
    %dma_wait3A_486 = tpu.memref_slice %dma_wait3A_483[%dma_wait3A_484, %dma_wait3A_485] : memref<200x128xf32, #tpu.memory_space<vmem>> -> memref<50x128xf32, #tpu.memory_space<vmem>>
    %dma_wait3A_487 = arith.constant 0 : i32
    %dma_wait3A_488 = arith.constant 0 : i32
    %dma_wait3A_489 = tpu.memref_slice %arg4[%add3A_478, %dma_wait3A_487, %dma_wait3A_488] : memref<16384x56x128xf32, #tpu.memory_space<hbm>> -> memref<1x50x128xf32, #tpu.memory_space<hbm>>
    %dma_wait3A_490 = tpu.memref_squeeze %dma_wait3A_489 : memref<1x50x128xf32, #tpu.memory_space<hbm>> -> memref<50x128xf32, #tpu.memory_space<hbm>>
    %dma_wait3A_491 = arith.constant 0 : i32
    %dma_wait3A_492 = arith.constant 0 : i32
    %dma_wait3A_493 = tpu.memref_slice %arg4[%add3A_478, %dma_wait3A_491, %dma_wait3A_492] : memref<16384x56x128xf32, #tpu.memory_space<hbm>> -> memref<1x50x128xf32, #tpu.memory_space<hbm>>
    %dma_wait3A_494 = tpu.memref_squeeze %dma_wait3A_493 : memref<1x50x128xf32, #tpu.memory_space<hbm>> -> memref<50x128xf32, #tpu.memory_space<hbm>>
    %dma_wait3A_495 = arith.constant 0 : i32
    %dma_wait3A_496 = arith.constant 0 : i32
    %dma_wait3A_497 = tpu.memref_slice %arg7[%dma_wait3A_479, %dma_wait3A_495, %dma_wait3A_496] : memref<3x200x128xf32, #tpu.memory_space<vmem>> -> memref<1x200x128xf32, #tpu.memory_space<vmem>>
    %dma_wait3A_498 = tpu.memref_squeeze %dma_wait3A_497 : memref<1x200x128xf32, #tpu.memory_space<vmem>> -> memref<200x128xf32, #tpu.memory_space<vmem>>
    %dma_wait3A_499 = arith.constant 150 : i32
    %dma_wait3A_500 = arith.constant 0 : i32
    %dma_wait3A_501 = tpu.memref_slice %dma_wait3A_498[%dma_wait3A_499, %dma_wait3A_500] : memref<200x128xf32, #tpu.memory_space<vmem>> -> memref<50x128xf32, #tpu.memory_space<vmem>>
    tpu.wait_dma2 semaphore(%arg11 : memref<!tpu.dma_semaphore, #tpu.memory_space<semaphore_mem>>) src(%dma_wait3A_501 : memref<50x128xf32, #tpu.memory_space<vmem>>) dst(%dma_wait3A_494 : memref<50x128xf32, #tpu.memory_space<hbm>>)
    %add3A_502 = arith.constant 508 : i32
    %add3A_503 = arith.addi %mul3A_2, %add3A_502 : i32
    %add3A_504 = arith.constant 0 : i32
    %add3A_505 = arith.addi %add3A_503, %add3A_504 : i32
    %dma_wait3A_506 = arith.constant 1 : i32
    %dma_wait3A_507 = arith.constant 0 : i32
    %dma_wait3A_508 = arith.constant 0 : i32
    %dma_wait3A_509 = tpu.memref_slice %arg7[%dma_wait3A_506, %dma_wait3A_507, %dma_wait3A_508] : memref<3x200x128xf32, #tpu.memory_space<vmem>> -> memref<1x200x128xf32, #tpu.memory_space<vmem>>
    %dma_wait3A_510 = tpu.memref_squeeze %dma_wait3A_509 : memref<1x200x128xf32, #tpu.memory_space<vmem>> -> memref<200x128xf32, #tpu.memory_space<vmem>>
    %dma_wait3A_511 = arith.constant 0 : i32
    %dma_wait3A_512 = arith.constant 0 : i32
    %dma_wait3A_513 = tpu.memref_slice %dma_wait3A_510[%dma_wait3A_511, %dma_wait3A_512] : memref<200x128xf32, #tpu.memory_space<vmem>> -> memref<50x128xf32, #tpu.memory_space<vmem>>
    %dma_wait3A_514 = arith.constant 0 : i32
    %dma_wait3A_515 = arith.constant 0 : i32
    %dma_wait3A_516 = tpu.memref_slice %arg4[%add3A_505, %dma_wait3A_514, %dma_wait3A_515] : memref<16384x56x128xf32, #tpu.memory_space<hbm>> -> memref<1x50x128xf32, #tpu.memory_space<hbm>>
    %dma_wait3A_517 = tpu.memref_squeeze %dma_wait3A_516 : memref<1x50x128xf32, #tpu.memory_space<hbm>> -> memref<50x128xf32, #tpu.memory_space<hbm>>
    %dma_wait3A_518 = arith.constant 0 : i32
    %dma_wait3A_519 = arith.constant 0 : i32
    %dma_wait3A_520 = tpu.memref_slice %arg4[%add3A_505, %dma_wait3A_518, %dma_wait3A_519] : memref<16384x56x128xf32, #tpu.memory_space<hbm>> -> memref<1x50x128xf32, #tpu.memory_space<hbm>>
    %dma_wait3A_521 = tpu.memref_squeeze %dma_wait3A_520 : memref<1x50x128xf32, #tpu.memory_space<hbm>> -> memref<50x128xf32, #tpu.memory_space<hbm>>
    %dma_wait3A_522 = arith.constant 0 : i32
    %dma_wait3A_523 = arith.constant 0 : i32
    %dma_wait3A_524 = tpu.memref_slice %arg7[%dma_wait3A_506, %dma_wait3A_522, %dma_wait3A_523] : memref<3x200x128xf32, #tpu.memory_space<vmem>> -> memref<1x200x128xf32, #tpu.memory_space<vmem>>
    %dma_wait3A_525 = tpu.memref_squeeze %dma_wait3A_524 : memref<1x200x128xf32, #tpu.memory_space<vmem>> -> memref<200x128xf32, #tpu.memory_space<vmem>>
    %dma_wait3A_526 = arith.constant 0 : i32
    %dma_wait3A_527 = arith.constant 0 : i32
    %dma_wait3A_528 = tpu.memref_slice %dma_wait3A_525[%dma_wait3A_526, %dma_wait3A_527] : memref<200x128xf32, #tpu.memory_space<vmem>> -> memref<50x128xf32, #tpu.memory_space<vmem>>
    tpu.wait_dma2 semaphore(%arg12 : memref<!tpu.dma_semaphore, #tpu.memory_space<semaphore_mem>>) src(%dma_wait3A_528 : memref<50x128xf32, #tpu.memory_space<vmem>>) dst(%dma_wait3A_521 : memref<50x128xf32, #tpu.memory_space<hbm>>)
    %add3A_529 = arith.constant 508 : i32
    %add3A_530 = arith.addi %mul3A_2, %add3A_529 : i32
    %add3A_531 = arith.constant 1 : i32
    %add3A_532 = arith.addi %add3A_530, %add3A_531 : i32
    %dma_wait3A_533 = arith.constant 1 : i32
    %dma_wait3A_534 = arith.constant 0 : i32
    %dma_wait3A_535 = arith.constant 0 : i32
    %dma_wait3A_536 = tpu.memref_slice %arg7[%dma_wait3A_533, %dma_wait3A_534, %dma_wait3A_535] : memref<3x200x128xf32, #tpu.memory_space<vmem>> -> memref<1x200x128xf32, #tpu.memory_space<vmem>>
    %dma_wait3A_537 = tpu.memref_squeeze %dma_wait3A_536 : memref<1x200x128xf32, #tpu.memory_space<vmem>> -> memref<200x128xf32, #tpu.memory_space<vmem>>
    %dma_wait3A_538 = arith.constant 50 : i32
    %dma_wait3A_539 = arith.constant 0 : i32
    %dma_wait3A_540 = tpu.memref_slice %dma_wait3A_537[%dma_wait3A_538, %dma_wait3A_539] : memref<200x128xf32, #tpu.memory_space<vmem>> -> memref<50x128xf32, #tpu.memory_space<vmem>>
    %dma_wait3A_541 = arith.constant 0 : i32
    %dma_wait3A_542 = arith.constant 0 : i32
    %dma_wait3A_543 = tpu.memref_slice %arg4[%add3A_532, %dma_wait3A_541, %dma_wait3A_542] : memref<16384x56x128xf32, #tpu.memory_space<hbm>> -> memref<1x50x128xf32, #tpu.memory_space<hbm>>
    %dma_wait3A_544 = tpu.memref_squeeze %dma_wait3A_543 : memref<1x50x128xf32, #tpu.memory_space<hbm>> -> memref<50x128xf32, #tpu.memory_space<hbm>>
    %dma_wait3A_545 = arith.constant 0 : i32
    %dma_wait3A_546 = arith.constant 0 : i32
    %dma_wait3A_547 = tpu.memref_slice %arg4[%add3A_532, %dma_wait3A_545, %dma_wait3A_546] : memref<16384x56x128xf32, #tpu.memory_space<hbm>> -> memref<1x50x128xf32, #tpu.memory_space<hbm>>
    %dma_wait3A_548 = tpu.memref_squeeze %dma_wait3A_547 : memref<1x50x128xf32, #tpu.memory_space<hbm>> -> memref<50x128xf32, #tpu.memory_space<hbm>>
    %dma_wait3A_549 = arith.constant 0 : i32
    %dma_wait3A_550 = arith.constant 0 : i32
    %dma_wait3A_551 = tpu.memref_slice %arg7[%dma_wait3A_533, %dma_wait3A_549, %dma_wait3A_550] : memref<3x200x128xf32, #tpu.memory_space<vmem>> -> memref<1x200x128xf32, #tpu.memory_space<vmem>>
    %dma_wait3A_552 = tpu.memref_squeeze %dma_wait3A_551 : memref<1x200x128xf32, #tpu.memory_space<vmem>> -> memref<200x128xf32, #tpu.memory_space<vmem>>
    %dma_wait3A_553 = arith.constant 50 : i32
    %dma_wait3A_554 = arith.constant 0 : i32
    %dma_wait3A_555 = tpu.memref_slice %dma_wait3A_552[%dma_wait3A_553, %dma_wait3A_554] : memref<200x128xf32, #tpu.memory_space<vmem>> -> memref<50x128xf32, #tpu.memory_space<vmem>>
    tpu.wait_dma2 semaphore(%arg12 : memref<!tpu.dma_semaphore, #tpu.memory_space<semaphore_mem>>) src(%dma_wait3A_555 : memref<50x128xf32, #tpu.memory_space<vmem>>) dst(%dma_wait3A_548 : memref<50x128xf32, #tpu.memory_space<hbm>>)
    %add3A_556 = arith.constant 508 : i32
    %add3A_557 = arith.addi %mul3A_2, %add3A_556 : i32
    %add3A_558 = arith.constant 2 : i32
    %add3A_559 = arith.addi %add3A_557, %add3A_558 : i32
    %dma_wait3A_560 = arith.constant 1 : i32
    %dma_wait3A_561 = arith.constant 0 : i32
    %dma_wait3A_562 = arith.constant 0 : i32
    %dma_wait3A_563 = tpu.memref_slice %arg7[%dma_wait3A_560, %dma_wait3A_561, %dma_wait3A_562] : memref<3x200x128xf32, #tpu.memory_space<vmem>> -> memref<1x200x128xf32, #tpu.memory_space<vmem>>
    %dma_wait3A_564 = tpu.memref_squeeze %dma_wait3A_563 : memref<1x200x128xf32, #tpu.memory_space<vmem>> -> memref<200x128xf32, #tpu.memory_space<vmem>>
    %dma_wait3A_565 = arith.constant 100 : i32
    %dma_wait3A_566 = arith.constant 0 : i32
    %dma_wait3A_567 = tpu.memref_slice %dma_wait3A_564[%dma_wait3A_565, %dma_wait3A_566] : memref<200x128xf32, #tpu.memory_space<vmem>> -> memref<50x128xf32, #tpu.memory_space<vmem>>
    %dma_wait3A_568 = arith.constant 0 : i32
    %dma_wait3A_569 = arith.constant 0 : i32
    %dma_wait3A_570 = tpu.memref_slice %arg4[%add3A_559, %dma_wait3A_568, %dma_wait3A_569] : memref<16384x56x128xf32, #tpu.memory_space<hbm>> -> memref<1x50x128xf32, #tpu.memory_space<hbm>>
    %dma_wait3A_571 = tpu.memref_squeeze %dma_wait3A_570 : memref<1x50x128xf32, #tpu.memory_space<hbm>> -> memref<50x128xf32, #tpu.memory_space<hbm>>
    %dma_wait3A_572 = arith.constant 0 : i32
    %dma_wait3A_573 = arith.constant 0 : i32
    %dma_wait3A_574 = tpu.memref_slice %arg4[%add3A_559, %dma_wait3A_572, %dma_wait3A_573] : memref<16384x56x128xf32, #tpu.memory_space<hbm>> -> memref<1x50x128xf32, #tpu.memory_space<hbm>>
    %dma_wait3A_575 = tpu.memref_squeeze %dma_wait3A_574 : memref<1x50x128xf32, #tpu.memory_space<hbm>> -> memref<50x128xf32, #tpu.memory_space<hbm>>
    %dma_wait3A_576 = arith.constant 0 : i32
    %dma_wait3A_577 = arith.constant 0 : i32
    %dma_wait3A_578 = tpu.memref_slice %arg7[%dma_wait3A_560, %dma_wait3A_576, %dma_wait3A_577] : memref<3x200x128xf32, #tpu.memory_space<vmem>> -> memref<1x200x128xf32, #tpu.memory_space<vmem>>
    %dma_wait3A_579 = tpu.memref_squeeze %dma_wait3A_578 : memref<1x200x128xf32, #tpu.memory_space<vmem>> -> memref<200x128xf32, #tpu.memory_space<vmem>>
    %dma_wait3A_580 = arith.constant 100 : i32
    %dma_wait3A_581 = arith.constant 0 : i32
    %dma_wait3A_582 = tpu.memref_slice %dma_wait3A_579[%dma_wait3A_580, %dma_wait3A_581] : memref<200x128xf32, #tpu.memory_space<vmem>> -> memref<50x128xf32, #tpu.memory_space<vmem>>
    tpu.wait_dma2 semaphore(%arg12 : memref<!tpu.dma_semaphore, #tpu.memory_space<semaphore_mem>>) src(%dma_wait3A_582 : memref<50x128xf32, #tpu.memory_space<vmem>>) dst(%dma_wait3A_575 : memref<50x128xf32, #tpu.memory_space<hbm>>)
    %add3A_583 = arith.constant 508 : i32
    %add3A_584 = arith.addi %mul3A_2, %add3A_583 : i32
    %add3A_585 = arith.constant 3 : i32
    %add3A_586 = arith.addi %add3A_584, %add3A_585 : i32
    %dma_wait3A_587 = arith.constant 1 : i32
    %dma_wait3A_588 = arith.constant 0 : i32
    %dma_wait3A_589 = arith.constant 0 : i32
    %dma_wait3A_590 = tpu.memref_slice %arg7[%dma_wait3A_587, %dma_wait3A_588, %dma_wait3A_589] : memref<3x200x128xf32, #tpu.memory_space<vmem>> -> memref<1x200x128xf32, #tpu.memory_space<vmem>>
    %dma_wait3A_591 = tpu.memref_squeeze %dma_wait3A_590 : memref<1x200x128xf32, #tpu.memory_space<vmem>> -> memref<200x128xf32, #tpu.memory_space<vmem>>
    %dma_wait3A_592 = arith.constant 150 : i32
    %dma_wait3A_593 = arith.constant 0 : i32
    %dma_wait3A_594 = tpu.memref_slice %dma_wait3A_591[%dma_wait3A_592, %dma_wait3A_593] : memref<200x128xf32, #tpu.memory_space<vmem>> -> memref<50x128xf32, #tpu.memory_space<vmem>>
    %dma_wait3A_595 = arith.constant 0 : i32
    %dma_wait3A_596 = arith.constant 0 : i32
    %dma_wait3A_597 = tpu.memref_slice %arg4[%add3A_586, %dma_wait3A_595, %dma_wait3A_596] : memref<16384x56x128xf32, #tpu.memory_space<hbm>> -> memref<1x50x128xf32, #tpu.memory_space<hbm>>
    %dma_wait3A_598 = tpu.memref_squeeze %dma_wait3A_597 : memref<1x50x128xf32, #tpu.memory_space<hbm>> -> memref<50x128xf32, #tpu.memory_space<hbm>>
    %dma_wait3A_599 = arith.constant 0 : i32
    %dma_wait3A_600 = arith.constant 0 : i32
    %dma_wait3A_601 = tpu.memref_slice %arg4[%add3A_586, %dma_wait3A_599, %dma_wait3A_600] : memref<16384x56x128xf32, #tpu.memory_space<hbm>> -> memref<1x50x128xf32, #tpu.memory_space<hbm>>
    %dma_wait3A_602 = tpu.memref_squeeze %dma_wait3A_601 : memref<1x50x128xf32, #tpu.memory_space<hbm>> -> memref<50x128xf32, #tpu.memory_space<hbm>>
    %dma_wait3A_603 = arith.constant 0 : i32
    %dma_wait3A_604 = arith.constant 0 : i32
    %dma_wait3A_605 = tpu.memref_slice %arg7[%dma_wait3A_587, %dma_wait3A_603, %dma_wait3A_604] : memref<3x200x128xf32, #tpu.memory_space<vmem>> -> memref<1x200x128xf32, #tpu.memory_space<vmem>>
    %dma_wait3A_606 = tpu.memref_squeeze %dma_wait3A_605 : memref<1x200x128xf32, #tpu.memory_space<vmem>> -> memref<200x128xf32, #tpu.memory_space<vmem>>
    %dma_wait3A_607 = arith.constant 150 : i32
    %dma_wait3A_608 = arith.constant 0 : i32
    %dma_wait3A_609 = tpu.memref_slice %dma_wait3A_606[%dma_wait3A_607, %dma_wait3A_608] : memref<200x128xf32, #tpu.memory_space<vmem>> -> memref<50x128xf32, #tpu.memory_space<vmem>>
    tpu.wait_dma2 semaphore(%arg12 : memref<!tpu.dma_semaphore, #tpu.memory_space<semaphore_mem>>) src(%dma_wait3A_609 : memref<50x128xf32, #tpu.memory_space<vmem>>) dst(%dma_wait3A_602 : memref<50x128xf32, #tpu.memory_space<hbm>>)
    return
  }
}

</mosaic_0001>

<sc_bundles>
// kernel: kernel.3.cloned.1.call-start
scs
__scs_entry_jumppad:
0x0: {  	(pc) =	sbr.rel $0x88, $3  }
0x1: {  	(tag) =	ssettag $0x0;
	lr =	simm.s32 $0x1  }
0x2: {  	[smem:$0x3F9F] =	sst lr;
	_ =	strace $0xD0000000  }
0x3: {  	_ = 	snop  }
0x4: {  	_ = 	snop  }
0x5: {  	_ = 	snop  }
0x6: {  	_ = 	snop  }
0x7: {  	_ = 	snop  }
__scs_overlays_trampoline_lowered:
0x8: {  	[smem:$0x3FAE] =	sst s0  }
0x9: {  	[smem:$0x3FAF] =	sst s1  }
0xa: {  	[smem:$0x3FB0] =	sst s2  }
0xb: {  	[smem:$0x3FB1] =	sst s3  }
0xc: {  	[smem:$0x3FB2] =	sst s4  }
0xd: {  	[smem:$0x3FB3] =	sst s5  }
0xe: {  	[smem:$0x3FB4] =	sst s6  }
0xf: {  	[smem:$0x3FB5] =	sst s7  }
0x10: {  	[smem:$0x3FB6] =	sst s8  }
0x11: {  	[smem:$0x3FB7] =	sst s9;
	s0 =	simm.s32 @!p0 $0x0  }
0x12: {  	s1 =	sld [smem:$0x3F9D];
	s0 =	simm.s32 @p0 $0x1  }
0x13: {  	[smem:$0x3FB8] =	sst s0;
	s0 =	simm.s32 @!p1 $0x0  }
0x14: {  	s2 =	sld [smem:$0x3F9C];
	s0 =	simm.s32 @p1 $0x1  }
0x15: {  	[smem:$0x3FB9] =	sst s0;
	s0 =	simm.s32 @!p2 $0x0  }
0x16: {  	s3 =	sld [smem:$0x3FDB];
	s0 =	simm.s32 @p2 $0x1  }
0x17: {  	s4 =	simm.s32 $0x1BF5;
	[smem:$0x3FBB] =	sst s0  }
0x18: {  	s0 =	sld [smem:$0x3F9E];
	_ =	swait.ge [sflag:s4], $0x0  }
0x19: {  	s7 =	sld [smem:$0x3F9F]  }
0x1a: {  	s8 =	sadd.s32 $0xFFFFE003, lr  }
0x1b: {  	s9 =	sadd.s32 $0xFFFFFEF7, lr;
	s5 =	simm.s32 $0xFFFFFFFF;
	p2 =	slt.u32 s8, $0xFFFFF086  }
0x1c: {  	p1 =	slt.u32 s9, $0xF7A;
	s5 =	simm.s32 @!p2 $0x0  }
0x1d: {  	s5 =	simm.s32 @p1 $0x1;
	p0 =	seq.s32 s7, s2  }
0x1e: {  	s7 =	smul.u32 @!p0 $0xF7A, s2;
	p2 =	seq.s32 @!p0 s5, $0x0  }
0x1f: {  	s9 =	smul.u32 $0xF7A, s1;
	s8 =	simm.s32 @!p0 $0x1BF5;
	p2 =	por !p2, p0  }
0x20: {  	[sflag:s8] =	ssyncset.s32 @!p0 $0xFFFFF086;
	s6 =	sadd.s32 @!p0 s3, s7;
	s7 =	simm.s32 @!p0 $0x108  }
0x21: {  	s3 =	sadd.s32 s3, s9;
	s6 =	sadd.s32 @!p0 $0x88, s6;
	s7 =	simm.s32 @p2 $0x1082  }
0x22: {  	[simem:s7], [sflag:s8] =	dma.local @!p0 [hbm:s6], $0xF7A  }
0x23: {  	s9 =	sor.u32 $0xD0000000, s2;
	s6 =	simm.s32 $0x108;
	_ =	swait.ge @!p0 [sflag:s8], $0x0  }
0x24: {  	s3 =	sadd.s32 $0x88, s3;
	s6 =	simm.s32 @!p1 $0x1082;
	[sflag:s4] =	ssyncset.s32 $0xFFFFF086  }
0x25: {  	[simem:s6], [sflag:s4] =	dma.local [hbm:s3], $0xF7A  }
0x26: {  	[smem:$0x3F9F] =	sst s1;
	(tag) =	ssettag s2;
	_ =	strace s9  }
0x27: {  	s1 =	sld [smem:$0x3FAF]  }
0x28: {  	s2 =	sld [smem:$0x3FB0]  }
0x29: {  	s4 =	sld [smem:$0x3FB2]  }
0x2a: {  	p0 =	seq.s32 s5, $0x0;
	s5 =	sld [smem:$0x3FB3]  }
0x2b: {  	s6 =	sld [smem:$0x3FB4]  }
0x2c: {  	s7 =	sld [smem:$0x3FB5]  }
0x2d: {  	s3 =	simm.s32 $0x108;
	s8 =	sld [smem:$0x3FB6]  }
0x2e: {  	s3 =	simm.s32 @!p0 $0x1082;
	s9 =	sld [smem:$0x3FB7]  }
0x2f: {  	lr =	sadd.s32 s0, s3;
	s0 =	sld [smem:$0x3FAE]  }
0x30: {  	s3 =	sld [smem:$0x3FB1]  }
0x31: {  	[smem:$0x3FBA] =	sst s10  }
0x32: {  	s10 =	sld [smem:$0x3FB8];
	_ =	sdelay $0x3  }
0x33: {  	p0 =	seq.s32 s10, $0x1;
	s10 =	sld [smem:$0x3FBA];
	_ =	sdelay $0x3  }
0x34: {  	[smem:$0x3FBA] =	sst s10  }
0x35: {  	s10 =	sld [smem:$0x3FB9];
	_ =	sdelay $0x3  }
0x36: {  	p1 =	seq.s32 s10, $0x1;
	s10 =	sld [smem:$0x3FBA];
	_ =	sdelay $0x3  }
0x37: {  	[smem:$0x3FBA] =	sst s10  }
0x38: {  	s10 =	sld [smem:$0x3FBB]  }
0x39: {  	_ = 	snop;
	(pc) =	sbr.ind lr, $3  }
0x3a: {  	_ = 	snop  }
0x3b: {  	_ = 	snop  }
0x3c: {  	p2 =	seq.s32 s10, $0x1;
	s10 =	sld [smem:$0x3FBA]  }
0x3d: {  	_ =	shalt  }
0x3e: {  	_ =	shalt  }
0x3f: {  	_ =	shalt  }
0x40: {  	_ =	shalt  }
0x41: {  	_ =	shalt  }
0x42: {  	_ =	shalt  }
0x43: {  	_ =	shalt  }
0x44: {  	_ =	shalt  }
0x45: {  	_ =	shalt  }
0x46: {  	_ =	shalt  }
0x47: {  	_ =	shalt  }
0x48: {  	_ =	shalt  }
0x49: {  	_ =	shalt  }
0x4a: {  	_ =	shalt  }
0x4b: {  	_ =	shalt  }
0x4c: {  	_ =	shalt  }
0x4d: {  	_ =	shalt  }
0x4e: {  	_ =	shalt  }
0x4f: {  	_ =	shalt  }
0x50: {  	_ =	shalt  }
0x51: {  	_ =	shalt  }
0x52: {  	_ =	shalt  }
0x53: {  	_ =	shalt  }
0x54: {  	_ =	shalt  }
0x55: {  	_ =	shalt  }
0x56: {  	_ =	shalt  }
0x57: {  	_ =	shalt  }
0x58: {  	_ =	shalt  }
0x59: {  	_ =	shalt  }
0x5a: {  	_ =	shalt  }
0x5b: {  	_ =	shalt  }
0x5c: {  	_ =	shalt  }
0x5d: {  	_ =	shalt  }
0x5e: {  	_ =	shalt  }
0x5f: {  	_ =	shalt  }
0x60: {  	_ =	shalt  }
0x61: {  	_ =	shalt  }
0x62: {  	_ =	shalt  }
0x63: {  	_ =	shalt  }
0x64: {  	_ =	shalt  }
0x65: {  	_ =	shalt  }
0x66: {  	_ =	shalt  }
0x67: {  	_ =	shalt  }
0x68: {  	_ =	shalt  }
0x69: {  	_ =	shalt  }
0x6a: {  	_ =	shalt  }
0x6b: {  	_ =	shalt  }
0x6c: {  	_ =	shalt  }
0x6d: {  	_ =	shalt  }
0x6e: {  	_ =	shalt  }
0x6f: {  	_ =	shalt  }
0x70: {  	_ =	shalt  }
0x71: {  	_ =	shalt  }
0x72: {  	_ =	shalt  }
0x73: {  	_ =	shalt  }
0x74: {  	_ =	shalt  }
0x75: {  	_ =	shalt  }
0x76: {  	_ =	shalt  }
0x77: {  	_ =	shalt  }
0x78: {  	_ =	shalt  }
0x79: {  	_ =	shalt  }
0x7a: {  	_ =	shalt  }
0x7b: {  	_ =	shalt  }
0x7c: {  	_ =	shalt  }
0x7d: {  	_ =	shalt  }
0x7e: {  	_ =	shalt  }
0x7f: {  	_ =	shalt  }
0x80: {  	_ =	shalt  }
0x81: {  	_ =	shalt  }
0x82: {  	_ =	shalt  }
0x83: {  	_ =	shalt  }
0x84: {  	_ =	shalt  }
0x85: {  	_ =	shalt  }
0x86: {  	_ =	shalt  }
0x87: {  	_ =	shalt  }
.Lfunc_end0:
.L_simem_size_0:
called_computation.1_lowered:
.L_overlay_start_0:
0x88: {  	s2 =	sld [smem:$0x3FD9]  }
0x89: {  	s3 =	sld [smem:$0x3FFE];
	_ =	sdelay $0x1  }
0x8a: {  	s1 =	srdreg.scid  }
0x8b: {  	s0 =	sand.u32 $0x1, s1  }
0x8c: {  	s16 =	sshll.u32 s0, $0xA;
	s2 =	sadd.s32 s3, s2  }
0x8d: {  	s2 =	sadd.s32 s2, s16  }
0x8e: {  	[smem:$0x3FC6] =	sst s2  }
0x8f: {  	_ = 	snop  }
0x90: {  	(tm) =	ssettm $0x1  }
0x91: {  	s17 =	sld [smem:$0x3FFB];
	_ =	sdelay $0x3  }
0x92: {  	_ =	strace s17  }
0x93: {  	s2 =	sld [smem:$0x3FFC];
	_ =	sdelay $0x3  }
0x94: {  	_ =	strace s2  }
0x95: {  	s2 =	sld [smem:$0x3FFD];
	_ =	sdelay $0x3  }
0x96: {  	_ =	strace s2  }
0x97: {  	_ =	strace $0x8FFFFFFF  }
0x98: {  	s18 =	sld [smem:$0x3FDB];
	_ =	sdelay $0x1  }
0x99: {  	s19 =	simm.s32 $_scs_section_size  }
0x9a: {  	s4 =	simm.s32 $_size__tile_overlayer_lowered;
	s5 =	simm.s32 $_tile_overlayer_lowered  }
0x9b: {  	s22 =	simm.s32 $0x1BFF;
	s21 =	sshll.u32 s5, $0x1;
	s2 =	sadd.s32 s19, s18  }
0x9c: {  	s6 =	simm.s32 $0x0;
	s20 =	sshll.u32 s4, $0x1;
	s4 =	sadd.s32 s21, s2  }
0x9d: {  	[timem:s6], [sflag:s22] =	dma.local [hbm:s4], s20  }
0x9e: {  	_ =	swait.ge [sflag:s22], s20  }
0x9f: {  	s3 =	ssub.s32 $0x0, s20;
	[sflag:s22] =	ssyncset.done $0x0  }
0xa0: {  	[sflag:s22] =	ssyncadd.s32 s3;
	_ =	sdelay $0x1  }
0xa1: {  	s23 =	simm.s32 $0x1B8B  }
0xa2: {  	_ =	swait.ge [sflag:s23], $0x1  }
0xa3: {  	[sflag:s23] =	ssyncset.done $0x0  }
0xa4: {  	s25 =	simm.s32 $0x1B8E;
	s24 =	sld [smem:$0x3FFE];
	[sflag:s23] =	ssyncadd.s32 $0xFFFFFFFF  }
0xa5: {  	s26 =	simm.s32 $execute0_lowered;
	[smem:$0x3FD2] =	sst s25  }
0xa6: {  	s4 =	sshll.u32 s26, $0x1;
	_ =	strace $0x80000046;
	[dreg:$0x1] =	wrdreg $0xFFFFFFFF  }
0xa7: {  	s28 =	simm.s32 $_size_execute0_lowered;
	s2 =	sadd.s32 s2, s4;
	[dreg:$0x0] =	wrdreg $0x0  }
0xa8: {  	s4 =	sshll.u32 s28, $0x1;
	[dreg:$0x2] =	wrdreg s2  }
0xa9: {  	[dreg:$0x3] =	wrdreg s4  }
0xaa: {  	[dreg:$0x4] =	wrdreg $0xC0  }
0xab: {  	_ =	task [dreg:s6], $0x5FFFF  }
0xac: {  	[dreg:$0x1] =	wrdreg $0xFFFFFFFF  }
0xad: {  	[dreg:$0x0] =	wrdreg $0x60  }
0xae: {  	[dreg:$0x2] =	wrdreg s24  }
0xaf: {  	[dreg:$0x3] =	wrdreg $0x9  }
0xb0: {  	_ =	task.clear_ibuf [dreg:s6], $0x4FFFF;
	_ =	strace $0x90000046  }
0xb1: {  	s29 =	simm.s32 $0x9;
	_ =	strace $0x80000048  }
0xb2: {  	_ =	swait.ge [sflag:s29], $0x1  }
0xb3: {  	[sflag:s29] =	ssyncadd.s32 $0xFFFFFFFF  }
0xb4: {  	_ =	strace $0x90000048  }
0xb5: {  	_ =	sfence  }
0xb6: {  	s30 =	sld [smem:$0x0];
	_ =	sdelay $0x2  }
0xb7: {  	s31 =	sshll.u32 s1, $0xD;
	s1 =	sshrl.u32 s1, $0x2  }
0xb8: {  	s3 =	sand.u32 $0x4000, s31;
	s1 =	sadd.s32 s1, s30  }
0xb9: {  	s0 =	sor.u32 s3, s0;
	s1 =	sshll.u32 s1, $0x11  }
0xba: {  	s0 =	sor.u32 s1, s0  }
0xbb: {  	s0 =	sadd.s32 $0x8F2B, s0  }
0xbc: {  	[sflag:s0] =	ssyncadd.remote.s32 $0x1  }
0xbd: {  	_ =	sfence.sel $0xFFFF  }
0xbe: {  	[dreg:$0x0] =	wrdreg $0xFFFFFFFF;
	(pc) =	sbr.abs _section_cstart, $3  }
0xbf: {  	[dreg:$0x1] =	wrdreg $0xFFFFFFFF  }
0xc0: {  	_ =	task.clear_ibuf [dreg:s6], $0x2FFFF;
	_ =	strace $0x9FFFFFFF  }
0xc1: {  	(tm) =	ssettm $0x7FFFFFFF  }
tec
execute0_lowered:
.L_overlay_start_1:
0x0: {  	(tag) =	ssettag $0x1  }
0x1: {  	s0 =	rddreg [dreg:$0x0];
	s1 =	srdreg.scid  }
0x2: {  	s10 =	stileid.u32;
	s2 =	simm.s32 $0x0;
	s28 =	simm.s32 $0x2  }
0x3: {  	s29 =	simm.s32 $0x11900;
	s30 =	simm.s32 $0x13200;
	s14 =	smul.u32 $0xE0000, s10  }
0x4: {  	s31 =	simm.s32 $0x14B00;
	s1 =	sand.u32 $0x1, s1;
	s17 =	smul.u32 $0x700000, s10  }
0x5: {  	s3 =	sshll.u32 s10, $0xA;
	s4 =	sshll.u32 s1, $0x9;
	s20 =	smul.u32 $0x380000, s1  }
0x6: {  	s7 =	ssub.s32 $0x2, s1;
	s1 =	smul.u32 $0x70000, s1;
	s4 =	sor.u32 s4, s3  }
0x7: {  	[smem:$0x7FF] =	sst s2;
	s6 =	sadd.s32 $0x800, s0;
	s5 =	smul.u32 $0x7, s4  }
0x8: {  	_ =	strace $0x80000047;
	s3 =	sadd.s32 $0x1C800, s0;
	s8 =	smul.u32 $0x38, s4  }
0x9: {  	s9 =	sshrl.u32 s7, $0x1;
	s0 =	sadd.s32 $0x1A3200, s0;
	s4 =	smul.u32 $0x1C00, s4  }
0xa: {  	s7 =	ssub.s32 s7, s9;
	s8 =	sshrl.u32 s8, $0x3;
	s5 =	sadd.s32 s6, s5  }
0xb: {  	s4 =	sshrl.u32 s4, $0x3;
	[dreg:$0xf] =	wrdreg s5;
	s13 =	sadd.s32 s6, s8  }
0xc: {  	s4 =	sadd.s32 s0, s4;
	s6 =	sadd.s32 s20, s17;
	s5 =	sadd.s32 $0x700, s13  }
0xd: {  	s15 =	sadd.s32 $0x6E400, s4;
	s16 =	sadd.s32 $0x6E780, s4;
	[dreg:$0x10] =	wrdreg s5  }
0xe: {  	s18 =	sadd.s32 $0x6EB00, s4;
	s19 =	sadd.s32 $0x6EE80, s4;
	[dreg:$0x11] =	wrdreg s15  }
0xf: {  	s21 =	sadd.s32 $0x6F200, s4;
	s22 =	sadd.s32 $0x6F580, s4;
	[dreg:$0x12] =	wrdreg s16  }
0x10: {  	s12 =	sadd.s32 $0x6F900, s4;
	s13 =	sadd.s32 $0x6FC80, s4;
	[dreg:$0x13] =	wrdreg s18  }
0x11: {  	s23 =	sor.u32 $0xC400, s6;
	s25 =	sor.u32 $0xA800, s6;
	[dreg:$0x14] =	wrdreg s19  }
0x12: {  	s26 =	sor.u32 $0x8C00, s6;
	s9 =	sor.u32 $0x5400, s6;
	[dreg:$0x15] =	wrdreg s21  }
0x13: {  	s11 =	sor.u32 $0x3800, s6;
	s20 =	sor.u32 $0x11800, s6;
	[dreg:$0x16] =	wrdreg s22  }
0x14: {  	s5 =	sadd.s32 s14, s0;
	s24 =	sshrl.u32 s23, $0x3;
	s4 =	sshrl.u32 s25, $0x3  }
0x15: {  	s10 =	sshrl.u32 s9, $0x3;
	s14 =	sor.u32 $0x1C00, s6;
	s18 =	sor.u32 $0x13400, s6  }
0x16: {  	s21 =	sor.u32 $0xFC00, s6;
	s25 =	simm.s32 $0x19600;
	s1 =	sadd.s32 s1, s5  }
0x17: {  	s4 =	sadd.s32 s4, s0;
	s5 =	sshrl.u32 s26, $0x3;
	s16 =	sshrl.u32 s14, $0x3  }
0x18: {  	s19 =	sshrl.u32 s18, $0x3;
	s23 =	sshrl.u32 s21, $0x3;
	[dreg:$0xd] =	wrdreg s25  }
0x19: {  	s14 =	smax.u32 s7, $0x1;
	s18 =	simm.s32 $0x9C00;
	[dreg:$0x2] =	wrdreg s1  }
0x1a: {  	s21 =	simm.s32 $0x16400;
	s26 =	simm.s32 $0x1AF00;
	[dreg:$0x4] =	wrdreg s4  }
0x1b: {  	s25 =	simm.s32 $0xE700;
	s1 =	sadd.s32 s24, s0;
	[dreg:$0xe] =	wrdreg s26  }
0x1c: {  	s8 =	sadd.s32 s5, s0;
	s4 =	sshrl.u32 s11, $0x3;
	[dreg:$0x3] =	wrdreg s1  }
0x1d: {  	s17 =	sadd.s32 s16, s0;
	s16 =	simm.s32 $0xC8;
	[dreg:$0x5] =	wrdreg s8  }
0x1e: {  	s24 =	simm.s32 $0x17D00;
	s26 =	simm.s32 $0x4;
	[dreg:$0x8] =	wrdreg s17  }
0x1f: {  	s1 =	sadd.s32 s10, s0;
	s15 =	sadd.s32 s4, s0;
	[dreg:$0xc] =	wrdreg s24  }
0x20: {  	s4 =	sshrl.u32 s20, $0x3;
	s20 =	simm.s32 $0x10000;
	[dreg:$0x6] =	wrdreg s1  }
0x21: {  	s24 =	simm.s32 $0xCE00;
	[dreg:$0x7] =	wrdreg s15;
	s1 =	sadd.s32 s19, s0  }
0x22: {  	s17 =	simm.s32 $0x6;
	s22 =	sadd.s32 s4, s0;
	[dreg:$0x9] =	wrdreg s1  }
0x23: {  	s0 =	sadd.s32 s23, s0;
	s15 =	simm.s32 $0x7;
	[dreg:$0xa] =	wrdreg s22  }
0x24: {  	s23 =	simm.s32 $0xB500;
	s19 =	simm.s32 $0x0;
	[dreg:$0xb] =	wrdreg s0  }
0x25: {  	v0 =	vlaneseq.u32;
	v1 =	vimm.s32 $0x0;
	s22 =	simm.s32 $0x1;
	s0 =	simm.s32 $0x5;
	s1 =	simm.s32 $0x3  }
.LBB2_1:
0x26: {  	v2 =	vor.u32 s2, v0  }
0x27: {  	v3 =	vmulhi.u32 $0x51EB851F, v2;
	_ =	sdelay $0x1  }
0x28: {  	v3 =	vshrl.u32 v3, $0x4  }
0x29: {  	v4 =	vmul.u32 $0xFFFFFFCE, v3  }
0x2a: {  	s6 =	simm.s32 $0x10  }
0x2b: {  	v6 =	vmov s2;
	v5 =	vor.u32 s6, v0;
	v2 =	vadd.s32 v2, v4  }
0x2c: {  	vm0 =	veq.s32 v6, v0;
	v4 =	vmulhi.u32 $0x51EB851F, v5;
	vm1 =	vne.s32 v2, $0x0  }
0x2d: {  	vm0 =	vmand vm0, vm1  }
0x2e: {  	v4 =	vshrl.u32 v4, $0x4;
	v6 =	vsel vm0, $0xFFFFFFFF, v1  }
0x2f: {  	s4 =	simm.s32 $0x20;
	v3 =	vadd.s32 v6, v3;
	v6 =	vmul.u32 $0xFFFFFFCE, v4  }
0x30: {  	v7 =	vor.u32 s4, v0;
	v8 =	vmov s6  }
0x31: {  	v9 =	vand.u32 $0x38, v2;
	v3 =	vmul.u32 $0x38, v3;
	v5 =	vadd.s32 v5, v6  }
0x32: {  	s5 =	rddreg [dreg:$0xf];
	s11 =	sand.u32 $0xFFF8, s2;
	v2 =	vand.u32 $0x7, v2;
	vm0 =	veq.s32 v8, v0;
	vm1 =	vne.s32 v5, $0x0  }
0x33: {  	[tilespmem:s2], [sflag:$0x7] =	stream.linear.gather [hbm4b:s5+s2], $0x3800, $0x38;
	v6 =	vmulhi.u32 $0x51EB851F, v7;
	v3 =	vadd.s32 v9, v3;
	vm0 =	vmand vm0, vm1;
	[tilespmem:$0x1C800] =	vst v63  }
0x34: {  	s5 =	sshrl.u32 s11, $0x3;
	v8 =	vor.u32 v2, v3;
	v3 =	vsel vm0, $0xFFFFFFFF, v1  }
0x35: {  	s7 =	smul.u32 $0x147B, s5;
	v2 =	vshrl.u32 v6, $0x4;
	v3 =	vadd.s32 v3, v4  }
0x36: {  	v63 =	vmov s4;
	_ =	swait.ge [sflag:s15], $0x3800;
	v4 =	vmul.u32 $0xFFFFFFCE, v2;
	v6 =	vmul.u32 $0x38, v3  }
0x37: {  	[sflag:s15] =	ssyncset.done $0x0;
	s8 =	sshrl.u32 s7, $0x11;
	v10 =	vand.u32 $0x38, v5;
	vm0 =	veq.s32 v63, v0  }
0x38: {  	s5 =	simm.s32 $0x30;
	[sflag:s15] =	ssyncadd.s32 $0xFFFFC800;
	s9 =	smul.u32 $0xC8, s8;
	v4 =	vadd.s32 v7, v4;
	v7 =	vand.u32 $0x7, v5;
	v6 =	vadd.s32 v10, v6  }
0x39: {  	s7 =	simm.s32 $0x40;
	s10 =	smul.u32 $0x320, s8;
	s8 =	simm.s32 $0x0;
	v3 =	vor.u32 s5, v0;
	v5 =	vld.idx.msk [tilespmem:v8+s2+$0x0], $0xffff;
	vm1 =	vne.s32 v4, $0x0;
	v6 =	vor.u32 v7, v6  }
.LBB2_2:
0x3a: {  	s11 =	sand.u32 $0xFFF8, s6  }
0x3b: {  	p0 =	sne.s32 s7, $0x31F0;
	v7 =	vmulhi.u32 $0x51EB851F, v3;
	vm0 =	vmand vm0, vm1;
	s8 =	ssub.s32 s8, s9;
	s9 =	sshrl.u32 s11, $0x3  }
0x3c: {  	v8 =	vsel vm0, $0xFFFFFFFF, v1;
	s8 =	sand.u32 $0xFFFF, s8;
	s10 =	sshrl.u32 s10, $0x2;
	s9 =	smul.u32 $0x147B, s9  }
.Ltmp0:
0x3d: {  	v8 =	vadd.s32 v8, v2;
	v2 =	vshrl.u32 v7, $0x4;
	s8 =	sadd.s32 s8, s10;
	(pc) =	sbr.rel @p0 .LBB2_2-.Ltmp0, $4  }
0x3e: {  	v7 =	vmul.u32 $0xFFFFFFCE, v2;
	v8 =	vmul.u32 $0x38, v8;
	[tilespmem:s8+$0x3800] =	vst v5;
	s8 =	smov.u32 s6;
	s6 =	smov.u32 s4;
	s4 =	smov.u32 s5  }
0x3f: {  	v9 =	vor.u32 s7, v0;
	v11 =	vand.u32 $0x38, v4;
	s5 =	smov.u32 s7;
	v10 =	vmov s4;
	v5 =	vld.idx.msk [tilespmem:v6+s2+$0x0], $0xffff;
	s10 =	sshrl.u32 s9, $0x11  }
0x40: {  	v6 =	vand.u32 $0x7, v4;
	v4 =	vadd.s32 v3, v7;
	v7 =	vadd.s32 v11, v8;
	s9 =	smul.u32 $0xC8, s10;
	v3 =	vmovc v9  }
0x41: {  	s7 =	sadd.s32 $0x10, s7;
	vm0 =	veq.s32 v10, v0;
	s10 =	smul.u32 $0x320, s10;
	vm1 =	vne.s32 v4, $0x0;
	v6 =	vor.u32 v6, v7  }
0x42: {  	v7 =	vmulhi.u32 $0x51EB851F, v3  }
0x43: {  	vm0 =	vmand vm0, vm1;
	s7 =	sand.u32 $0xFFF8, s6  }
0x44: {  	s8 =	ssub.s32 s8, s9;
	v8 =	vsel vm0, $0xFFFFFFFF, v1;
	s7 =	sshrl.u32 s7, $0x3;
	v7 =	vshrl.u32 v7, $0x4  }
0x45: {  	s8 =	sand.u32 $0xFFFF, s8;
	s11 =	sshrl.u32 s10, $0x2;
	v2 =	vadd.s32 v8, v2;
	s7 =	smul.u32 $0x147B, s7;
	v8 =	vmul.u32 $0xFFFFFFCE, v7  }
0x46: {  	v9 =	vmov s5;
	s8 =	sadd.s32 s8, s11;
	v2 =	vmul.u32 $0x38, v2  }
0x47: {  	vm0 =	veq.s32 v9, v0;
	[tilespmem:s8+$0x3800] =	vst v5;
	v5 =	vand.u32 $0x38, v4;
	s7 =	sshrl.u32 s7, $0x11;
	v3 =	vadd.s32 v3, v8  }
0x48: {  	v4 =	vand.u32 $0x7, v4;
	v6 =	vld.idx.msk [tilespmem:v6+s2+$0x0], $0xffff;
	v2 =	vadd.s32 v5, v2;
	s10 =	smul.u32 $0xC8, s7;
	vm1 =	vne.s32 v3, $0x0  }
0x49: {  	s11 =	sand.u32 $0xFFF8, s4;
	s7 =	smul.u32 $0x320, s7;
	v2 =	vor.u32 v4, v2;
	vm0 =	vmand vm0, vm1  }
0x4a: {  	s9 =	sshrl.u32 s11, $0x3;
	s8 =	ssub.s32 s6, s10;
	v4 =	vsel vm0, $0xFFFFFFFF, v1  }
0x4b: {  	s7 =	sshrl.u32 s7, $0x2;
	s6 =	sand.u32 $0xFFFF, s8;
	s8 =	smul.u32 $0x147B, s9;
	v4 =	vadd.s32 v4, v7  }
0x4c: {  	s6 =	sadd.s32 s6, s7;
	v4 =	vmul.u32 $0x38, v4  }
0x4d: {  	v5 =	vand.u32 $0x38, v3;
	s7 =	simm.s32 $0x0;
	[tilespmem:s6+$0x3800] =	vst v6;
	s10 =	sshrl.u32 s8, $0x11  }
0x4e: {  	v3 =	vand.u32 $0x7, v3;
	v2 =	vld.idx.msk [tilespmem:v2+s2+$0x0], $0xffff;
	s8 =	smul.u32 $0xC8, s10;
	v4 =	vadd.s32 v5, v4;
	v5 =	vor.u32 s7, v0  }
0x4f: {  	s11 =	sand.u32 $0xFFF8, s5;
	s6 =	smul.u32 $0x320, s10;
	v3 =	vor.u32 v3, v4;
	v4 =	vmulhi.u32 $0x51EB851F, v5  }
0x50: {  	s11 =	sshrl.u32 s11, $0x3;
	s10 =	ssub.s32 s4, s8  }
0x51: {  	s6 =	sshrl.u32 s6, $0x2;
	s8 =	smul.u32 $0x147B, s11;
	s4 =	sand.u32 $0xFFFF, s10;
	v4 =	vshrl.u32 v4, $0x4  }
0x52: {  	s4 =	sadd.s32 s4, s6;
	v6 =	vmul.u32 $0xFFFFFFCE, v4  }
0x53: {  	s10 =	simm.s32 $0x10;
	s9 =	sshrl.u32 s8, $0x11;
	[tilespmem:s4+$0x3800] =	vst v2  }
0x54: {  	v7 =	vmov s7;
	s8 =	smul.u32 $0xC8, s9;
	v2 =	vld.idx.msk [tilespmem:v3+s2+$0x0], $0xffff;
	v3 =	vor.u32 s10, v0;
	v5 =	vadd.s32 v5, v6  }
0x55: {  	vm0 =	veq.s32 v7, v0;
	s4 =	smul.u32 $0x320, s9;
	vm1 =	vne.s32 v5, $0x0;
	v6 =	vmulhi.u32 $0x51EB851F, v3  }
0x56: {  	s11 =	ssub.s32 s5, s8;
	vm0 =	vmand vm0, vm1  }
0x57: {  	s4 =	sshrl.u32 s4, $0x2;
	s5 =	sand.u32 $0xFFFF, s11;
	v7 =	vsel vm0, $0xFFFFFFFF, v1;
	v6 =	vshrl.u32 v6, $0x4  }
0x58: {  	s5 =	sadd.s32 s5, s4;
	v4 =	vadd.s32 v7, v4;
	v7 =	vmul.u32 $0xFFFFFFCE, v6  }
0x59: {  	v8 =	vmov s10;
	s8 =	rddreg [dreg:$0x10];
	v62 =	vand.u32 $0x38, v5;
	s4 =	simm.s32 $0x20;
	[tilespmem:s5+$0x3800] =	vst v2  }
0x5a: {  	vm0 =	veq.s32 v8, v0;
	v2 =	vmul.u32 $0x38, v4;
	[tilespmem:s7], [sflag:$0x7] =	stream.linear.gather [hbm4b:s8+s7], $0x3800, $0x38;
	v7 =	vadd.s32 v3, v7;
	[tilespmem:$0x1C800] =	vst v63  }
0x5b: {  	v4 =	vor.u32 s4, v0;
	v3 =	vand.u32 $0x7, v5;
	s7 =	simm.s32 $0x3200;
	vm1 =	vne.s32 v7, $0x0  }
0x5c: {  	v5 =	vmulhi.u32 $0x51EB851F, v4;
	v2 =	vadd.s32 v62, v2;
	s9 =	sand.u32 $0xFFF8, s7;
	vm0 =	vmand vm0, vm1  }
0x5d: {  	v8 =	vor.u32 v3, v2;
	s5 =	sshrl.u32 s9, $0x3;
	v3 =	vsel vm0, $0xFFFFFFFF, v1  }
0x5e: {  	v2 =	vshrl.u32 v5, $0x4;
	s10 =	smul.u32 $0x147B, s5;
	v3 =	vadd.s32 v3, v6  }
0x5f: {  	_ =	swait.ge [sflag:s15], $0x3800;
	v5 =	vmul.u32 $0xFFFFFFCE, v2;
	v6 =	vmul.u32 $0x38, v3  }
0x60: {  	v63 =	vmov s4;
	v10 =	vand.u32 $0x38, v7;
	v7 =	vand.u32 $0x7, v7;
	[sflag:s15] =	ssyncset.done $0x0;
	s11 =	sshrl.u32 s10, $0x11  }
0x61: {  	s5 =	simm.s32 $0x30;
	[sflag:s15] =	ssyncadd.s32 $0xFFFFC800;
	vm0 =	veq.s32 v63, v0;
	v4 =	vadd.s32 v4, v5;
	s9 =	smul.u32 $0xC8, s11;
	v6 =	vadd.s32 v10, v6  }
0x62: {  	s6 =	simm.s32 $0x3210;
	s8 =	simm.s32 $0x40;
	v3 =	vor.u32 s5, v0;
	vm1 =	vne.s32 v4, $0x0;
	s10 =	smul.u32 $0x320, s11;
	v5 =	vld.idx.msk [tilespmem:v8+s2+$0x0], $0xffff;
	v6 =	vor.u32 v7, v6  }
.LBB2_4:
0x63: {  	s11 =	sand.u32 $0xFFF8, s6  }
0x64: {  	p0 =	sne.s32 s8, $0x31F0;
	v7 =	vmulhi.u32 $0x51EB851F, v3;
	vm0 =	vmand vm0, vm1;
	s7 =	ssub.s32 s7, s9;
	s9 =	sshrl.u32 s11, $0x3  }
0x65: {  	v8 =	vsel vm0, $0xFFFFFFFF, v1;
	s7 =	sand.u32 $0xFFFF, s7;
	s10 =	sshrl.u32 s10, $0x2;
	s9 =	smul.u32 $0x147B, s9  }
.Ltmp1:
0x66: {  	v8 =	vadd.s32 v8, v2;
	v2 =	vshrl.u32 v7, $0x4;
	s7 =	sadd.s32 s7, s10;
	(pc) =	sbr.rel @p0 .LBB2_4-.Ltmp1, $4  }
0x67: {  	s10 =	smov.u32 s4;
	s4 =	smov.u32 s5;
	s5 =	smov.u32 s8;
	v7 =	vmul.u32 $0xFFFFFFCE, v2;
	v8 =	vmul.u32 $0x38, v8;
	[tilespmem:s7+$0x3800] =	vst v5  }
0x68: {  	v9 =	vor.u32 s8, v0;
	v11 =	vand.u32 $0x38, v4;
	v10 =	vmov s4;
	s7 =	smov.u32 s6;
	v5 =	vld.idx.msk [tilespmem:v6+s2+$0x0], $0xffff;
	s11 =	sshrl.u32 s9, $0x11  }
0x69: {  	v6 =	vand.u32 $0x7, v4;
	v4 =	vadd.s32 v3, v7;
	v7 =	vadd.s32 v11, v8;
	s9 =	smul.u32 $0xC8, s11;
	v3 =	vmovc v9  }
0x6a: {  	s8 =	sadd.s32 $0x10, s8;
	s6 =	sadd.s32 $0x3200, s10;
	vm0 =	veq.s32 v10, v0;
	s10 =	smul.u32 $0x320, s11;
	vm1 =	vne.s32 v4, $0x0;
	v6 =	vor.u32 v6, v7  }
0x6b: {  	v7 =	vmulhi.u32 $0x51EB851F, v3  }
0x6c: {  	vm0 =	vmand vm0, vm1;
	s8 =	sand.u32 $0xFFF8, s6  }
0x6d: {  	s7 =	ssub.s32 s7, s9;
	v8 =	vsel vm0, $0xFFFFFFFF, v1;
	s8 =	sshrl.u32 s8, $0x3;
	v7 =	vshrl.u32 v7, $0x4  }
0x6e: {  	s7 =	sand.u32 $0xFFFF, s7;
	s11 =	sshrl.u32 s10, $0x2;
	v2 =	vadd.s32 v8, v2;
	s8 =	smul.u32 $0x147B, s8;
	v59 =	vmul.u32 $0xFFFFFFCE, v7  }
0x6f: {  	v9 =	vmov s5;
	s7 =	sadd.s32 s7, s11;
	v2 =	vmul.u32 $0x38, v2  }
0x70: {  	v60 =	vand.u32 $0x38, v4;
	v61 =	vand.u32 $0x7, v4;
	[tilespmem:s7+$0x3800] =	vst v5;
	s10 =	sshrl.u32 s8, $0x11;
	v3 =	vadd.s32 v3, v59  }
0x71: {  	s4 =	sadd.s32 $0x3200, s4;
	vm14 =	veq.s32 v9, v0;
	v6 =	vld.idx.msk [tilespmem:v6+s2+$0x0], $0xffff;
	v2 =	vadd.s32 v60, v2;
	s8 =	smul.u32 $0xC8, s10;
	vm15 =	vne.s32 v3, $0x0  }
0x72: {  	s11 =	sand.u32 $0xFFF8, s4;
	s7 =	smul.u32 $0x320, s10;
	v2 =	vor.u32 v61, v2;
	vm0 =	vmand vm14, vm15  }
0x73: {  	s11 =	sshrl.u32 s11, $0x3;
	s10 =	ssub.s32 s6, s8;
	v62 =	vsel vm0, $0xFFFFFFFF, v1  }
0x74: {  	s7 =	sshrl.u32 s7, $0x2;
	s8 =	smul.u32 $0x147B, s11;
	s6 =	sand.u32 $0xFFFF, s10;
	v4 =	vadd.s32 v62, v7  }
0x75: {  	s6 =	sadd.s32 s6, s7;
	v4 =	vmul.u32 $0x38, v4  }
0x76: {  	v63 =	vand.u32 $0x38, v3;
	s7 =	sshrl.u32 s8, $0x11;
	[tilespmem:s6+$0x3800] =	vst v6  }
0x77: {  	s9 =	sadd.s32 $0x3200, s5;
	v3 =	vand.u32 $0x7, v3;
	s8 =	smul.u32 $0xC8, s7;
	v2 =	vld.idx.msk [tilespmem:v2+s2+$0x0], $0xffff;
	v4 =	vadd.s32 v63, v4  }
0x78: {  	s10 =	sand.u32 $0xFFF8, s9;
	s6 =	smul.u32 $0x320, s7;
	v3 =	vor.u32 v3, v4  }
0x79: {  	s11 =	sshrl.u32 s10, $0x3;
	s4 =	ssub.s32 s4, s8  }
0x7a: {  	s7 =	smul.u32 $0x147B, s11;
	s6 =	sshrl.u32 s6, $0x2;
	s4 =	sand.u32 $0xFFFF, s4  }
0x7b: {  	s4 =	sadd.s32 s4, s6  }
0x7c: {  	s7 =	sshrl.u32 s7, $0x11;
	[tilespmem:s4+$0x3800] =	vst v2  }
0x7d: {  	s8 =	smul.u32 $0xC8, s7;
	v2 =	vld.idx.msk [tilespmem:v3+s2+$0x0], $0xffff  }
0x7e: {  	s4 =	smul.u32 $0x320, s7  }
0x7f: {  	s5 =	ssub.s32 s9, s8  }
0x80: {  	s5 =	sand.u32 $0xFFFF, s5;
	s4 =	sshrl.u32 s4, $0x2  }
0x81: {  	s4 =	sadd.s32 s5, s4  }
0x82: {  	p0 =	por $0x1, $0x1;
	s9 =	simm.s32 $0x3800;
	[tilespmem:s4+$0x3800] =	vst v2  }
0x83: {  	[tilespmem:s18], [sflag:$0x1] =	stream.indirect.gather [hbm4b:s3+s16], $0x80, s9, s16, $0xb8;
	[tilespmem:$0x1C800] =	vst v63  }
0x84: {  	s10 =	simm.s32 $0x38C8;
	s4 =	simm.s32 @!p0 $0x6  }
0x85: {  	[tilespmem:s20], [sflag:$0x2] =	stream.indirect.gather [hbm4b:s3+s16], $0x80, s10, s16, $0xb8;
	[tilespmem:$0x1C800] =	vst v63  }
0x86: {  	_ =	swait.ge @!p0 [sflag:s4], $0x1900  }
0x87: {  	[sflag:s4] =	ssyncset.done @!p0 $0x0  }
0x88: {  	[sflag:s4] =	ssyncadd.s32 @!p0 $0xFFFFE700  }
0x89: {  	_ =	swait.ge @!p0 [sflag:s4], $0x1900  }
0x8a: {  	[sflag:s4] =	ssyncset.done @!p0 $0x0  }
0x8b: {  	[sflag:s4] =	ssyncadd.s32 @!p0 $0xFFFFE700  }
0x8c: {  	_ =	swait.ge @!p0 [sflag:s4], $0x1900  }
0x8d: {  	[sflag:s4] =	ssyncset.done @!p0 $0x0  }
0x8e: {  	[sflag:s4] =	ssyncadd.s32 @!p0 $0xFFFFE700  }
0x8f: {  	_ =	swait.ge @!p0 [sflag:s4], $0x1900  }
0x90: {  	[sflag:s4] =	ssyncset.done @!p0 $0x0  }
0x91: {  	s11 =	simm.s32 $0x3990;
	[sflag:s4] =	ssyncadd.s32 @!p0 $0xFFFFE700  }
0x92: {  	[tilespmem:s21], [sflag:$0x3] =	stream.indirect.gather [hbm4b:s3+s16], $0x80, s11, s16, $0xb8;
	[tilespmem:$0x1C800] =	vst v63  }
0x93: {  	_ =	swait.ge [sflag:s22], $0x6400  }
0x94: {  	s6 =	rddreg [dreg:$0x2];
	[sflag:s22] =	ssyncset.done $0x0  }
0x95: {  	s7 =	rddreg [dreg:$0x8];
	[sflag:s22] =	ssyncadd.s32 $0xFFFF9C00;
	s4 =	sadd.s32 $0x0, s6  }
0x96: {  	[hbm4b:s4+s2] =	stream.linear.scatter [tilespmem:s18], [sflag:$0x4], $0x1900, $0x38;
	[tilespmem:$0x1C800] =	vst v63  }
0x97: {  	s8 =	rddreg [dreg:$0x7];
	s5 =	sadd.s32 $0x0, s7  }
0x98: {  	[hbm4b:s5+s2] =	stream.linear.scatter [tilespmem:s23], [sflag:$0x4], $0x1900, $0x38;
	[tilespmem:$0x1C800] =	vst v63  }
0x99: {  	s9 =	rddreg [dreg:$0x6];
	s10 =	sadd.s32 $0x0, s8  }
0x9a: {  	[hbm4b:s10+s2] =	stream.linear.scatter [tilespmem:s24], [sflag:$0x4], $0x1900, $0x38;
	[tilespmem:$0x1C800] =	vst v63  }
0x9b: {  	s11 =	sadd.s32 $0x0, s9  }
0x9c: {  	[hbm4b:s11+s2] =	stream.linear.scatter [tilespmem:s25], [sflag:$0x4], $0x1900, $0x38;
	[tilespmem:$0x1C800] =	vst v63  }
0x9d: {  	_ =	swait.ge [sflag:s26], $0x1900  }
0x9e: {  	[sflag:s26] =	ssyncset.done $0x0  }
0x9f: {  	[sflag:s26] =	ssyncadd.s32 $0xFFFFE700  }
0xa0: {  	_ =	swait.ge [sflag:s26], $0x1900  }
0xa1: {  	[sflag:s26] =	ssyncset.done $0x0  }
0xa2: {  	[sflag:s26] =	ssyncadd.s32 $0xFFFFE700  }
0xa3: {  	_ =	swait.ge [sflag:s26], $0x1900  }
0xa4: {  	[sflag:s26] =	ssyncset.done $0x0  }
0xa5: {  	[sflag:s26] =	ssyncadd.s32 $0xFFFFE700  }
0xa6: {  	_ =	swait.ge [sflag:s26], $0x1900  }
0xa7: {  	[sflag:s26] =	ssyncset.done $0x0  }
0xa8: {  	s6 =	simm.s32 $0x3A58;
	[sflag:s26] =	ssyncadd.s32 $0xFFFFE700  }
0xa9: {  	[tilespmem:s18], [sflag:$0x1] =	stream.indirect.gather [hbm4b:s3+s16], $0x80, s6, s16, $0xb8;
	[tilespmem:$0x1C800] =	vst v63  }
0xaa: {  	_ =	swait.ge [sflag:s28], $0x6400  }
0xab: {  	[sflag:s28] =	ssyncset.done $0x0  }
0xac: {  	s8 =	sadd.s32 $0xE00, s4;
	s7 =	rddreg [dreg:$0x5];
	[sflag:s28] =	ssyncadd.s32 $0xFFFF9C00  }
0xad: {  	[hbm4b:s8+s2] =	stream.linear.scatter [tilespmem:s20], [sflag:$0x5], $0x1900, $0x38;
	[tilespmem:$0x1C800] =	vst v63  }
0xae: {  	s9 =	rddreg [dreg:$0x4];
	s5 =	sadd.s32 $0x0, s7  }
0xaf: {  	[hbm4b:s5+s2] =	stream.linear.scatter [tilespmem:s29], [sflag:$0x5], $0x1900, $0x38;
	[tilespmem:$0x1C800] =	vst v63  }
0xb0: {  	s10 =	rddreg [dreg:$0x3];
	s11 =	sadd.s32 $0x0, s9  }
0xb1: {  	[hbm4b:s11+s2] =	stream.linear.scatter [tilespmem:s30], [sflag:$0x5], $0x1900, $0x38;
	[tilespmem:$0x1C800] =	vst v63  }
0xb2: {  	s7 =	sadd.s32 $0x0, s10  }
0xb3: {  	[hbm4b:s7+s2] =	stream.linear.scatter [tilespmem:s31], [sflag:$0x5], $0x1900, $0x38;
	[tilespmem:$0x1C800] =	vst v63  }
0xb4: {  	_ =	swait.ge [sflag:s0], $0x1900  }
0xb5: {  	[sflag:s0] =	ssyncset.done $0x0  }
0xb6: {  	[sflag:s0] =	ssyncadd.s32 $0xFFFFE700  }
0xb7: {  	_ =	swait.ge [sflag:s0], $0x1900  }
0xb8: {  	[sflag:s0] =	ssyncset.done $0x0  }
0xb9: {  	[sflag:s0] =	ssyncadd.s32 $0xFFFFE700  }
0xba: {  	_ =	swait.ge [sflag:s0], $0x1900  }
0xbb: {  	[sflag:s0] =	ssyncset.done $0x0  }
0xbc: {  	[sflag:s0] =	ssyncadd.s32 $0xFFFFE700  }
0xbd: {  	_ =	swait.ge [sflag:s0], $0x1900  }
0xbe: {  	[sflag:s0] =	ssyncset.done $0x0  }
0xbf: {  	s8 =	simm.s32 $0x3B20;
	[sflag:s0] =	ssyncadd.s32 $0xFFFFE700  }
0xc0: {  	[tilespmem:s20], [sflag:$0x2] =	stream.indirect.gather [hbm4b:s3+s16], $0x80, s8, s16, $0xb8;
	[tilespmem:$0x1C800] =	vst v63  }
0xc1: {  	_ =	swait.ge [sflag:s1], $0x6400  }
0xc2: {  	s9 =	rddreg [dreg:$0xb]  }
0xc3: {  	s4 =	sadd.s32 $0x1C00, s4;
	s10 =	rddreg [dreg:$0xc]  }
0xc4: {  	s6 =	simm.s32 $0x3BE8;
	[sflag:s1] =	ssyncset.done $0x0;
	s8 =	rddreg [dreg:$0x9]  }
0xc5: {  	s5 =	simm.s32 $0x2A00;
	s7 =	rddreg [dreg:$0xd];
	[sflag:s1] =	ssyncadd.s32 $0xFFFF9C00  }
0xc6: {  	[hbm4b:s4+s2] =	stream.linear.scatter [tilespmem:s21], [sflag:$0x6], $0x1900, $0x38;
	[tilespmem:$0x1C800] =	vst v63  }
0xc7: {  	s11 =	sadd.s32 $0x0, s9;
	s9 =	rddreg [dreg:$0xa];
	s4 =	simm.s32 $0x0  }
0xc8: {  	[hbm4b:s11+s2] =	stream.linear.scatter [tilespmem:s10], [sflag:$0x6], $0x1900, $0x38;
	[tilespmem:$0x1C800] =	vst v63  }
.LBB2_6:
0xc9: {  	s9 =	sadd.s32 s4, s9;
	p1 =	seq.s32 s5, $0x0  }
0xca: {  	[hbm4b:s9+s2] =	stream.linear.scatter [tilespmem:s7], [sflag:$0x6], $0x1900, $0x38;
	[tilespmem:$0x1C800] =	vst v63  }
0xcb: {  	s8 =	sadd.s32 s4, s8;
	s10 =	rddreg [dreg:$0xe];
	s7 =	simm.s32 @!p1 $0x6  }
0xcc: {  	[hbm4b:s8+s2] =	stream.linear.scatter [tilespmem:s10], [sflag:$0x6], $0x1900, $0x38;
	[tilespmem:$0x1C800] =	vst v63  }
0xcd: {  	_ =	swait.ge @!p1 [sflag:s7], $0x1900  }
0xce: {  	[sflag:s7] =	ssyncset.done @!p1 $0x0  }
0xcf: {  	[sflag:s7] =	ssyncadd.s32 @!p1 $0xFFFFE700  }
0xd0: {  	_ =	swait.ge @!p1 [sflag:s7], $0x1900  }
0xd1: {  	[sflag:s7] =	ssyncset.done @!p1 $0x0  }
0xd2: {  	[sflag:s7] =	ssyncadd.s32 @!p1 $0xFFFFE700  }
0xd3: {  	_ =	swait.ge @!p1 [sflag:s7], $0x1900  }
0xd4: {  	[sflag:s7] =	ssyncset.done @!p1 $0x0  }
0xd5: {  	[sflag:s7] =	ssyncadd.s32 @!p1 $0xFFFFE700  }
0xd6: {  	_ =	swait.ge @!p1 [sflag:s7], $0x1900  }
0xd7: {  	[sflag:s7] =	ssyncset.done @!p1 $0x0  }
0xd8: {  	[sflag:s7] =	ssyncadd.s32 @!p1 $0xFFFFE700  }
0xd9: {  	[tilespmem:s21], [sflag:$0x3] =	stream.indirect.gather [hbm4b:s3+s16], $0x80, s6, s16, $0xb8;
	[tilespmem:$0x1C800] =	vst v63  }
0xda: {  	_ =	swait.ge [sflag:s22], $0x6400  }
0xdb: {  	s4 =	smov.u32 s5;
	s8 =	rddreg [dreg:$0x2];
	[sflag:s22] =	ssyncset.done $0x0  }
0xdc: {  	s9 =	rddreg [dreg:$0x8];
	[sflag:s22] =	ssyncadd.s32 $0xFFFF9C00;
	s7 =	sadd.s32 s4, s8  }
0xdd: {  	[hbm4b:s7+s2] =	stream.linear.scatter [tilespmem:s18], [sflag:$0x4], $0x1900, $0x38;
	[tilespmem:$0x1C800] =	vst v63  }
0xde: {  	s10 =	rddreg [dreg:$0x7];
	s8 =	sadd.s32 s4, s9  }
0xdf: {  	[hbm4b:s8+s2] =	stream.linear.scatter [tilespmem:s23], [sflag:$0x4], $0x1900, $0x38;
	[tilespmem:$0x1C800] =	vst v63  }
0xe0: {  	s11 =	rddreg [dreg:$0x6];
	s9 =	sadd.s32 s4, s10  }
0xe1: {  	[hbm4b:s9+s2] =	stream.linear.scatter [tilespmem:s24], [sflag:$0x4], $0x1900, $0x38;
	[tilespmem:$0x1C800] =	vst v63  }
0xe2: {  	s11 =	sadd.s32 s4, s11  }
0xe3: {  	[hbm4b:s11+s2] =	stream.linear.scatter [tilespmem:s25], [sflag:$0x4], $0x1900, $0x38;
	[tilespmem:$0x1C800] =	vst v63  }
0xe4: {  	_ =	swait.ge [sflag:s26], $0x1900  }
0xe5: {  	[sflag:s26] =	ssyncset.done $0x0  }
0xe6: {  	[sflag:s26] =	ssyncadd.s32 $0xFFFFE700  }
0xe7: {  	_ =	swait.ge [sflag:s26], $0x1900  }
0xe8: {  	[sflag:s26] =	ssyncset.done $0x0  }
0xe9: {  	[sflag:s26] =	ssyncadd.s32 $0xFFFFE700  }
0xea: {  	_ =	swait.ge [sflag:s26], $0x1900  }
0xeb: {  	[sflag:s26] =	ssyncset.done $0x0  }
0xec: {  	[sflag:s26] =	ssyncadd.s32 $0xFFFFE700  }
0xed: {  	_ =	swait.ge [sflag:s26], $0x1900  }
0xee: {  	[sflag:s26] =	ssyncset.done $0x0  }
0xef: {  	s9 =	sadd.s32 $0xC8, s6;
	[sflag:s26] =	ssyncadd.s32 $0xFFFFE700  }
0xf0: {  	[tilespmem:s18], [sflag:$0x1] =	stream.indirect.gather [hbm4b:s3+s16], $0x80, s9, s16, $0xb8;
	[tilespmem:$0x1C800] =	vst v63  }
0xf1: {  	_ =	swait.ge [sflag:s28], $0x6400  }
0xf2: {  	[sflag:s28] =	ssyncset.done $0x0  }
0xf3: {  	s10 =	sadd.s32 $0xE00, s7;
	s8 =	rddreg [dreg:$0x5];
	[sflag:s28] =	ssyncadd.s32 $0xFFFF9C00  }
0xf4: {  	[hbm4b:s10+s2] =	stream.linear.scatter [tilespmem:s20], [sflag:$0x5], $0x1900, $0x38;
	[tilespmem:$0x1C800] =	vst v63  }
0xf5: {  	s11 =	rddreg [dreg:$0x4];
	s8 =	sadd.s32 s4, s8  }
0xf6: {  	[hbm4b:s8+s2] =	stream.linear.scatter [tilespmem:s29], [sflag:$0x5], $0x1900, $0x38;
	[tilespmem:$0x1C800] =	vst v63  }
0xf7: {  	s9 =	rddreg [dreg:$0x3];
	s11 =	sadd.s32 s4, s11  }
0xf8: {  	[hbm4b:s11+s2] =	stream.linear.scatter [tilespmem:s30], [sflag:$0x5], $0x1900, $0x38;
	[tilespmem:$0x1C800] =	vst v63  }
0xf9: {  	s10 =	sadd.s32 s4, s9  }
0xfa: {  	[hbm4b:s10+s2] =	stream.linear.scatter [tilespmem:s31], [sflag:$0x5], $0x1900, $0x38;
	[tilespmem:$0x1C800] =	vst v63  }
0xfb: {  	_ =	swait.ge [sflag:s0], $0x1900  }
0xfc: {  	[sflag:s0] =	ssyncset.done $0x0  }
0xfd: {  	[sflag:s0] =	ssyncadd.s32 $0xFFFFE700  }
0xfe: {  	_ =	swait.ge [sflag:s0], $0x1900  }
0xff: {  	[sflag:s0] =	ssyncset.done $0x0  }
0x100: {  	[sflag:s0] =	ssyncadd.s32 $0xFFFFE700  }
0x101: {  	_ =	swait.ge [sflag:s0], $0x1900  }
0x102: {  	[sflag:s0] =	ssyncset.done $0x0  }
0x103: {  	[sflag:s0] =	ssyncadd.s32 $0xFFFFE700  }
0x104: {  	_ =	swait.ge [sflag:s0], $0x1900  }
0x105: {  	[sflag:s0] =	ssyncset.done $0x0  }
0x106: {  	s11 =	sadd.s32 $0x190, s6;
	[sflag:s0] =	ssyncadd.s32 $0xFFFFE700  }
0x107: {  	[tilespmem:s20], [sflag:$0x2] =	stream.indirect.gather [hbm4b:s3+s16], $0x80, s11, s16, $0xb8;
	[tilespmem:$0x1C800] =	vst v63  }
0x108: {  	_ =	swait.ge [sflag:s1], $0x6400  }
0x109: {  	s5 =	sadd.s32 $0x2A00, s5;
	s8 =	rddreg [dreg:$0x9]  }
0x10a: {  	p0 =	sne.s32 s5, $0x6E400;
	s10 =	rddreg [dreg:$0xc]  }
.Ltmp2:
0x10b: {  	[sflag:s1] =	ssyncset.done $0x0;
	s11 =	rddreg [dreg:$0xb];
	(pc) =	sbr.rel @p0 .LBB2_6-.Ltmp2, $4  }
0x10c: {  	s7 =	sadd.s32 $0x1C00, s7;
	s9 =	rddreg [dreg:$0xa];
	[sflag:s1] =	ssyncadd.s32 $0xFFFF9C00  }
0x10d: {  	[hbm4b:s7+s2] =	stream.linear.scatter [tilespmem:s21], [sflag:$0x6], $0x1900, $0x38;
	[tilespmem:$0x1C800] =	vst v63  }
0x10e: {  	s6 =	sadd.s32 $0x258, s6;
	s11 =	sadd.s32 s4, s11;
	s7 =	rddreg [dreg:$0xd]  }
0x10f: {  	[hbm4b:s11+s2] =	stream.linear.scatter [tilespmem:s10], [sflag:$0x6], $0x1900, $0x38;
	[tilespmem:$0x1C800] =	vst v63  }
0x110: {  	s5 =	sadd.s32 s4, s9  }
0x111: {  	[hbm4b:s5+s2] =	stream.linear.scatter [tilespmem:s7], [sflag:$0x6], $0x1900, $0x38;
	[tilespmem:$0x1C800] =	vst v63  }
0x112: {  	s6 =	rddreg [dreg:$0xe];
	s5 =	sadd.s32 s4, s8  }
0x113: {  	[hbm4b:s5+s2] =	stream.linear.scatter [tilespmem:s6], [sflag:$0x6], $0x1900, $0x38;
	[tilespmem:$0x1C800] =	vst v63  }
0x114: {  	_ =	swait.ge [sflag:s22], $0x6400  }
0x115: {  	[sflag:s22] =	ssyncset.done $0x0  }
0x116: {  	s6 =	rddreg [dreg:$0x11];
	[sflag:s22] =	ssyncadd.s32 $0xFFFF9C00  }
0x117: {  	[hbm4b:s6+s2] =	stream.linear.scatter [tilespmem:s18], [sflag:$0x4], $0x1900, $0x38;
	[tilespmem:$0x1C800] =	vst v63  }
0x118: {  	s7 =	rddreg [dreg:$0x12]  }
0x119: {  	[hbm4b:s7+s2] =	stream.linear.scatter [tilespmem:s23], [sflag:$0x4], $0x1900, $0x38;
	[tilespmem:$0x1C800] =	vst v63  }
0x11a: {  	s8 =	rddreg [dreg:$0x13]  }
0x11b: {  	[hbm4b:s8+s2] =	stream.linear.scatter [tilespmem:s24], [sflag:$0x4], $0x1900, $0x38;
	[tilespmem:$0x1C800] =	vst v63  }
0x11c: {  	s9 =	rddreg [dreg:$0x14]  }
0x11d: {  	[hbm4b:s9+s2] =	stream.linear.scatter [tilespmem:s25], [sflag:$0x4], $0x1900, $0x38;
	[tilespmem:$0x1C800] =	vst v63  }
0x11e: {  	_ =	swait.ge [sflag:s28], $0x6400  }
0x11f: {  	[sflag:s28] =	ssyncset.done $0x0  }
0x120: {  	s10 =	rddreg [dreg:$0x15];
	[sflag:s28] =	ssyncadd.s32 $0xFFFF9C00  }
0x121: {  	[hbm4b:s10+s2] =	stream.linear.scatter [tilespmem:s20], [sflag:$0x5], $0x1900, $0x38;
	[tilespmem:$0x1C800] =	vst v63  }
0x122: {  	s11 =	rddreg [dreg:$0x16]  }
0x123: {  	[hbm4b:s11+s2] =	stream.linear.scatter [tilespmem:s29], [sflag:$0x5], $0x1900, $0x38;
	[tilespmem:$0x1C800] =	vst v63  }
0x124: {  	_ = 	snop  }
0x125: {  	[hbm4b:s12+s2] =	stream.linear.scatter [tilespmem:s30], [sflag:$0x5], $0x1900, $0x38;
	[tilespmem:$0x1C800] =	vst v63  }
0x126: {  	_ = 	snop  }
0x127: {  	[hbm4b:s13+s2] =	stream.linear.scatter [tilespmem:s31], [sflag:$0x5], $0x1900, $0x38;
	[tilespmem:$0x1C800] =	vst v63  }
0x128: {  	_ =	swait.ge [sflag:s17], $0x1900  }
0x129: {  	[sflag:s17] =	ssyncset.done $0x0  }
0x12a: {  	[sflag:s17] =	ssyncadd.s32 $0xFFFFE700  }
0x12b: {  	_ =	swait.ge [sflag:s17], $0x1900  }
0x12c: {  	[sflag:s17] =	ssyncset.done $0x0  }
0x12d: {  	[sflag:s17] =	ssyncadd.s32 $0xFFFFE700  }
0x12e: {  	_ =	swait.ge [sflag:s17], $0x1900  }
0x12f: {  	[sflag:s17] =	ssyncset.done $0x0  }
0x130: {  	[sflag:s17] =	ssyncadd.s32 $0xFFFFE700  }
0x131: {  	_ =	swait.ge [sflag:s17], $0x1900  }
0x132: {  	[sflag:s17] =	ssyncset.done $0x0  }
0x133: {  	[sflag:s17] =	ssyncadd.s32 $0xFFFFE700  }
0x134: {  	_ =	swait.ge [sflag:s26], $0x1900  }
0x135: {  	[sflag:s26] =	ssyncset.done $0x0  }
0x136: {  	[sflag:s26] =	ssyncadd.s32 $0xFFFFE700  }
0x137: {  	_ =	swait.ge [sflag:s26], $0x1900  }
0x138: {  	[sflag:s26] =	ssyncset.done $0x0  }
0x139: {  	[sflag:s26] =	ssyncadd.s32 $0xFFFFE700  }
0x13a: {  	_ =	swait.ge [sflag:s26], $0x1900  }
0x13b: {  	[sflag:s26] =	ssyncset.done $0x0  }
0x13c: {  	[sflag:s26] =	ssyncadd.s32 $0xFFFFE700  }
0x13d: {  	_ =	swait.ge [sflag:s26], $0x1900  }
0x13e: {  	[sflag:s26] =	ssyncset.done $0x0  }
0x13f: {  	[sflag:s26] =	ssyncadd.s32 $0xFFFFE700  }
0x140: {  	_ =	swait.ge [sflag:s0], $0x1900  }
0x141: {  	[sflag:s0] =	ssyncset.done $0x0  }
0x142: {  	[sflag:s0] =	ssyncadd.s32 $0xFFFFE700  }
0x143: {  	_ =	swait.ge [sflag:s0], $0x1900  }
0x144: {  	[sflag:s0] =	ssyncset.done $0x0  }
0x145: {  	s19 =	sadd.s32 $0x1, s19;
	[sflag:s0] =	ssyncadd.s32 $0xFFFFE700  }
0x146: {  	p0 =	sne.s32 s19, s14;
	_ =	swait.ge [sflag:s0], $0x1900  }
.Ltmp3:
0x147: {  	[sflag:s0] =	ssyncset.done $0x0;
	(pc) =	sbr.rel @p0 .LBB2_1-.Ltmp3, $4  }
0x148: {  	[sflag:s0] =	ssyncadd.s32 $0xFFFFE700  }
0x149: {  	_ =	swait.ge [sflag:s0], $0x1900  }
0x14a: {  	[sflag:s0] =	ssyncset.done $0x0  }
0x14b: {  	[sflag:s0] =	ssyncadd.s32 $0xFFFFE700  }
0x14c: {  	_ =	sfence.sel $0x180000  }
0x14d: {  	[bflag:$0x0] =	sbarrier.arrive $0xFFFF  }
0x14e: {  	_ =	strace $0x90000047  }
0x14f: {  	s0 =	stileid.u32;
	[bflag:$0x2] =	sbarrier.arrive $0xFFFF  }
0x150: {  	p0 =	sne.s32 s0, $0x0;
	s0 =	rddreg [dreg:$0x1]  }
0x151: {  	s0 =	sadd.s32 @!p0 $0x100000, s0  }
0x152: {  	[sflag:s0] =	ssyncadd.tile.s32 @!p0 $0x1;
	_ =	shalt  }
.Lfunc_end2:
_tile_overlayer_lowered:
.L_overlay_start_2:
0x153: {  	(tag) =	ssettag $0x2  }
0x154: {  	s0 =	rddreg [dreg:$0x0];
	s2 =	stileid.u32  }
0x155: {  	s1 =	rddreg [dreg:$0x1];
	p0 =	sne.s32 s2, $0x0  }
0x156: {  	s3 =	rddreg [dreg:$0x2];
	[bflag:$0x3] =	sbarrier.arrive $0xFFFF;
	s2 =	simm.s32 @!p0 $0x1C07  }
0x157: {  	[timem:s3], [sflag:s2] =	dma.local @!p0 [hbm:s0], s1  }
0x158: {  	s0 =	simm.s32 @!p0 $0x7  }
0x159: {  	_ =	swait.ge @!p0 [sflag:s0], s1  }
0x15a: {  	s1 =	ssub.s32 @!p0 $0x0, s1;
	[sflag:s0] =	ssyncset.done @!p0 $0x0  }
0x15b: {  	[sflag:s0] =	ssyncadd.s32 @!p0 s1  }
0x15c: {  	[bflag:$0x3] =	sbarrier.arrive $0xFFFF  }
0x15d: {  	_ =	shalt  }

// kernel: sparse-core-data-format-call.cloned.1.call-start
scs
called_computation_lowered:
.L_overlay_start_0:
0x0: {  	s2 =	sld [smem:$0x3FD9]  }
0x1: {  	s3 =	sld [smem:$0x3FFE];
	_ =	sdelay $0x1  }
0x2: {  	s1 =	srdreg.scid  }
0x3: {  	s0 =	sand.u32 $0x1, s1  }
0x4: {  	s18 =	sshll.u32 s0, $0xA;
	s2 =	sadd.s32 s3, s2  }
0x5: {  	s2 =	sadd.s32 s2, s18  }
0x6: {  	[smem:$0x3FC6] =	sst s2  }
0x7: {  	_ = 	snop  }
0x8: {  	s2 =	sld [smem:$0x3FD0];
	(tm) =	ssettm $0x1  }
0x9: {  	s19 =	sld [smem:$0x3FFB];
	_ =	sdelay $0x3  }
0xa: {  	_ =	strace s19  }
0xb: {  	s3 =	sld [smem:$0x3FFC];
	_ =	sdelay $0x3  }
0xc: {  	_ =	strace s3  }
0xd: {  	s3 =	sld [smem:$0x3FFD];
	_ =	sdelay $0x3  }
0xe: {  	_ =	strace s3  }
0xf: {  	_ =	strace $0x8FFFFFFF  }
0x10: {  	s20 =	sld [smem:$0x3FDB];
	_ =	sdelay $0x1  }
0x11: {  	s4 =	simm.s32 $_scs_section_size  }
0x12: {  	s5 =	simm.s32 $_size__tile_overlayer_lowered;
	s6 =	simm.s32 $_tile_overlayer_lowered  }
0x13: {  	s23 =	simm.s32 $0x1BFF;
	s22 =	sshll.u32 s6, $0x1;
	s3 =	sadd.s32 s4, s20  }
0x14: {  	s7 =	simm.s32 $0x0;
	s21 =	sshll.u32 s5, $0x1;
	s5 =	sadd.s32 s22, s3  }
0x15: {  	[timem:s7], [sflag:s23] =	dma.local [hbm:s5], s21  }
0x16: {  	_ =	swait.ge [sflag:s23], s21  }
0x17: {  	s4 =	ssub.s32 $0x0, s21;
	[sflag:s23] =	ssyncset.done $0x0  }
0x18: {  	[sflag:s23] =	ssyncadd.s32 s4;
	_ =	sdelay $0x1  }
0x19: {  	s24 =	simm.s32 $0x1B8B  }
0x1a: {  	_ =	swait.ge [sflag:s24], $0x1  }
0x1b: {  	[sflag:s24] =	ssyncset.done $0x0  }
0x1c: {  	s26 =	simm.s32 $0x1B8E;
	s25 =	sld [smem:$0x3FFE];
	[sflag:s24] =	ssyncadd.s32 $0xFFFFFFFF  }
0x1d: {  	s27 =	simm.s32 $execute0_lowered;
	[smem:$0x3FD2] =	sst s26  }
0x1e: {  	s5 =	sshll.u32 s27, $0x1;
	_ =	strace $0x80000049;
	[dreg:$0x1] =	wrdreg $0xFFFFFFFF  }
0x1f: {  	s28 =	simm.s32 $_size_execute0_lowered;
	s3 =	sadd.s32 s3, s5;
	[dreg:$0x0] =	wrdreg $0x0  }
0x20: {  	s5 =	sshll.u32 s28, $0x1;
	[dreg:$0x2] =	wrdreg s3  }
0x21: {  	[dreg:$0x3] =	wrdreg s5  }
0x22: {  	[dreg:$0x4] =	wrdreg $0xC0  }
0x23: {  	_ =	task [dreg:s7], $0x5FFFF  }
0x24: {  	[dreg:$0x1] =	wrdreg $0xFFFFFFFF  }
0x25: {  	[dreg:$0x0] =	wrdreg $0x60  }
0x26: {  	[dreg:$0x2] =	wrdreg s25  }
0x27: {  	[dreg:$0x3] =	wrdreg s2  }
0x28: {  	[dreg:$0x4] =	wrdreg $0x9  }
0x29: {  	_ =	task.clear_ibuf [dreg:s7], $0x5FFFF;
	_ =	strace $0x90000049  }
0x2a: {  	s29 =	simm.s32 $0x9;
	_ =	strace $0x8000004B  }
0x2b: {  	_ =	swait.ge [sflag:s29], $0x1  }
0x2c: {  	[sflag:s29] =	ssyncadd.s32 $0xFFFFFFFF  }
0x2d: {  	_ =	strace $0x9000004B  }
0x2e: {  	_ =	sfence  }
0x2f: {  	s30 =	sld [smem:$0x0];
	_ =	sdelay $0x2  }
0x30: {  	s31 =	sshll.u32 s1, $0xD;
	s1 =	sshrl.u32 s1, $0x2  }
0x31: {  	s3 =	sand.u32 $0x4000, s31;
	s1 =	sadd.s32 s1, s30  }
0x32: {  	s0 =	sor.u32 s3, s0;
	s1 =	sshll.u32 s1, $0x11  }
0x33: {  	s0 =	sor.u32 s1, s0  }
0x34: {  	s0 =	sadd.s32 $0x8F2B, s0  }
0x35: {  	[sflag:s0] =	ssyncadd.remote.s32 $0x1  }
0x36: {  	_ =	sfence.sel $0xFFFF  }
0x37: {  	[dreg:$0x0] =	wrdreg $0xFFFFFFFF;
	(pc) =	sbr.abs _section_cstart, $3  }
0x38: {  	[dreg:$0x1] =	wrdreg $0xFFFFFFFF  }
0x39: {  	_ =	task.clear_ibuf [dreg:s7], $0x2FFFF;
	_ =	strace $0x9FFFFFFF  }
0x3a: {  	(tm) =	ssettm $0x7FFFFFFF  }
0x3b: {  	_ =	shalt  }
tec
execute0_lowered:
.L_overlay_start_1:
0x0: {  	(tag) =	ssettag $0x1  }
0x1: {  	s0 =	srdreg.scid  }
0x2: {  	s1 =	sshll.u32 s0, $0x4  }
0x3: {  	s6 =	rddreg [dreg:$0x0];
	s0 =	stileid.u32;
	s1 =	sand.u32 $0x10, s1  }
0x4: {  	s3 =	rddreg [dreg:$0x1];
	s1 =	sor.u32 s0, s1  }
0x5: {  	s5 =	simm.s32 $0x1;
	s31 =	simm.s32 $0x2;
	s2 =	sshll.u32 s1, $0x7  }
0x6: {  	s15 =	simm.s32 $0x0;
	s8 =	simm.s32 $0x20000;
	s4 =	ssub.s32 $0x4000, s2  }
0x7: {  	s14 =	simm.s32 $0x0;
	s9 =	simm.s32 $0x0;
	s30 =	sand.u32 $0xF80, s4  }
0x8: {  	s10 =	simm.s32 $0x0;
	s11 =	simm.s32 $0x0;
	p0 =	sne.s32 s30, $0x0  }
.Ltmp0:
0x9: {  	s7 =	sshrl.u32 s4, $0xC;
	s5 =	simm.s32 @!p0 $0x0;
	(pc) =	sbr.rel .LBB1_1-.Ltmp0, $4  }
0xa: {  	s13 =	simm.s32 $0x0;
	s1 =	rddreg [dreg:$0x2];
	s5 =	sadd.s32 s5, s7  }
0xb: {  	_ =	strace $0x8000004A;
	s4 =	simm.s32 $0x1;
	s5 =	smul.u32 $0x32, s5  }
0xc: {  	s6 =	sadd.s32 $0x1A3200, s6;
	s12 =	smov.u32 s2;
	[sflag:s4] =	ssyncpa.u1 $0x0  }
0xd: {  	[sflag:s31] =	ssyncpa.u1 $0x0;
	p0 =	por $0x0, $0x0;
	s7 =	sor.u32 $0x1, s5  }
.LBB1_4:
0xe: {  	s18 =	sshll.u32 s10, $0x3  }
0xf: {  	p1 =	sgt.s32 s9, $0x31;
	s19 =	smov.u32 s9;
	s21 =	sshra.s32 s9, $0x1F  }
0x10: {  	s22 =	smov.u32 s10;
	s23 =	sshra.s32 s10, $0x1F;
	s25 =	sand.u32 $0x78, s10  }
0x11: {  	s27 =	smul.u32 $0x1C000, s9;
	s28 =	sand.u32 $0x7, s10;
	s20 =	sshrl.u32 s18, $0xE  }
0x12: {  	s19 =	simm.s32 @!p1 $0x31;
	s21 =	sand.u32 s21, s9;
	p1 =	sgt.s32 s10, $0x3F80  }
0x13: {  	s30 =	sand.u32 s23, s10;
	s18 =	sand.u32 $0x3C00, s18;
	s19 =	ssub.s32 s19, s21  }
0x14: {  	s22 =	simm.s32 @!p1 $0x3F80;
	s31 =	smulhi.u32 $0x4924925, s20;
	s24 =	ssub.s32 $0x32, s19  }
0x15: {  	s21 =	ssub.s32 s22, s30;
	s19 =	sadd.s32 $0xFFFFFFCF, s19;
	s24 =	smul.u32 $0x38, s24  }
0x16: {  	s23 =	smul.u32 $0x38, s31;
	p1 =	sgt.s32 s19, $0x0;
	s26 =	sadd.s32 $0xFFFFC080, s21  }
0x17: {  	s19 =	ssub.s32 $0x4000, s21;
	s24 =	simm.s32 @p1 $0x0;
	p1 =	sgt.s32 s26, $0x7F  }
0x18: {  	s18 =	sor.u32 s25, s18;
	s20 =	ssub.s32 s20, s23;
	s19 =	simm.s32 @p1 $0x0  }
0x19: {  	[tilespmem:s17+$0x810 ss:$0x81] =	vst.msk $0xffff, v2;
	s21 =	sadd.s32 s3, s27;
	s20 =	sshll.u32 s20, $0xB;
	s19 =	smul.u32 s19, s24  }
0x1a: {  	[tilespmem:s17+$0x1020 ss:$0x81] =	vst.msk $0xffff, v0;
	s29 =	sshll.u32 s28, $0x12;
	s18 =	sshrl.u32 s18, $0x3;
	s20 =	sadd.s32 s20, s21  }
0x1b: {  	[tilespmem:s17+$0x0 ss:$0x81] =	vst.msk $0xffff, v1;
	s31 =	sor.u32 $0x400, s29;
	s18 =	sadd.s32 s18, s20;
	s30 =	sand.u32 $0x3FFFFFF8, s19  }
0x1c: {  	[hbm4b:s18+s31] =	stream.strided.scatter [tilespmem:s16], [sflag:$0x2], s30, s8, s31, $0x20;
	[tilespmem:$0x8080] =	vst v63  }
.LBB1_5:
0x1d: {  	p1 =	slt.u32 s13, $0x2  }
0x1e: {  	s17 =	smov.u32 s15;
	p2 =	sgt.s32 @!p1 s15, $0x31;
	s16 =	sshra.s32 @!p1 s15, $0x1F  }
0x1f: {  	p3 =	sgt.s32 @!p1 s14, $0x3F80;
	s18 =	sshra.s32 @!p1 s14, $0x1F;
	p2 =	por !p2, p1  }
0x20: {  	s15 =	sand.u32 @!p1 s16, s15;
	p3 =	por !p3, p1;
	s16 =	smov.u32 s14  }
0x21: {  	s14 =	sand.u32 @!p1 s18, s14;
	s17 =	simm.s32 @p2 $0x31;
	s16 =	simm.s32 @p3 $0x3F80  }
0x22: {  	s18 =	smov.u32 s12;
	s15 =	ssub.s32 @!p1 s17, s15;
	s14 =	ssub.s32 @!p1 s16, s14  }
0x23: {  	s16 =	sadd.s32 @!p1 $0xFFFFFFCF, s15;
	s15 =	ssub.s32 @!p1 $0x32, s15;
	s17 =	sadd.s32 @!p1 $0xFFFFC080, s14  }
0x24: {  	p2 =	sgt.s32 @!p1 s16, $0x0;
	s15 =	smul.u32 @!p1 $0x38, s15;
	p3 =	sgt.s32 @!p1 s17, $0x7F  }
0x25: {  	s14 =	ssub.s32 @!p1 $0x4000, s14;
	p2 =	por !p2, p1;
	p3 =	por !p3, p1  }
0x26: {  	s16 =	sadd.s32 $0x1, s11;
	s15 =	simm.s32 @!p2 $0x0;
	s14 =	simm.s32 @!p3 $0x0  }
0x27: {  	p2 =	sgt.s32 s16, $0x31;
	s14 =	smul.u32 @!p1 s14, s15;
	s15 =	sadd.s32 $0x1000, s12  }
0x28: {  	s18 =	smov.u32 @p2 s15  }
0x29: {  	s16 =	simm.s32 @p2 $0x0;
	p2 =	sgt.s32 s18, $0x3FFF  }
0x2a: {  	s18 =	smov.u32 @p2 s2;
	p2 =	sne.s32 s13, s7  }
.Ltmp1:
0x2b: {  	p0 =	por !p0, !p0;
	s17 =	simm.s32 @!p1 $0x2;
	(pc) =	sbr.rel @!p2 .LBB1_6-.Ltmp1, $4  }
0x2c: {  	s15 =	smov.u32 s9;
	s9 =	smov.u32 s11;
	s14 =	sand.u32 @!p1 $0x3FFFFFF8, s14  }
0x2d: {  	s11 =	smov.u32 s16;
	_ =	swait.ge @!p1 [sflag:s17], s14;
	s19 =	ssub.s32 @!p1 $0x0, s14  }
0x2e: {  	s14 =	smov.u32 s10;
	s13 =	sadd.s32 $0x1, s13;
	[sflag:s17] =	ssyncset.done @!p1 $0x0  }
0x2f: {  	s10 =	smov.u32 s12;
	s12 =	smov.u32 s18;
	[sflag:s17] =	ssyncadd.s32 @!p1 s19  }
.LBB1_1:
0x30: {  	p1 =	sge.u32 s13, s5  }
0x31: {  	s16 =	sand.u32 @!p1 $0x1FFFFFF, s11  }
0x32: {  	s17 =	smulhi.u32 @!p1 $0x4924925, s16;
	_ =	sdelay $0x1  }
0x33: {  	s17 =	smul.u32 @!p1 $0x38, s17  }
0x34: {  	s18 =	sxor.u32 @!p1 $0xFFFFFFFF, s13;
	s19 =	smul.u32 @!p1 $0x380, s12  }
0x35: {  	s31 =	sadd.s32 $0xFFFFFFFF, s13;
	s18 =	sshll.u32 @!p1 s18, $0xD;
	s16 =	ssub.s32 @!p1 s16, s17  }
0x36: {  	s17 =	sand.u32 @!p1 $0x2000, s18;
	s18 =	sadd.s32 @!p1 s6, s19;
	s16 =	sshll.u32 @!p1 s16, $0x4  }
0x37: {  	s19 =	simm.s32 @!p1 $0x1C00;
	s16 =	sadd.s32 @!p1 s16, s18;
	s18 =	simm.s32 @!p1 $0x40  }
0x38: {  	[tilespmem:s17], [sflag:$0x1] =	stream.strided.gather @!p1 [hbm4b:s16+s18], $0x2000, s19, s18, $0x38;
	[tilespmem:$0x8080] =	vst v63  }
0x39: {  	p1 =	sge.u32 s31, s5  }
.Ltmp2:
0x3a: {  	_ = 	snop;
	(pc) =	sbr.rel @p1 .LBB1_5-.Ltmp2, $1  }
0x3b: {  	_ =	sdelay $0x3  }
0x3c: {  	s16 =	simm.s32 $0x1  }
0x3d: {  	_ =	swait.ge [sflag:s4], $0x2000;
	s16 =	simm.s32 @!p0 $0x0  }
0x3e: {  	[sflag:s4] =	ssyncset.done $0x0;
	s17 =	sshll.u32 s16, $0xD  }
0x3f: {  	[sflag:s4] =	ssyncadd.s32 $0xFFFFE000;
	s20 =	sor.u32 $0x20, s17  }
0x40: {  	s16 =	smul.u32 $0x8100, s16;
	v3 =	vld [tilespmem:s20+$0x10]  }
0x41: {  	s30 =	sand.u32 $0x1, s13;
	v2 =	vld [tilespmem:s20+$0xFFFFFFF0]  }
0x42: {  	s17 =	smul.u32 $0x8100, s30;
	s16 =	sshrl.u32 s16, $0x2;
	v0 =	vld [tilespmem:s20+$0x0]  }
0x43: {  	v1 =	vld [tilespmem:s20+$0xFFFFFFE0];
	s18 =	sor.u32 $0x4000, s16  }
0x44: {  	s31 =	sshrl.u32 s17, $0x2;
	s17 =	sadd.s32 $0x0, s18  }
0x45: {  	s19 =	simm.s32 $0x4;
	s20 =	sadd.s32 $0x40, s20;
	s16 =	sor.u32 $0x4000, s31;
	[tilespmem:s17+$0x1830 ss:$0x81] =	vst.msk $0xffff, v3  }
.LBB1_3:
0x46: {  	v3 =	vld [tilespmem:s20+$0x10];
	p1 =	sne.s32 s19, $0x1FC;
	[tilespmem:s17+$0x810 ss:$0x81] =	vst.msk $0xffff, v2;
	s21 =	smov.u32 s19;
	s19 =	sadd.s32 $0x4, s19  }
.Ltmp3:
0x47: {  	v2 =	vld [tilespmem:s20+$0xFFFFFFF0];
	[tilespmem:s17+$0x1020 ss:$0x81] =	vst.msk $0xffff, v0;
	(pc) =	sbr.rel @p1 .LBB1_3-.Ltmp3, $4  }
0x48: {  	v0 =	vld [tilespmem:s20+$0x0];
	[tilespmem:s17+$0x0 ss:$0x81] =	vst.msk $0xffff, v1  }
0x49: {  	s17 =	sshra.s32 s21, $0x2;
	v1 =	vld [tilespmem:s20+$0xFFFFFFE0]  }
0x4a: {  	s17 =	sadd.s32 s17, s18  }
0x4b: {  	s20 =	sadd.s32 $0x40, s20;
	[tilespmem:s17+$0x1830 ss:$0x81] =	vst.msk $0xffff, v3  }
.Ltmp4:
0x4c: {  	_ = 	snop;
	(pc) =	sbr.rel .LBB1_4-.Ltmp4, $1  }
0x4d: {  	_ =	sdelay $0x3  }
.LBB1_6:
0x4e: {  	_ =	sfence.sel $0x180000  }
0x4f: {  	s2 =	simm.s32 $0x1;
	[bflag:$0x0] =	sbarrier.arrive $0xFFFF  }
0x50: {  	s31 =	simm.s32 $0x2;
	[sflag:s2] =	ssyncpa.u1 $0x1  }
0x51: {  	[sflag:s31] =	ssyncpa.u1 $0x1  }
0x52: {  	p0 =	sne.s32 s0, $0x0;
	_ =	strace $0x9000004A  }
0x53: {  	s0 =	sadd.s32 @!p0 $0x100000, s1;
	[bflag:$0x2] =	sbarrier.arrive $0xFFFF  }
0x54: {  	[sflag:s0] =	ssyncadd.tile.s32 @!p0 $0x1;
	_ =	shalt  }
.Lfunc_end1:
_tile_overlayer_lowered:
.L_overlay_start_2:
0x55: {  	(tag) =	ssettag $0x2  }
0x56: {  	s0 =	rddreg [dreg:$0x0];
	s2 =	stileid.u32  }
0x57: {  	s1 =	rddreg [dreg:$0x1];
	p0 =	sne.s32 s2, $0x0  }
0x58: {  	s3 =	rddreg [dreg:$0x2];
	[bflag:$0x3] =	sbarrier.arrive $0xFFFF;
	s2 =	simm.s32 @!p0 $0x1C01  }
0x59: {  	[timem:s3], [sflag:s2] =	dma.local @!p0 [hbm:s0], s1  }
0x5a: {  	s0 =	simm.s32 @!p0 $0x1  }
0x5b: {  	_ =	swait.ge @!p0 [sflag:s0], s1  }
0x5c: {  	s1 =	ssub.s32 @!p0 $0x0, s1;
	[sflag:s0] =	ssyncset.done @!p0 $0x0  }
0x5d: {  	[sflag:s0] =	ssyncadd.s32 @!p0 s1  }
0x5e: {  	[bflag:$0x3] =	sbarrier.arrive $0xFFFF  }
0x5f: {  	_ =	shalt  }

</sc_bundles>
